<compile_context>
chip_gen: v7x
topology: tpu7x:2x2x1
jax: 0.10.2.dev20260603
libtpu: 0.0.44.dev20260713+nightly
codegen_flags: <defaults>
</compile_context>

<pallas_src>
import jax
import jax.numpy as jnp
from jax import lax
from jax.experimental import pallas as pl
from jax.experimental.pallas import tpu as pltpu
from jax.experimental.pallas import tpu_sc as plsc

NC = 2
NS = 16
NW = NC * NS
CH = 128


def _elu01(t):
    return jnp.where(t > 0, t, 0.1 * (jnp.exp(t) - 1.0))


def _make_sc_agg(n, n_acc, epad, feat, t0, t1):
    assert NS * (t0 + t1) * CH == epad
    assert t0 % 4 == 0 and t1 % 4 == 0
    assert t0 >= 8 and (t1 == 0 or t1 >= 8)
    nco = NC if t1 else 1
    rpt = (n // NS) // 8 * 8
    rtail = n - NS * rpt
    zch = n_acc // (NS * CH)

    out_type = [jax.ShapeDtypeStruct((nco, n, feat), jnp.float32)]
    scratch = [
        pltpu.VMEM_SHARED((n_acc, feat), jnp.float32),
        pltpu.VMEM((4, 2, CH), jnp.int32),
        pltpu.VMEM((CH, feat), jnp.float32),
        pltpu.VMEM((CH, feat), jnp.float32),
        pltpu.SemaphoreType.DMA,
        pltpu.SemaphoreType.DMA,
        pltpu.SemaphoreType.DMA,
        pltpu.SemaphoreType.DMA,
        pltpu.SemaphoreType.DMA,
        pltpu.SemaphoreType.DMA,
        pltpu.SemaphoreType.DMA,
        pltpu.SemaphoreType.DMA,
    ]

    zoff = list(range(0, feat - 15, 16))
    if feat % 16:
        zoff.append(feat - 16)

    def body(x_hbm, eidx_hbm, out_hbm, acc, idx, rowsA, rowsB,
             gA, gB, sA, sB, i0, i1, i2, i3):
        isems = (i0, i1, i2, i3)
        c = lax.axis_index("c")
        s = lax.axis_index("s")

        def whole():
            cpw = jnp.where(c == 0, t0, t1) if t1 else t0
            base = (jnp.where(c == 0, s * t0, NS * t0 + s * t1)
                    if t1 else s * t0)

            pltpu.sync_copy(eidx_hbm.at[base], idx.at[0])
            pltpu.sync_copy(eidx_hbm.at[base + 1], idx.at[1])
            pltpu.async_copy(eidx_hbm.at[base + 2], idx.at[2], i2)
            pltpu.async_copy(eidx_hbm.at[base + 3], idx.at[3], i3)

            pltpu.async_copy(x_hbm.at[idx.at[1, 0]], rowsB, gB)

            z16 = jnp.zeros((16,), jnp.float32)

            @pl.loop(0, CH)
            def _(r):
                for j in zoff:
                    rowsA[r, pl.ds(j, 16)] = z16

            zbase = s * (zch * CH)

            @pl.loop(0, zch)
            def _(z):
                pltpu.async_copy(rowsA, acc.at[pl.ds(zbase + z * CH, CH)], sA)

            @pl.loop(0, zch)
            def _(z):
                pltpu.make_async_copy(rowsA, acc.at[pl.ds(zbase, CH)],
                                      sA).wait()

            pltpu.async_copy(x_hbm.at[idx.at[0, 0]], rowsA, gA)

            plsc.subcore_barrier()

            @pl.loop(0, cpw, step=4)
            def _(k):
                for st in range(4):
                    kk = k + st
                    rows, gsem, ssem = ((rowsA, gA, sA) if st % 2 == 0
                                        else (rowsB, gB, sB))
                    pltpu.make_async_copy(
                        x_hbm.at[idx.at[st, 0]], rows, gsem).wait()
                    pltpu.async_copy(rows, acc.at[idx.at[st, 1]], ssem,
                                     add=True)

                    @pl.when(kk + 2 < cpw)
                    def _():
                        pltpu.make_async_copy(
                            rows, acc.at[idx.at[st, 1]], ssem).wait()

                        @pl.when(kk + 4 < cpw)
                        def _():
                            pltpu.async_copy(eidx_hbm.at[base + kk + 4],
                                             idx.at[st], isems[st])
                        pltpu.make_async_copy(
                            eidx_hbm.at[base + kk + 2],
                            idx.at[(st + 2) % 4], isems[(st + 2) % 4]).wait()
                        pltpu.async_copy(
                            x_hbm.at[idx.at[(st + 2) % 4, 0]], rows, gsem)

            pltpu.make_async_copy(rowsA, acc.at[idx.at[2, 1]], sA).wait()
            pltpu.make_async_copy(rowsB, acc.at[idx.at[3, 1]], sB).wait()

            plsc.subcore_barrier()

            rb = s * rpt
            pltpu.sync_copy(acc.at[pl.ds(rb, rpt)],
                            out_hbm.at[c, pl.ds(rb, rpt)])
            if rtail:
                @pl.when(s == NS - 1)
                def _():
                    tb = NS * rpt
                    pltpu.sync_copy(acc.at[pl.ds(tb, rtail)],
                                    out_hbm.at[c, pl.ds(tb, rtail)])

        if t1 == 0:
            pl.when(c == 0)(whole)
        else:
            whole()

    return pl.kernel(
        body,
        out_type=out_type,
        mesh=plsc.VectorSubcoreMesh(core_axis_name="c", subcore_axis_name="s"),
        scratch_types=scratch,
        compiler_params=pltpu.CompilerParams(use_tc_tiling_on_sc=False),
    )


R = 1000


def _tc_recover_body(x, We, be, Wd, bd, xr, xe):
    xv = x[...]
    xc = jnp.dot(xv, We[...], preferred_element_type=jnp.float32)
    xc = xc + be[...][None, :]
    xr[...] = jnp.dot(xc, Wd[...], preferred_element_type=jnp.float32) \
        + bd[...][None, :]
    xe[:, :128] = xv
    xe[:, 128:] = jnp.ones((xv.shape[0], 8), jnp.float32)


def _tc_mid_body(p, We, W1, W2, b1, b2, be, W3a, W3b, out):
    aggw = p[0] + p[1]
    agg = aggw[:, :128]
    deg = aggw[:, 128:129]
    m1 = jnp.dot(We[...], W1[...], preferred_element_type=jnp.float32)
    v1 = jnp.dot(be[...][None, :], W1[...], preferred_element_type=jnp.float32)
    h2 = jnp.dot(agg, W2[...], preferred_element_type=jnp.float32) \
        + b2[...][None, :]
    h1 = jnp.dot(agg, m1, preferred_element_type=jnp.float32) \
        + deg * v1 + b1[...][None, :]
    out[...] = jnp.dot(_elu01(h2), W3a[...], preferred_element_type=jnp.float32) \
        + jnp.dot(_elu01(h1), W3b[...], preferred_element_type=jnp.float32)


def _tc_softmax_body(q, b3, out):
    x3 = q[0] + q[1] + b3[...][None, :]
    m = jnp.max(x3, axis=1, keepdims=True)
    e = x3 - m
    lse = jnp.log(jnp.sum(jnp.exp(e), axis=1, keepdims=True))
    out[...] = e - lse


def _row_spec(f):
    return pl.BlockSpec((R, f), lambda i: (i, 0))


def _part_spec(f):
    return pl.BlockSpec((NC, R, f), lambda i: (0, i, 0))


def _full_spec(shape):
    nd = len(shape)
    return pl.BlockSpec(shape, (lambda i: (0,) * nd))


def kernel(x_in, edge_index, We, be, Wd, bd, W1, b1, W2, b2, W3, b3):
    n, nfeat = x_in.shape
    e = edge_index.shape[1]
    assert n % NS == 0
    src = edge_index[0]
    dst = edge_index[1]
    epad = -(-e // (NW * CH * 4)) * (NW * CH * 4)
    if epad != e:
        pad = epad - e
        src = jnp.concatenate([src, jnp.zeros((pad,), jnp.int32)])
        dst = jnp.concatenate([dst, jnp.full((pad,), n, jnp.int32)])
    eidx = jnp.stack([src.reshape(epad // CH, CH),
                      dst.reshape(epad // CH, CH)], axis=1)
    n_acc = -(-(n + 1) // (NS * CH)) * (NS * CH)
    nch = epad // (NS * CH)
    grid = n // R
    wext = nfeat + 8
    nclass = W3.shape[1]

    x_recover, x_ext = pl.pallas_call(
        _tc_recover_body,
        grid=(grid,),
        in_specs=[_row_spec(nfeat), _full_spec(We.shape), _full_spec(be.shape),
                  _full_spec(Wd.shape), _full_spec(bd.shape)],
        out_specs=[_row_spec(nfeat), _row_spec(wext)],
        out_shape=[jax.ShapeDtypeStruct((n, nfeat), jnp.float32),
                   jax.ShapeDtypeStruct((n, wext), jnp.float32)],
    )(x_in, We, be, Wd, bd)

    P, = _make_sc_agg(n, n_acc, epad, wext, nch - 8, 8)(x_ext, eidx)

    support3 = pl.pallas_call(
        _tc_mid_body,
        grid=(grid,),
        in_specs=[_part_spec(wext),
                  _full_spec(We.shape), _full_spec(W1.shape),
                  _full_spec(W2.shape), _full_spec(b1.shape),
                  _full_spec(b2.shape), _full_spec(be.shape),
                  _full_spec((nfeat, nclass)), _full_spec((nfeat, nclass))],
        out_specs=_row_spec(nclass),
        out_shape=jax.ShapeDtypeStruct((n, nclass), jnp.float32),
    )(P, We, W1, W2, b1, b2, be, W3[:nfeat], W3[nfeat:])

    Q, = _make_sc_agg(n, n_acc, epad, nclass, nch - 8, 8)(support3, eidx)

    x_out = pl.pallas_call(
        _tc_softmax_body,
        grid=(grid,),
        in_specs=[_part_spec(nclass), _full_spec(b3.shape)],
        out_specs=_row_spec(nclass),
        out_shape=jax.ShapeDtypeStruct((n, nclass), jnp.float32),
    )(Q, b3)

    return (x_out, x_recover)

# --- scband reference (transcript-rebuilt; emitter-appended) ---
"""Pipeline reference for scband-gcn-33535104647614 (READ-ONLY COPY).

The authoritative reference and input builder live on the scoring server;
editing this copy changes nothing except your own understanding.
"""

import jax, jax.numpy as jnp
import numpy as np

N = 10000
E = 320000
NFEAT = 128
NCODE = 128
NHID = 128
NCLASS = 64


def _glorot(key, shape):
    fan_in = shape[0]
    return jax.random.normal(key, shape, dtype=jnp.float32) * (1.0 / np.sqrt(fan_in))


def setup_inputs(seed: int = 0) -> dict:
    key = jax.random.key(seed)
    ks = jax.random.split(key, 14)
    x_in = jax.random.normal(ks[0], (N, NFEAT), dtype=jnp.float32)
    edge_index = jax.random.randint(ks[1], (2, E), 0, N, dtype=jnp.int32)
    # encoder: Linear(nfeat, 128)
    We = _glorot(ks[2], (NFEAT, NCODE))
    be = jnp.zeros((NCODE,), dtype=jnp.float32)
    # decoder: Linear(128, nfeat)
    Wd = _glorot(ks[3], (NCODE, NFEAT))
    bd = jnp.zeros((NFEAT,), dtype=jnp.float32)
    # gc1: GraphConvolution(ncode=128, nhid)
    W1 = _glorot(ks[4], (NCODE, NHID))
    b1 = jnp.zeros((NHID,), dtype=jnp.float32)
    # gc2: GraphConvolution(nfeat, nhid)
    W2 = _glorot(ks[5], (NFEAT, NHID))
    b2 = jnp.zeros((NHID,), dtype=jnp.float32)
    # gc3: GraphConvolution(nhid+nhid, nclass)
    W3 = _glorot(ks[6], (NHID + NHID, NCLASS))
    b3 = jnp.zeros((NCLASS,), dtype=jnp.float32)
    return {"x_in": x_in, "edge_index": edge_index, "We": We, "be": be,
            "Wd": Wd, "bd": bd, "W1": W1, "b1": b1, "W2": W2, "b2": b2,
            "W3": W3, "b3": b3}


def _graph_conv(x, W, b, src, dst, num_nodes):
    # GraphConvolution: support = x @ W; out = spmm(adj, support) + b
    support = x @ W
    msgs = jnp.take(support, src, axis=0)          # gather from source nodes
    out = jax.ops.segment_sum(msgs, dst, num_segments=num_nodes)  # scatter-add to dst
    return out + b


def reference(x_in, edge_index, We, be, Wd, bd, W1, b1, W2, b2, W3, b3):
    src = edge_index[0]
    dst = edge_index[1]
    n = x_in.shape[0]
    # autoencoder branch
    x_code = x_in @ We + be
    x_recover = x_code @ Wd + bd
    # two parallel graph convs, concatenated
    h2 = _graph_conv(x_in, W2, b2, src, dst, n)
    h1 = _graph_conv(x_code, W1, b1, src, dst, n)
    x = jnp.concatenate([h2, h1], axis=1)
    # F.elu(x, 0.1): elu with alpha=0.1
    x = jnp.where(x > 0, x, 0.1 * (jnp.exp(x) - 1.0))
    # dropout is identity in eval mode
    x = _graph_conv(x, W3, b3, src, dst, n)
    x_out = jax.nn.log_softmax(x, axis=1)
    return (x_out, x_recover)

if __name__ == "__main__":
    import jax
    _d = setup_inputs()
    print(jax.jit(kernel)(*tuple(_d.values())))

</pallas_src>

<mosaic_0001>
#map = affine_map<(d0, d1) -> (0, 0)>
#map1 = affine_map<(d0, d1) -> (0, 0, 0)>
module attributes {stable_mosaic.version = 14 : i64} {
  func.func @body(%arg0: i32, %arg1: i32, %arg2: memref<10000x136xf32, #tpu.memory_space<hbm>>, %arg3: memref<2560x2x128xi32, #tpu.memory_space<hbm>>, %arg4: memref<2x10000x136xf32, #tpu.memory_space<hbm>>, %arg5: memref<10240x136xf32, #tpu.memory_space<vmem_shared>>, %arg6: memref<4x2x128xi32, #tpu.memory_space<vmem>>, %arg7: memref<128x136xf32, #tpu.memory_space<vmem>>, %arg8: memref<128x136xf32, #tpu.memory_space<vmem>>, %arg9: memref<!tpu.dma_semaphore, #tpu.memory_space<semaphore_mem>>, %arg10: memref<!tpu.dma_semaphore, #tpu.memory_space<semaphore_mem>>, %arg11: memref<!tpu.dma_semaphore, #tpu.memory_space<semaphore_mem>>, %arg12: memref<!tpu.dma_semaphore, #tpu.memory_space<semaphore_mem>>, %arg13: memref<!tpu.dma_semaphore, #tpu.memory_space<semaphore_mem>>, %arg14: memref<!tpu.dma_semaphore, #tpu.memory_space<semaphore_mem>>, %arg15: memref<!tpu.dma_semaphore, #tpu.memory_space<semaphore_mem>>, %arg16: memref<!tpu.dma_semaphore, #tpu.memory_space<semaphore_mem>>) attributes {dimension_semantics = [#tpu.dimension_semantics<core_parallel>, #tpu.dimension_semantics<subcore_parallel>], iteration_bounds = array<i64: 2, 16>, scalar_prefetch = 0 : i64, scratch_operands = 12 : i64, tpu.core_type = #tpu.core_type<sc_vector_subcore>, window_params = [{transform_indices = #map}, {transform_indices = #map1}, {transform_indices = #map1}]} {
    %eq3A = arith.constant 0 : i32
    %eq3A_0 = arith.cmpi eq, %arg0, %eq3A : i32
    %jit3A = arith.constant 152 : i32
    %jit3A_1 = arith.constant 8 : i32
    %select_n3A = arith.select %eq3A_0, %jit3A, %jit3A_1 : i32
    %eq3A_2 = arith.constant 0 : i32
    %eq3A_3 = arith.cmpi eq, %arg0, %eq3A_2 : i32
    %mul3A = arith.constant 152 : i32
    %mul3A_4 = arith.muli %arg1, %mul3A : i32
    %mul3A_5 = arith.constant 8 : i32
    %mul3A_6 = arith.muli %arg1, %mul3A_5 : i32
    %add3A = arith.constant 2432 : i32
    %add3A_7 = arith.addi %add3A, %mul3A_6 : i32
    %select_n3A_8 = arith.select %eq3A_3, %mul3A_4, %add3A_7 : i32
    %run_scoped3A = arith.constant 0 : i32
    "tpu.region"() ({
      %run_scoped3A_119 = tpu.sem_alloc : memref<!tpu.dma_semaphore, #tpu.memory_space<semaphore_mem>>
      %dma_start3A_120 = arith.constant 0 : i32
      %dma_start3A_121 = arith.constant 0 : i32
      %dma_start3A_122 = tpu.memref_slice %arg6[%run_scoped3A, %dma_start3A_120, %dma_start3A_121] : memref<4x2x128xi32, #tpu.memory_space<vmem>> -> memref<1x2x128xi32, #tpu.memory_space<vmem>>
      %dma_start3A_123 = tpu.memref_squeeze %dma_start3A_122 : memref<1x2x128xi32, #tpu.memory_space<vmem>> -> memref<2x128xi32, #tpu.memory_space<vmem>>
      %dma_start3A_124 = arith.constant 0 : i32
      %dma_start3A_125 = arith.constant 0 : i32
      %dma_start3A_126 = tpu.memref_slice %arg3[%select_n3A_8, %dma_start3A_124, %dma_start3A_125] : memref<2560x2x128xi32, #tpu.memory_space<hbm>> -> memref<1x2x128xi32, #tpu.memory_space<hbm>>
      %dma_start3A_127 = tpu.memref_squeeze %dma_start3A_126 : memref<1x2x128xi32, #tpu.memory_space<hbm>> -> memref<2x128xi32, #tpu.memory_space<hbm>>
      %dma_start3A_128 = arith.constant 0 : i32
      %dma_start3A_129 = arith.constant 0 : i32
      %dma_start3A_130 = tpu.memref_slice %arg6[%run_scoped3A, %dma_start3A_128, %dma_start3A_129] : memref<4x2x128xi32, #tpu.memory_space<vmem>> -> memref<1x2x128xi32, #tpu.memory_space<vmem>>
      %dma_start3A_131 = tpu.memref_squeeze %dma_start3A_130 : memref<1x2x128xi32, #tpu.memory_space<vmem>> -> memref<2x128xi32, #tpu.memory_space<vmem>>
      %dma_start3A_132 = arith.constant 0 : i32
      %dma_start3A_133 = arith.constant 0 : i32
      %dma_start3A_134 = tpu.memref_slice %arg3[%select_n3A_8, %dma_start3A_132, %dma_start3A_133] : memref<2560x2x128xi32, #tpu.memory_space<hbm>> -> memref<1x2x128xi32, #tpu.memory_space<hbm>>
      %dma_start3A_135 = tpu.memref_squeeze %dma_start3A_134 : memref<1x2x128xi32, #tpu.memory_space<hbm>> -> memref<2x128xi32, #tpu.memory_space<hbm>>
      tpu.enqueue_dma source(%dma_start3A_135 : memref<2x128xi32, #tpu.memory_space<hbm>>) target(%dma_start3A_131 : memref<2x128xi32, #tpu.memory_space<vmem>>) target_semaphore(%run_scoped3A_119 : memref<!tpu.dma_semaphore, #tpu.memory_space<semaphore_mem>>)
      %dma_wait3A_136 = arith.constant 0 : i32
      %dma_wait3A_137 = arith.constant 0 : i32
      %dma_wait3A_138 = tpu.memref_slice %arg6[%run_scoped3A, %dma_wait3A_136, %dma_wait3A_137] : memref<4x2x128xi32, #tpu.memory_space<vmem>> -> memref<1x2x128xi32, #tpu.memory_space<vmem>>
      %dma_wait3A_139 = tpu.memref_squeeze %dma_wait3A_138 : memref<1x2x128xi32, #tpu.memory_space<vmem>> -> memref<2x128xi32, #tpu.memory_space<vmem>>
      %dma_wait3A_140 = arith.constant 0 : i32
      %dma_wait3A_141 = arith.constant 0 : i32
      %dma_wait3A_142 = tpu.memref_slice %arg3[%select_n3A_8, %dma_wait3A_140, %dma_wait3A_141] : memref<2560x2x128xi32, #tpu.memory_space<hbm>> -> memref<1x2x128xi32, #tpu.memory_space<hbm>>
      %dma_wait3A_143 = tpu.memref_squeeze %dma_wait3A_142 : memref<1x2x128xi32, #tpu.memory_space<hbm>> -> memref<2x128xi32, #tpu.memory_space<hbm>>
      %dma_wait3A_144 = arith.constant 0 : i32
      %dma_wait3A_145 = arith.constant 0 : i32
      %dma_wait3A_146 = tpu.memref_slice %arg6[%run_scoped3A, %dma_wait3A_144, %dma_wait3A_145] : memref<4x2x128xi32, #tpu.memory_space<vmem>> -> memref<1x2x128xi32, #tpu.memory_space<vmem>>
      %dma_wait3A_147 = tpu.memref_squeeze %dma_wait3A_146 : memref<1x2x128xi32, #tpu.memory_space<vmem>> -> memref<2x128xi32, #tpu.memory_space<vmem>>
      %dma_wait3A_148 = arith.constant 0 : i32
      %dma_wait3A_149 = arith.constant 0 : i32
      %dma_wait3A_150 = tpu.memref_slice %arg3[%select_n3A_8, %dma_wait3A_148, %dma_wait3A_149] : memref<2560x2x128xi32, #tpu.memory_space<hbm>> -> memref<1x2x128xi32, #tpu.memory_space<hbm>>
      %dma_wait3A_151 = tpu.memref_squeeze %dma_wait3A_150 : memref<1x2x128xi32, #tpu.memory_space<hbm>> -> memref<2x128xi32, #tpu.memory_space<hbm>>
      tpu.wait_dma2 semaphore(%run_scoped3A_119 : memref<!tpu.dma_semaphore, #tpu.memory_space<semaphore_mem>>) src(%dma_wait3A_151 : memref<2x128xi32, #tpu.memory_space<hbm>>) dst(%dma_wait3A_147 : memref<2x128xi32, #tpu.memory_space<vmem>>)
      tpu.yield
    }) : () -> ()
    %add3A_9 = arith.constant 1 : i32
    %add3A_10 = arith.addi %select_n3A_8, %add3A_9 : i32
    %run_scoped3A_11 = arith.constant 1 : i32
    "tpu.region"() ({
      %run_scoped3A_119 = tpu.sem_alloc : memref<!tpu.dma_semaphore, #tpu.memory_space<semaphore_mem>>
      %dma_start3A_120 = arith.constant 0 : i32
      %dma_start3A_121 = arith.constant 0 : i32
      %dma_start3A_122 = tpu.memref_slice %arg6[%run_scoped3A_11, %dma_start3A_120, %dma_start3A_121] : memref<4x2x128xi32, #tpu.memory_space<vmem>> -> memref<1x2x128xi32, #tpu.memory_space<vmem>>
      %dma_start3A_123 = tpu.memref_squeeze %dma_start3A_122 : memref<1x2x128xi32, #tpu.memory_space<vmem>> -> memref<2x128xi32, #tpu.memory_space<vmem>>
      %dma_start3A_124 = arith.constant 0 : i32
      %dma_start3A_125 = arith.constant 0 : i32
      %dma_start3A_126 = tpu.memref_slice %arg3[%add3A_10, %dma_start3A_124, %dma_start3A_125] : memref<2560x2x128xi32, #tpu.memory_space<hbm>> -> memref<1x2x128xi32, #tpu.memory_space<hbm>>
      %dma_start3A_127 = tpu.memref_squeeze %dma_start3A_126 : memref<1x2x128xi32, #tpu.memory_space<hbm>> -> memref<2x128xi32, #tpu.memory_space<hbm>>
      %dma_start3A_128 = arith.constant 0 : i32
      %dma_start3A_129 = arith.constant 0 : i32
      %dma_start3A_130 = tpu.memref_slice %arg6[%run_scoped3A_11, %dma_start3A_128, %dma_start3A_129] : memref<4x2x128xi32, #tpu.memory_space<vmem>> -> memref<1x2x128xi32, #tpu.memory_space<vmem>>
      %dma_start3A_131 = tpu.memref_squeeze %dma_start3A_130 : memref<1x2x128xi32, #tpu.memory_space<vmem>> -> memref<2x128xi32, #tpu.memory_space<vmem>>
      %dma_start3A_132 = arith.constant 0 : i32
      %dma_start3A_133 = arith.constant 0 : i32
      %dma_start3A_134 = tpu.memref_slice %arg3[%add3A_10, %dma_start3A_132, %dma_start3A_133] : memref<2560x2x128xi32, #tpu.memory_space<hbm>> -> memref<1x2x128xi32, #tpu.memory_space<hbm>>
      %dma_start3A_135 = tpu.memref_squeeze %dma_start3A_134 : memref<1x2x128xi32, #tpu.memory_space<hbm>> -> memref<2x128xi32, #tpu.memory_space<hbm>>
      tpu.enqueue_dma source(%dma_start3A_135 : memref<2x128xi32, #tpu.memory_space<hbm>>) target(%dma_start3A_131 : memref<2x128xi32, #tpu.memory_space<vmem>>) target_semaphore(%run_scoped3A_119 : memref<!tpu.dma_semaphore, #tpu.memory_space<semaphore_mem>>)
      %dma_wait3A_136 = arith.constant 0 : i32
      %dma_wait3A_137 = arith.constant 0 : i32
      %dma_wait3A_138 = tpu.memref_slice %arg6[%run_scoped3A_11, %dma_wait3A_136, %dma_wait3A_137] : memref<4x2x128xi32, #tpu.memory_space<vmem>> -> memref<1x2x128xi32, #tpu.memory_space<vmem>>
      %dma_wait3A_139 = tpu.memref_squeeze %dma_wait3A_138 : memref<1x2x128xi32, #tpu.memory_space<vmem>> -> memref<2x128xi32, #tpu.memory_space<vmem>>
      %dma_wait3A_140 = arith.constant 0 : i32
      %dma_wait3A_141 = arith.constant 0 : i32
      %dma_wait3A_142 = tpu.memref_slice %arg3[%add3A_10, %dma_wait3A_140, %dma_wait3A_141] : memref<2560x2x128xi32, #tpu.memory_space<hbm>> -> memref<1x2x128xi32, #tpu.memory_space<hbm>>
      %dma_wait3A_143 = tpu.memref_squeeze %dma_wait3A_142 : memref<1x2x128xi32, #tpu.memory_space<hbm>> -> memref<2x128xi32, #tpu.memory_space<hbm>>
      %dma_wait3A_144 = arith.constant 0 : i32
      %dma_wait3A_145 = arith.constant 0 : i32
      %dma_wait3A_146 = tpu.memref_slice %arg6[%run_scoped3A_11, %dma_wait3A_144, %dma_wait3A_145] : memref<4x2x128xi32, #tpu.memory_space<vmem>> -> memref<1x2x128xi32, #tpu.memory_space<vmem>>
      %dma_wait3A_147 = tpu.memref_squeeze %dma_wait3A_146 : memref<1x2x128xi32, #tpu.memory_space<vmem>> -> memref<2x128xi32, #tpu.memory_space<vmem>>
      %dma_wait3A_148 = arith.constant 0 : i32
      %dma_wait3A_149 = arith.constant 0 : i32
      %dma_wait3A_150 = tpu.memref_slice %arg3[%add3A_10, %dma_wait3A_148, %dma_wait3A_149] : memref<2560x2x128xi32, #tpu.memory_space<hbm>> -> memref<1x2x128xi32, #tpu.memory_space<hbm>>
      %dma_wait3A_151 = tpu.memref_squeeze %dma_wait3A_150 : memref<1x2x128xi32, #tpu.memory_space<hbm>> -> memref<2x128xi32, #tpu.memory_space<hbm>>
      tpu.wait_dma2 semaphore(%run_scoped3A_119 : memref<!tpu.dma_semaphore, #tpu.memory_space<semaphore_mem>>) src(%dma_wait3A_151 : memref<2x128xi32, #tpu.memory_space<hbm>>) dst(%dma_wait3A_147 : memref<2x128xi32, #tpu.memory_space<vmem>>)
      tpu.yield
    }) : () -> ()
    %add3A_12 = arith.constant 2 : i32
    %add3A_13 = arith.addi %select_n3A_8, %add3A_12 : i32
    %dma_start3A = arith.constant 2 : i32
    %dma_start3A_14 = arith.constant 0 : i32
    %dma_start3A_15 = arith.constant 0 : i32
    %dma_start3A_16 = tpu.memref_slice %arg6[%dma_start3A, %dma_start3A_14, %dma_start3A_15] : memref<4x2x128xi32, #tpu.memory_space<vmem>> -> memref<1x2x128xi32, #tpu.memory_space<vmem>>
    %dma_start3A_17 = tpu.memref_squeeze %dma_start3A_16 : memref<1x2x128xi32, #tpu.memory_space<vmem>> -> memref<2x128xi32, #tpu.memory_space<vmem>>
    %dma_start3A_18 = arith.constant 0 : i32
    %dma_start3A_19 = arith.constant 0 : i32
    %dma_start3A_20 = tpu.memref_slice %arg3[%add3A_13, %dma_start3A_18, %dma_start3A_19] : memref<2560x2x128xi32, #tpu.memory_space<hbm>> -> memref<1x2x128xi32, #tpu.memory_space<hbm>>
    %dma_start3A_21 = tpu.memref_squeeze %dma_start3A_20 : memref<1x2x128xi32, #tpu.memory_space<hbm>> -> memref<2x128xi32, #tpu.memory_space<hbm>>
    %dma_start3A_22 = arith.constant 0 : i32
    %dma_start3A_23 = arith.constant 0 : i32
    %dma_start3A_24 = tpu.memref_slice %arg6[%dma_start3A, %dma_start3A_22, %dma_start3A_23] : memref<4x2x128xi32, #tpu.memory_space<vmem>> -> memref<1x2x128xi32, #tpu.memory_space<vmem>>
    %dma_start3A_25 = tpu.memref_squeeze %dma_start3A_24 : memref<1x2x128xi32, #tpu.memory_space<vmem>> -> memref<2x128xi32, #tpu.memory_space<vmem>>
    %dma_start3A_26 = arith.constant 0 : i32
    %dma_start3A_27 = arith.constant 0 : i32
    %dma_start3A_28 = tpu.memref_slice %arg3[%add3A_13, %dma_start3A_26, %dma_start3A_27] : memref<2560x2x128xi32, #tpu.memory_space<hbm>> -> memref<1x2x128xi32, #tpu.memory_space<hbm>>
    %dma_start3A_29 = tpu.memref_squeeze %dma_start3A_28 : memref<1x2x128xi32, #tpu.memory_space<hbm>> -> memref<2x128xi32, #tpu.memory_space<hbm>>
    tpu.enqueue_dma source(%dma_start3A_29 : memref<2x128xi32, #tpu.memory_space<hbm>>) target(%dma_start3A_25 : memref<2x128xi32, #tpu.memory_space<vmem>>) target_semaphore(%arg15 : memref<!tpu.dma_semaphore, #tpu.memory_space<semaphore_mem>>)
    %add3A_30 = arith.constant 3 : i32
    %add3A_31 = arith.addi %select_n3A_8, %add3A_30 : i32
    %dma_start3A_32 = arith.constant 3 : i32
    %dma_start3A_33 = arith.constant 0 : i32
    %dma_start3A_34 = arith.constant 0 : i32
    %dma_start3A_35 = tpu.memref_slice %arg6[%dma_start3A_32, %dma_start3A_33, %dma_start3A_34] : memref<4x2x128xi32, #tpu.memory_space<vmem>> -> memref<1x2x128xi32, #tpu.memory_space<vmem>>
    %dma_start3A_36 = tpu.memref_squeeze %dma_start3A_35 : memref<1x2x128xi32, #tpu.memory_space<vmem>> -> memref<2x128xi32, #tpu.memory_space<vmem>>
    %dma_start3A_37 = arith.constant 0 : i32
    %dma_start3A_38 = arith.constant 0 : i32
    %dma_start3A_39 = tpu.memref_slice %arg3[%add3A_31, %dma_start3A_37, %dma_start3A_38] : memref<2560x2x128xi32, #tpu.memory_space<hbm>> -> memref<1x2x128xi32, #tpu.memory_space<hbm>>
    %dma_start3A_40 = tpu.memref_squeeze %dma_start3A_39 : memref<1x2x128xi32, #tpu.memory_space<hbm>> -> memref<2x128xi32, #tpu.memory_space<hbm>>
    %dma_start3A_41 = arith.constant 0 : i32
    %dma_start3A_42 = arith.constant 0 : i32
    %dma_start3A_43 = tpu.memref_slice %arg6[%dma_start3A_32, %dma_start3A_41, %dma_start3A_42] : memref<4x2x128xi32, #tpu.memory_space<vmem>> -> memref<1x2x128xi32, #tpu.memory_space<vmem>>
    %dma_start3A_44 = tpu.memref_squeeze %dma_start3A_43 : memref<1x2x128xi32, #tpu.memory_space<vmem>> -> memref<2x128xi32, #tpu.memory_space<vmem>>
    %dma_start3A_45 = arith.constant 0 : i32
    %dma_start3A_46 = arith.constant 0 : i32
    %dma_start3A_47 = tpu.memref_slice %arg3[%add3A_31, %dma_start3A_45, %dma_start3A_46] : memref<2560x2x128xi32, #tpu.memory_space<hbm>> -> memref<1x2x128xi32, #tpu.memory_space<hbm>>
    %dma_start3A_48 = tpu.memref_squeeze %dma_start3A_47 : memref<1x2x128xi32, #tpu.memory_space<hbm>> -> memref<2x128xi32, #tpu.memory_space<hbm>>
    tpu.enqueue_dma source(%dma_start3A_48 : memref<2x128xi32, #tpu.memory_space<hbm>>) target(%dma_start3A_44 : memref<2x128xi32, #tpu.memory_space<vmem>>) target_semaphore(%arg16 : memref<!tpu.dma_semaphore, #tpu.memory_space<semaphore_mem>>)
    %dma_start3A_49 = arith.constant 1 : i32
    %dma_start3A_50 = arith.constant 0 : i32
    %dma_start3A_51 = arith.constant 0 : i32
    %dma_start3A_52 = tpu.memref_slice %arg6[%dma_start3A_49, %dma_start3A_50, %dma_start3A_51] : memref<4x2x128xi32, #tpu.memory_space<vmem>> -> memref<1x1x128xi32, #tpu.memory_space<vmem>>
    %dma_start3A_53 = tpu.memref_squeeze %dma_start3A_52 : memref<1x1x128xi32, #tpu.memory_space<vmem>> -> memref<128xi32, #tpu.memory_space<vmem>>
    %dma_start3A_54 = arith.constant 0 : i32
    %dma_start3A_55 = arith.constant 0 : i32
    %dma_start3A_56 = tpu.memref_slice %arg2[%dma_start3A_54, %dma_start3A_55] : memref<10000x136xf32, #tpu.memory_space<hbm>> -> memref<10000x136xf32, #tpu.memory_space<hbm>>
    tpu.enqueue_indirect_dma source(%dma_start3A_56 : memref<10000x136xf32, #tpu.memory_space<hbm>>) target(%arg8 : memref<128x136xf32, #tpu.memory_space<vmem>>) offsets(%dma_start3A_53 : memref<128xi32, #tpu.memory_space<vmem>>) semaphore(%arg10 : memref<!tpu.dma_semaphore, #tpu.memory_space<semaphore_mem>>)
    %broadcast_in_dim3A = arith.constant 0.000000e+00 : f32
    %broadcast_in_dim3A_57 = vector.broadcast %broadcast_in_dim3A : f32 to vector<16xf32>
    %scan3A = arith.constant 0 : i32
    %scan3A_58 = arith.constant 128 : i32
    %scan3A_59 = arith.addi %scan3A, %scan3A_58 : i32
    %scan3A_60 = arith.constant 1 : i32
    scf.for %scan3A_119 = %scan3A to %scan3A_59 step %scan3A_60  : i32 {
      %mul3A_120 = arith.constant 1 : i32
      %mul3A_121 = arith.muli %scan3A_119, %mul3A_120 : i32
      %add3A_122 = arith.constant 0 : i32
      %add3A_123 = arith.addi %add3A_122, %mul3A_121 : i32
      %swap3A = arith.index_cast %add3A_123 : i32 to index
      %swap3A_124 = arith.constant 0 : index
      %swap3A_125 = tpu.vector_load %arg7[%swap3A, %swap3A_124] {strides = array<i32>} : memref<128x136xf32, #tpu.memory_space<vmem>>, vector<1x16xf32>,
      %swap3A_126 = vector.shape_cast %swap3A_125 : vector<1x16xf32> to vector<16xf32>
      %swap3A_127 = vector.shape_cast %broadcast_in_dim3A_57 : vector<16xf32> to vector<1x16xf32>
      tpu.vector_store %arg7[%swap3A, %swap3A_124], %swap3A_127 {strides = array<i32>} : memref<128x136xf32, #tpu.memory_space<vmem>>, vector<1x16xf32>,
      %swap3A_128 = arith.index_cast %add3A_123 : i32 to index
      %swap3A_129 = arith.constant 16 : index
      %swap3A_130 = tpu.vector_load %arg7[%swap3A_128, %swap3A_129] {strides = array<i32>} : memref<128x136xf32, #tpu.memory_space<vmem>>, vector<1x16xf32>,
      %swap3A_131 = vector.shape_cast %swap3A_130 : vector<1x16xf32> to vector<16xf32>
      %swap3A_132 = vector.shape_cast %broadcast_in_dim3A_57 : vector<16xf32> to vector<1x16xf32>
      tpu.vector_store %arg7[%swap3A_128, %swap3A_129], %swap3A_132 {strides = array<i32>} : memref<128x136xf32, #tpu.memory_space<vmem>>, vector<1x16xf32>,
      %swap3A_133 = arith.index_cast %add3A_123 : i32 to index
      %swap3A_134 = arith.constant 32 : index
      %swap3A_135 = tpu.vector_load %arg7[%swap3A_133, %swap3A_134] {strides = array<i32>} : memref<128x136xf32, #tpu.memory_space<vmem>>, vector<1x16xf32>,
      %swap3A_136 = vector.shape_cast %swap3A_135 : vector<1x16xf32> to vector<16xf32>
      %swap3A_137 = vector.shape_cast %broadcast_in_dim3A_57 : vector<16xf32> to vector<1x16xf32>
      tpu.vector_store %arg7[%swap3A_133, %swap3A_134], %swap3A_137 {strides = array<i32>} : memref<128x136xf32, #tpu.memory_space<vmem>>, vector<1x16xf32>,
      %swap3A_138 = arith.index_cast %add3A_123 : i32 to index
      %swap3A_139 = arith.constant 48 : index
      %swap3A_140 = tpu.vector_load %arg7[%swap3A_138, %swap3A_139] {strides = array<i32>} : memref<128x136xf32, #tpu.memory_space<vmem>>, vector<1x16xf32>,
      %swap3A_141 = vector.shape_cast %swap3A_140 : vector<1x16xf32> to vector<16xf32>
      %swap3A_142 = vector.shape_cast %broadcast_in_dim3A_57 : vector<16xf32> to vector<1x16xf32>
      tpu.vector_store %arg7[%swap3A_138, %swap3A_139], %swap3A_142 {strides = array<i32>} : memref<128x136xf32, #tpu.memory_space<vmem>>, vector<1x16xf32>,
      %swap3A_143 = arith.index_cast %add3A_123 : i32 to index
      %swap3A_144 = arith.constant 64 : index
      %swap3A_145 = tpu.vector_load %arg7[%swap3A_143, %swap3A_144] {strides = array<i32>} : memref<128x136xf32, #tpu.memory_space<vmem>>, vector<1x16xf32>,
      %swap3A_146 = vector.shape_cast %swap3A_145 : vector<1x16xf32> to vector<16xf32>
      %swap3A_147 = vector.shape_cast %broadcast_in_dim3A_57 : vector<16xf32> to vector<1x16xf32>
      tpu.vector_store %arg7[%swap3A_143, %swap3A_144], %swap3A_147 {strides = array<i32>} : memref<128x136xf32, #tpu.memory_space<vmem>>, vector<1x16xf32>,
      %swap3A_148 = arith.index_cast %add3A_123 : i32 to index
      %swap3A_149 = arith.constant 80 : index
      %swap3A_150 = tpu.vector_load %arg7[%swap3A_148, %swap3A_149] {strides = array<i32>} : memref<128x136xf32, #tpu.memory_space<vmem>>, vector<1x16xf32>,
      %swap3A_151 = vector.shape_cast %swap3A_150 : vector<1x16xf32> to vector<16xf32>
      %swap3A_152 = vector.shape_cast %broadcast_in_dim3A_57 : vector<16xf32> to vector<1x16xf32>
      tpu.vector_store %arg7[%swap3A_148, %swap3A_149], %swap3A_152 {strides = array<i32>} : memref<128x136xf32, #tpu.memory_space<vmem>>, vector<1x16xf32>,
      %swap3A_153 = arith.index_cast %add3A_123 : i32 to index
      %swap3A_154 = arith.constant 96 : index
      %swap3A_155 = tpu.vector_load %arg7[%swap3A_153, %swap3A_154] {strides = array<i32>} : memref<128x136xf32, #tpu.memory_space<vmem>>, vector<1x16xf32>,
      %swap3A_156 = vector.shape_cast %swap3A_155 : vector<1x16xf32> to vector<16xf32>
      %swap3A_157 = vector.shape_cast %broadcast_in_dim3A_57 : vector<16xf32> to vector<1x16xf32>
      tpu.vector_store %arg7[%swap3A_153, %swap3A_154], %swap3A_157 {strides = array<i32>} : memref<128x136xf32, #tpu.memory_space<vmem>>, vector<1x16xf32>,
      %swap3A_158 = arith.index_cast %add3A_123 : i32 to index
      %swap3A_159 = arith.constant 112 : index
      %swap3A_160 = tpu.vector_load %arg7[%swap3A_158, %swap3A_159] {strides = array<i32>} : memref<128x136xf32, #tpu.memory_space<vmem>>, vector<1x16xf32>,
      %swap3A_161 = vector.shape_cast %swap3A_160 : vector<1x16xf32> to vector<16xf32>
      %swap3A_162 = vector.shape_cast %broadcast_in_dim3A_57 : vector<16xf32> to vector<1x16xf32>
      tpu.vector_store %arg7[%swap3A_158, %swap3A_159], %swap3A_162 {strides = array<i32>} : memref<128x136xf32, #tpu.memory_space<vmem>>, vector<1x16xf32>,
      %swap3A_163 = arith.index_cast %add3A_123 : i32 to index
      %swap3A_164 = arith.constant 120 : index
      %swap3A_165 = tpu.vector_load %arg7[%swap3A_163, %swap3A_164] {strides = array<i32>} : memref<128x136xf32, #tpu.memory_space<vmem>>, vector<1x16xf32>,
      %swap3A_166 = vector.shape_cast %swap3A_165 : vector<1x16xf32> to vector<16xf32>
      %swap3A_167 = vector.shape_cast %broadcast_in_dim3A_57 : vector<16xf32> to vector<1x16xf32>
      tpu.vector_store %arg7[%swap3A_163, %swap3A_164], %swap3A_167 {strides = array<i32>} : memref<128x136xf32, #tpu.memory_space<vmem>>, vector<1x16xf32>,
    }
    %scan3A_61 = arith.constant 128 : i32
    %mul3A_62 = arith.constant 640 : i32
    %mul3A_63 = arith.muli %arg1, %mul3A_62 : i32
    %scan3A_64 = arith.constant 0 : i32
    %scan3A_65 = arith.constant 5 : i32
    %scan3A_66 = arith.addi %scan3A_64, %scan3A_65 : i32
    %scan3A_67 = arith.constant 1 : i32
    scf.for %scan3A_119 = %scan3A_64 to %scan3A_66 step %scan3A_67  : i32 {
      %mul3A_120 = arith.constant 1 : i32
      %mul3A_121 = arith.muli %scan3A_119, %mul3A_120 : i32
      %add3A_122 = arith.constant 0 : i32
      %add3A_123 = arith.addi %add3A_122, %mul3A_121 : i32
      %mul3A_124 = arith.constant 128 : i32
      %mul3A_125 = arith.muli %add3A_123, %mul3A_124 : i32
      %add3A_126 = arith.addi %mul3A_63, %mul3A_125 : i32
      %dma_start3A_127 = arith.constant 0 : i32
      %dma_start3A_128 = tpu.memref_slice %arg5[%add3A_126, %dma_start3A_127] : memref<10240x136xf32, #tpu.memory_space<vmem_shared>> -> memref<128x136xf32, #tpu.memory_space<vmem_shared>>
      %dma_start3A_129 = arith.constant 0 : i32
      %dma_start3A_130 = tpu.memref_slice %arg5[%add3A_126, %dma_start3A_129] : memref<10240x136xf32, #tpu.memory_space<vmem_shared>> -> memref<128x136xf32, #tpu.memory_space<vmem_shared>>
      tpu.enqueue_dma source(%arg7 : memref<128x136xf32, #tpu.memory_space<vmem>>) target(%dma_start3A_130 : memref<128x136xf32, #tpu.memory_space<vmem_shared>>) target_semaphore(%arg11 : memref<!tpu.dma_semaphore, #tpu.memory_space<semaphore_mem>>)
    }
    %scan3A_68 = arith.constant 5 : i32
    %scan3A_69 = arith.constant 0 : i32
    %scan3A_70 = arith.constant 5 : i32
    %scan3A_71 = arith.addi %scan3A_69, %scan3A_70 : i32
    %scan3A_72 = arith.constant 1 : i32
    scf.for %scan3A_119 = %scan3A_69 to %scan3A_71 step %scan3A_72  : i32 {
      %mul3A_120 = arith.constant 1 : i32
      %mul3A_121 = arith.muli %scan3A_119, %mul3A_120 : i32
      %add3A_122 = arith.constant 0 : i32
      %add3A_123 = arith.addi %add3A_122, %mul3A_121 : i32
      %dma_wait3A_124 = arith.constant 0 : i32
      %dma_wait3A_125 = tpu.memref_slice %arg5[%mul3A_63, %dma_wait3A_124] : memref<10240x136xf32, #tpu.memory_space<vmem_shared>> -> memref<128x136xf32, #tpu.memory_space<vmem_shared>>
      %dma_wait3A_126 = arith.constant 0 : i32
      %dma_wait3A_127 = tpu.memref_slice %arg5[%mul3A_63, %dma_wait3A_126] : memref<10240x136xf32, #tpu.memory_space<vmem_shared>> -> memref<128x136xf32, #tpu.memory_space<vmem_shared>>
      tpu.wait_dma2 semaphore(%arg11 : memref<!tpu.dma_semaphore, #tpu.memory_space<semaphore_mem>>) src(%arg7 : memref<128x136xf32, #tpu.memory_space<vmem>>) dst(%dma_wait3A_127 : memref<128x136xf32, #tpu.memory_space<vmem_shared>>)
    }
    %scan3A_73 = arith.constant 5 : i32
    %dma_start3A_74 = arith.constant 0 : i32
    %dma_start3A_75 = arith.constant 0 : i32
    %dma_start3A_76 = arith.constant 0 : i32
    %dma_start3A_77 = tpu.memref_slice %arg6[%dma_start3A_74, %dma_start3A_75, %dma_start3A_76] : memref<4x2x128xi32, #tpu.memory_space<vmem>> -> memref<1x1x128xi32, #tpu.memory_space<vmem>>
    %dma_start3A_78 = tpu.memref_squeeze %dma_start3A_77 : memref<1x1x128xi32, #tpu.memory_space<vmem>> -> memref<128xi32, #tpu.memory_space<vmem>>
    %dma_start3A_79 = arith.constant 0 : i32
    %dma_start3A_80 = arith.constant 0 : i32
    %dma_start3A_81 = tpu.memref_slice %arg2[%dma_start3A_79, %dma_start3A_80] : memref<10000x136xf32, #tpu.memory_space<hbm>> -> memref<10000x136xf32, #tpu.memory_space<hbm>>
    tpu.enqueue_indirect_dma source(%dma_start3A_81 : memref<10000x136xf32, #tpu.memory_space<hbm>>) target(%arg7 : memref<128x136xf32, #tpu.memory_space<vmem>>) offsets(%dma_start3A_78 : memref<128xi32, #tpu.memory_space<vmem>>) semaphore(%arg9 : memref<!tpu.dma_semaphore, #tpu.memory_space<semaphore_mem>>)
    %barrier3A = arith.constant 0 : index
    tpu.barrier barrier_id(%barrier3A)
    %sub3A = arith.constant 0 : i32
    %sub3A_82 = arith.subi %select_n3A, %sub3A : i32
    %sub3A_83 = arith.constant 4 : i32
    %sub3A_84 = arith.constant 1 : i32
    %sub3A_85 = arith.subi %sub3A_83, %sub3A_84 : i32
    %add3A_86 = arith.addi %sub3A_82, %sub3A_85 : i32
    %div3A = arith.constant 4 : i32
    %div3A_87 = arith.divsi %add3A_86, %div3A : i32
    %while3A = arith.constant 4 : i32
    %while3A_88 = arith.constant 0 : i32
    %while3A_89 = arith.constant 0 : i32
    %while3A_90 = arith.subi %div3A_87, %while3A_89 : i32
    %while3A_91 = arith.addi %while3A_89, %while3A_90 : i32
    %while3A_92 = arith.constant 1 : i32
    %while3A_93 = arith.divsi %while3A_90, %while3A_92 : i32
    %while3A_94 = arith.muli %while3A_93, %while3A_92 : i32
    %while3A_95 = arith.addi %while3A_89, %while3A_94 : i32
    %while3A_96 = arith.constant 1 : i32
    scf.for %while3A_119 = %while3A_89 to %while3A_95 step %while3A_96  : i32 {
      %mul3A_120 = arith.muli %while3A_119, %while3A : i32
      %add3A_121 = arith.addi %while3A_88, %mul3A_120 : i32
      %add3A_122 = arith.constant 0 : i32
      %add3A_123 = arith.addi %add3A_121, %add3A_122 : i32
      %dma_wait3A_124 = arith.constant 0 : i32
      %dma_wait3A_125 = arith.constant 0 : i32
      %dma_wait3A_126 = arith.constant 0 : i32
      %dma_wait3A_127 = tpu.memref_slice %arg6[%dma_wait3A_124, %dma_wait3A_125, %dma_wait3A_126] : memref<4x2x128xi32, #tpu.memory_space<vmem>> -> memref<1x1x128xi32, #tpu.memory_space<vmem>>
      %dma_wait3A_128 = tpu.memref_squeeze %dma_wait3A_127 : memref<1x1x128xi32, #tpu.memory_space<vmem>> -> memref<128xi32, #tpu.memory_space<vmem>>
      %dma_wait3A_129 = arith.constant 0 : i32
      %dma_wait3A_130 = arith.constant 0 : i32
      %dma_wait3A_131 = tpu.memref_slice %arg2[%dma_wait3A_129, %dma_wait3A_130] : memref<10000x136xf32, #tpu.memory_space<hbm>> -> memref<10000x136xf32, #tpu.memory_space<hbm>>
      tpu.wait_indirect_dma semaphore(%arg9 : memref<!tpu.dma_semaphore, #tpu.memory_space<semaphore_mem>>) src(%dma_wait3A_131 : memref<10000x136xf32, #tpu.memory_space<hbm>>) dst(%arg7 : memref<128x136xf32, #tpu.memory_space<vmem>>)
      %dma_start3A_132 = arith.constant 0 : i32
      %dma_start3A_133 = arith.constant 1 : i32
      %dma_start3A_134 = arith.constant 0 : i32
      %dma_start3A_135 = tpu.memref_slice %arg6[%dma_start3A_132, %dma_start3A_133, %dma_start3A_134] : memref<4x2x128xi32, #tpu.memory_space<vmem>> -> memref<1x1x128xi32, #tpu.memory_space<vmem>>
      %dma_start3A_136 = tpu.memref_squeeze %dma_start3A_135 : memref<1x1x128xi32, #tpu.memory_space<vmem>> -> memref<128xi32, #tpu.memory_space<vmem>>
      %dma_start3A_137 = arith.constant 0 : i32
      %dma_start3A_138 = arith.constant 0 : i32
      %dma_start3A_139 = tpu.memref_slice %arg5[%dma_start3A_137, %dma_start3A_138] : memref<10240x136xf32, #tpu.memory_space<vmem_shared>> -> memref<10240x136xf32, #tpu.memory_space<vmem_shared>>
      tpu.enqueue_indirect_dma source(%arg7 : memref<128x136xf32, #tpu.memory_space<vmem>>) target(%dma_start3A_139 : memref<10240x136xf32, #tpu.memory_space<vmem_shared>>) offsets(%dma_start3A_136 : memref<128xi32, #tpu.memory_space<vmem>>) semaphore(%arg11 : memref<!tpu.dma_semaphore, #tpu.memory_space<semaphore_mem>>) {add = true}
      %add3A_140 = arith.constant 2 : i32
      %add3A_141 = arith.addi %add3A_123, %add3A_140 : i32
      %lt3A = arith.cmpi slt, %add3A_141, %select_n3A : i32
      %convert_element_type3A_142 = arith.extui %lt3A : i1 to i32
      %cond3A_143 = arith.constant 0 : i32
      %cond3A_144 = arith.cmpi ne, %convert_element_type3A_142, %cond3A_143 : i32
      scf.if %cond3A_144 {
        %dma_wait3A_217 = arith.constant 0 : i32
        %dma_wait3A_218 = arith.constant 1 : i32
        %dma_wait3A_219 = arith.constant 0 : i32
        %dma_wait3A_220 = tpu.memref_slice %arg6[%dma_wait3A_217, %dma_wait3A_218, %dma_wait3A_219] : memref<4x2x128xi32, #tpu.memory_space<vmem>> -> memref<1x1x128xi32, #tpu.memory_space<vmem>>
        %dma_wait3A_221 = tpu.memref_squeeze %dma_wait3A_220 : memref<1x1x128xi32, #tpu.memory_space<vmem>> -> memref<128xi32, #tpu.memory_space<vmem>>
        %dma_wait3A_222 = arith.constant 0 : i32
        %dma_wait3A_223 = arith.constant 0 : i32
        %dma_wait3A_224 = tpu.memref_slice %arg5[%dma_wait3A_222, %dma_wait3A_223] : memref<10240x136xf32, #tpu.memory_space<vmem_shared>> -> memref<10240x136xf32, #tpu.memory_space<vmem_shared>>
        tpu.wait_indirect_dma semaphore(%arg11 : memref<!tpu.dma_semaphore, #tpu.memory_space<semaphore_mem>>) src(%arg7 : memref<128x136xf32, #tpu.memory_space<vmem>>) dst(%dma_wait3A_224 : memref<10240x136xf32, #tpu.memory_space<vmem_shared>>)
        %add3A_225 = arith.constant 4 : i32
        %add3A_226 = arith.addi %add3A_123, %add3A_225 : i32
        %lt3A_227 = arith.cmpi slt, %add3A_226, %select_n3A : i32
        %convert_element_type3A_228 = arith.extui %lt3A_227 : i1 to i32
        %cond3A_229 = arith.constant 0 : i32
        %cond3A_230 = arith.cmpi ne, %convert_element_type3A_228, %cond3A_229 : i32
        scf.if %cond3A_230 {
          %add3A_259 = arith.addi %select_n3A_8, %add3A_123 : i32
          %add3A_260 = arith.constant 4 : i32
          %add3A_261 = arith.addi %add3A_259, %add3A_260 : i32
          %dma_start3A_262 = arith.constant 0 : i32
          %dma_start3A_263 = arith.constant 0 : i32
          %dma_start3A_264 = arith.constant 0 : i32
          %dma_start3A_265 = tpu.memref_slice %arg6[%dma_start3A_262, %dma_start3A_263, %dma_start3A_264] : memref<4x2x128xi32, #tpu.memory_space<vmem>> -> memref<1x2x128xi32, #tpu.memory_space<vmem>>
          %dma_start3A_266 = tpu.memref_squeeze %dma_start3A_265 : memref<1x2x128xi32, #tpu.memory_space<vmem>> -> memref<2x128xi32, #tpu.memory_space<vmem>>
          %dma_start3A_267 = arith.constant 0 : i32
          %dma_start3A_268 = arith.constant 0 : i32
          %dma_start3A_269 = tpu.memref_slice %arg3[%add3A_261, %dma_start3A_267, %dma_start3A_268] : memref<2560x2x128xi32, #tpu.memory_space<hbm>> -> memref<1x2x128xi32, #tpu.memory_space<hbm>>
          %dma_start3A_270 = tpu.memref_squeeze %dma_start3A_269 : memref<1x2x128xi32, #tpu.memory_space<hbm>> -> memref<2x128xi32, #tpu.memory_space<hbm>>
          %dma_start3A_271 = arith.constant 0 : i32
          %dma_start3A_272 = arith.constant 0 : i32
          %dma_start3A_273 = tpu.memref_slice %arg6[%dma_start3A_262, %dma_start3A_271, %dma_start3A_272] : memref<4x2x128xi32, #tpu.memory_space<vmem>> -> memref<1x2x128xi32, #tpu.memory_space<vmem>>
          %dma_start3A_274 = tpu.memref_squeeze %dma_start3A_273 : memref<1x2x128xi32, #tpu.memory_space<vmem>> -> memref<2x128xi32, #tpu.memory_space<vmem>>
          %dma_start3A_275 = arith.constant 0 : i32
          %dma_start3A_276 = arith.constant 0 : i32
          %dma_start3A_277 = tpu.memref_slice %arg3[%add3A_261, %dma_start3A_275, %dma_start3A_276] : memref<2560x2x128xi32, #tpu.memory_space<hbm>> -> memref<1x2x128xi32, #tpu.memory_space<hbm>>
          %dma_start3A_278 = tpu.memref_squeeze %dma_start3A_277 : memref<1x2x128xi32, #tpu.memory_space<hbm>> -> memref<2x128xi32, #tpu.memory_space<hbm>>
          tpu.enqueue_dma source(%dma_start3A_278 : memref<2x128xi32, #tpu.memory_space<hbm>>) target(%dma_start3A_274 : memref<2x128xi32, #tpu.memory_space<vmem>>) target_semaphore(%arg13 : memref<!tpu.dma_semaphore, #tpu.memory_space<semaphore_mem>>)
        } else {
        }
        %add3A_231 = arith.addi %select_n3A_8, %add3A_123 : i32
        %add3A_232 = arith.constant 2 : i32
        %add3A_233 = arith.addi %add3A_231, %add3A_232 : i32
        %dma_wait3A_234 = arith.constant 2 : i32
        %dma_wait3A_235 = arith.constant 0 : i32
        %dma_wait3A_236 = arith.constant 0 : i32
        %dma_wait3A_237 = tpu.memref_slice %arg6[%dma_wait3A_234, %dma_wait3A_235, %dma_wait3A_236] : memref<4x2x128xi32, #tpu.memory_space<vmem>> -> memref<1x2x128xi32, #tpu.memory_space<vmem>>
        %dma_wait3A_238 = tpu.memref_squeeze %dma_wait3A_237 : memref<1x2x128xi32, #tpu.memory_space<vmem>> -> memref<2x128xi32, #tpu.memory_space<vmem>>
        %dma_wait3A_239 = arith.constant 0 : i32
        %dma_wait3A_240 = arith.constant 0 : i32
        %dma_wait3A_241 = tpu.memref_slice %arg3[%add3A_233, %dma_wait3A_239, %dma_wait3A_240] : memref<2560x2x128xi32, #tpu.memory_space<hbm>> -> memref<1x2x128xi32, #tpu.memory_space<hbm>>
        %dma_wait3A_242 = tpu.memref_squeeze %dma_wait3A_241 : memref<1x2x128xi32, #tpu.memory_space<hbm>> -> memref<2x128xi32, #tpu.memory_space<hbm>>
        %dma_wait3A_243 = arith.constant 0 : i32
        %dma_wait3A_244 = arith.constant 0 : i32
        %dma_wait3A_245 = tpu.memref_slice %arg6[%dma_wait3A_234, %dma_wait3A_243, %dma_wait3A_244] : memref<4x2x128xi32, #tpu.memory_space<vmem>> -> memref<1x2x128xi32, #tpu.memory_space<vmem>>
        %dma_wait3A_246 = tpu.memref_squeeze %dma_wait3A_245 : memref<1x2x128xi32, #tpu.memory_space<vmem>> -> memref<2x128xi32, #tpu.memory_space<vmem>>
        %dma_wait3A_247 = arith.constant 0 : i32
        %dma_wait3A_248 = arith.constant 0 : i32
        %dma_wait3A_249 = tpu.memref_slice %arg3[%add3A_233, %dma_wait3A_247, %dma_wait3A_248] : memref<2560x2x128xi32, #tpu.memory_space<hbm>> -> memref<1x2x128xi32, #tpu.memory_space<hbm>>
        %dma_wait3A_250 = tpu.memref_squeeze %dma_wait3A_249 : memref<1x2x128xi32, #tpu.memory_space<hbm>> -> memref<2x128xi32, #tpu.memory_space<hbm>>
        tpu.wait_dma2 semaphore(%arg15 : memref<!tpu.dma_semaphore, #tpu.memory_space<semaphore_mem>>) src(%dma_wait3A_250 : memref<2x128xi32, #tpu.memory_space<hbm>>) dst(%dma_wait3A_246 : memref<2x128xi32, #tpu.memory_space<vmem>>)
        %dma_start3A_251 = arith.constant 2 : i32
        %dma_start3A_252 = arith.constant 0 : i32
        %dma_start3A_253 = arith.constant 0 : i32
        %dma_start3A_254 = tpu.memref_slice %arg6[%dma_start3A_251, %dma_start3A_252, %dma_start3A_253] : memref<4x2x128xi32, #tpu.memory_space<vmem>> -> memref<1x1x128xi32, #tpu.memory_space<vmem>>
        %dma_start3A_255 = tpu.memref_squeeze %dma_start3A_254 : memref<1x1x128xi32, #tpu.memory_space<vmem>> -> memref<128xi32, #tpu.memory_space<vmem>>
        %dma_start3A_256 = arith.constant 0 : i32
        %dma_start3A_257 = arith.constant 0 : i32
        %dma_start3A_258 = tpu.memref_slice %arg2[%dma_start3A_256, %dma_start3A_257] : memref<10000x136xf32, #tpu.memory_space<hbm>> -> memref<10000x136xf32, #tpu.memory_space<hbm>>
        tpu.enqueue_indirect_dma source(%dma_start3A_258 : memref<10000x136xf32, #tpu.memory_space<hbm>>) target(%arg7 : memref<128x136xf32, #tpu.memory_space<vmem>>) offsets(%dma_start3A_255 : memref<128xi32, #tpu.memory_space<vmem>>) semaphore(%arg9 : memref<!tpu.dma_semaphore, #tpu.memory_space<semaphore_mem>>)
      } else {
      }
      %add3A_145 = arith.constant 1 : i32
      %add3A_146 = arith.addi %add3A_121, %add3A_145 : i32
      %dma_wait3A_147 = arith.constant 1 : i32
      %dma_wait3A_148 = arith.constant 0 : i32
      %dma_wait3A_149 = arith.constant 0 : i32
      %dma_wait3A_150 = tpu.memref_slice %arg6[%dma_wait3A_147, %dma_wait3A_148, %dma_wait3A_149] : memref<4x2x128xi32, #tpu.memory_space<vmem>> -> memref<1x1x128xi32, #tpu.memory_space<vmem>>
      %dma_wait3A_151 = tpu.memref_squeeze %dma_wait3A_150 : memref<1x1x128xi32, #tpu.memory_space<vmem>> -> memref<128xi32, #tpu.memory_space<vmem>>
      %dma_wait3A_152 = arith.constant 0 : i32
      %dma_wait3A_153 = arith.constant 0 : i32
      %dma_wait3A_154 = tpu.memref_slice %arg2[%dma_wait3A_152, %dma_wait3A_153] : memref<10000x136xf32, #tpu.memory_space<hbm>> -> memref<10000x136xf32, #tpu.memory_space<hbm>>
      tpu.wait_indirect_dma semaphore(%arg10 : memref<!tpu.dma_semaphore, #tpu.memory_space<semaphore_mem>>) src(%dma_wait3A_154 : memref<10000x136xf32, #tpu.memory_space<hbm>>) dst(%arg8 : memref<128x136xf32, #tpu.memory_space<vmem>>)
      %dma_start3A_155 = arith.constant 1 : i32
      %dma_start3A_156 = arith.constant 1 : i32
      %dma_start3A_157 = arith.constant 0 : i32
      %dma_start3A_158 = tpu.memref_slice %arg6[%dma_start3A_155, %dma_start3A_156, %dma_start3A_157] : memref<4x2x128xi32, #tpu.memory_space<vmem>> -> memref<1x1x128xi32, #tpu.memory_space<vmem>>
      %dma_start3A_159 = tpu.memref_squeeze %dma_start3A_158 : memref<1x1x128xi32, #tpu.memory_space<vmem>> -> memref<128xi32, #tpu.memory_space<vmem>>
      %dma_start3A_160 = arith.constant 0 : i32
      %dma_start3A_161 = arith.constant 0 : i32
      %dma_start3A_162 = tpu.memref_slice %arg5[%dma_start3A_160, %dma_start3A_161] : memref<10240x136xf32, #tpu.memory_space<vmem_shared>> -> memref<10240x136xf32, #tpu.memory_space<vmem_shared>>
      tpu.enqueue_indirect_dma source(%arg8 : memref<128x136xf32, #tpu.memory_space<vmem>>) target(%dma_start3A_162 : memref<10240x136xf32, #tpu.memory_space<vmem_shared>>) offsets(%dma_start3A_159 : memref<128xi32, #tpu.memory_space<vmem>>) semaphore(%arg12 : memref<!tpu.dma_semaphore, #tpu.memory_space<semaphore_mem>>) {add = true}
      %add3A_163 = arith.constant 2 : i32
      %add3A_164 = arith.addi %add3A_146, %add3A_163 : i32
      %lt3A_165 = arith.cmpi slt, %add3A_164, %select_n3A : i32
      %convert_element_type3A_166 = arith.extui %lt3A_165 : i1 to i32
      %cond3A_167 = arith.constant 0 : i32
      %cond3A_168 = arith.cmpi ne, %convert_element_type3A_166, %cond3A_167 : i32
      scf.if %cond3A_168 {
        %dma_wait3A_217 = arith.constant 1 : i32
        %dma_wait3A_218 = arith.constant 1 : i32
        %dma_wait3A_219 = arith.constant 0 : i32
        %dma_wait3A_220 = tpu.memref_slice %arg6[%dma_wait3A_217, %dma_wait3A_218, %dma_wait3A_219] : memref<4x2x128xi32, #tpu.memory_space<vmem>> -> memref<1x1x128xi32, #tpu.memory_space<vmem>>
        %dma_wait3A_221 = tpu.memref_squeeze %dma_wait3A_220 : memref<1x1x128xi32, #tpu.memory_space<vmem>> -> memref<128xi32, #tpu.memory_space<vmem>>
        %dma_wait3A_222 = arith.constant 0 : i32
        %dma_wait3A_223 = arith.constant 0 : i32
        %dma_wait3A_224 = tpu.memref_slice %arg5[%dma_wait3A_222, %dma_wait3A_223] : memref<10240x136xf32, #tpu.memory_space<vmem_shared>> -> memref<10240x136xf32, #tpu.memory_space<vmem_shared>>
        tpu.wait_indirect_dma semaphore(%arg12 : memref<!tpu.dma_semaphore, #tpu.memory_space<semaphore_mem>>) src(%arg8 : memref<128x136xf32, #tpu.memory_space<vmem>>) dst(%dma_wait3A_224 : memref<10240x136xf32, #tpu.memory_space<vmem_shared>>)
        %add3A_225 = arith.constant 4 : i32
        %add3A_226 = arith.addi %add3A_146, %add3A_225 : i32
        %lt3A_227 = arith.cmpi slt, %add3A_226, %select_n3A : i32
        %convert_element_type3A_228 = arith.extui %lt3A_227 : i1 to i32
        %cond3A_229 = arith.constant 0 : i32
        %cond3A_230 = arith.cmpi ne, %convert_element_type3A_228, %cond3A_229 : i32
        scf.if %cond3A_230 {
          %add3A_259 = arith.addi %select_n3A_8, %add3A_146 : i32
          %add3A_260 = arith.constant 4 : i32
          %add3A_261 = arith.addi %add3A_259, %add3A_260 : i32
          %dma_start3A_262 = arith.constant 1 : i32
          %dma_start3A_263 = arith.constant 0 : i32
          %dma_start3A_264 = arith.constant 0 : i32
          %dma_start3A_265 = tpu.memref_slice %arg6[%dma_start3A_262, %dma_start3A_263, %dma_start3A_264] : memref<4x2x128xi32, #tpu.memory_space<vmem>> -> memref<1x2x128xi32, #tpu.memory_space<vmem>>
          %dma_start3A_266 = tpu.memref_squeeze %dma_start3A_265 : memref<1x2x128xi32, #tpu.memory_space<vmem>> -> memref<2x128xi32, #tpu.memory_space<vmem>>
          %dma_start3A_267 = arith.constant 0 : i32
          %dma_start3A_268 = arith.constant 0 : i32
          %dma_start3A_269 = tpu.memref_slice %arg3[%add3A_261, %dma_start3A_267, %dma_start3A_268] : memref<2560x2x128xi32, #tpu.memory_space<hbm>> -> memref<1x2x128xi32, #tpu.memory_space<hbm>>
          %dma_start3A_270 = tpu.memref_squeeze %dma_start3A_269 : memref<1x2x128xi32, #tpu.memory_space<hbm>> -> memref<2x128xi32, #tpu.memory_space<hbm>>
          %dma_start3A_271 = arith.constant 0 : i32
          %dma_start3A_272 = arith.constant 0 : i32
          %dma_start3A_273 = tpu.memref_slice %arg6[%dma_start3A_262, %dma_start3A_271, %dma_start3A_272] : memref<4x2x128xi32, #tpu.memory_space<vmem>> -> memref<1x2x128xi32, #tpu.memory_space<vmem>>
          %dma_start3A_274 = tpu.memref_squeeze %dma_start3A_273 : memref<1x2x128xi32, #tpu.memory_space<vmem>> -> memref<2x128xi32, #tpu.memory_space<vmem>>
          %dma_start3A_275 = arith.constant 0 : i32
          %dma_start3A_276 = arith.constant 0 : i32
          %dma_start3A_277 = tpu.memref_slice %arg3[%add3A_261, %dma_start3A_275, %dma_start3A_276] : memref<2560x2x128xi32, #tpu.memory_space<hbm>> -> memref<1x2x128xi32, #tpu.memory_space<hbm>>
          %dma_start3A_278 = tpu.memref_squeeze %dma_start3A_277 : memref<1x2x128xi32, #tpu.memory_space<hbm>> -> memref<2x128xi32, #tpu.memory_space<hbm>>
          tpu.enqueue_dma source(%dma_start3A_278 : memref<2x128xi32, #tpu.memory_space<hbm>>) target(%dma_start3A_274 : memref<2x128xi32, #tpu.memory_space<vmem>>) target_semaphore(%arg14 : memref<!tpu.dma_semaphore, #tpu.memory_space<semaphore_mem>>)
        } else {
        }
        %add3A_231 = arith.addi %select_n3A_8, %add3A_146 : i32
        %add3A_232 = arith.constant 2 : i32
        %add3A_233 = arith.addi %add3A_231, %add3A_232 : i32
        %dma_wait3A_234 = arith.constant 3 : i32
        %dma_wait3A_235 = arith.constant 0 : i32
        %dma_wait3A_236 = arith.constant 0 : i32
        %dma_wait3A_237 = tpu.memref_slice %arg6[%dma_wait3A_234, %dma_wait3A_235, %dma_wait3A_236] : memref<4x2x128xi32, #tpu.memory_space<vmem>> -> memref<1x2x128xi32, #tpu.memory_space<vmem>>
        %dma_wait3A_238 = tpu.memref_squeeze %dma_wait3A_237 : memref<1x2x128xi32, #tpu.memory_space<vmem>> -> memref<2x128xi32, #tpu.memory_space<vmem>>
        %dma_wait3A_239 = arith.constant 0 : i32
        %dma_wait3A_240 = arith.constant 0 : i32
        %dma_wait3A_241 = tpu.memref_slice %arg3[%add3A_233, %dma_wait3A_239, %dma_wait3A_240] : memref<2560x2x128xi32, #tpu.memory_space<hbm>> -> memref<1x2x128xi32, #tpu.memory_space<hbm>>
        %dma_wait3A_242 = tpu.memref_squeeze %dma_wait3A_241 : memref<1x2x128xi32, #tpu.memory_space<hbm>> -> memref<2x128xi32, #tpu.memory_space<hbm>>
        %dma_wait3A_243 = arith.constant 0 : i32
        %dma_wait3A_244 = arith.constant 0 : i32
        %dma_wait3A_245 = tpu.memref_slice %arg6[%dma_wait3A_234, %dma_wait3A_243, %dma_wait3A_244] : memref<4x2x128xi32, #tpu.memory_space<vmem>> -> memref<1x2x128xi32, #tpu.memory_space<vmem>>
        %dma_wait3A_246 = tpu.memref_squeeze %dma_wait3A_245 : memref<1x2x128xi32, #tpu.memory_space<vmem>> -> memref<2x128xi32, #tpu.memory_space<vmem>>
        %dma_wait3A_247 = arith.constant 0 : i32
        %dma_wait3A_248 = arith.constant 0 : i32
        %dma_wait3A_249 = tpu.memref_slice %arg3[%add3A_233, %dma_wait3A_247, %dma_wait3A_248] : memref<2560x2x128xi32, #tpu.memory_space<hbm>> -> memref<1x2x128xi32, #tpu.memory_space<hbm>>
        %dma_wait3A_250 = tpu.memref_squeeze %dma_wait3A_249 : memref<1x2x128xi32, #tpu.memory_space<hbm>> -> memref<2x128xi32, #tpu.memory_space<hbm>>
        tpu.wait_dma2 semaphore(%arg16 : memref<!tpu.dma_semaphore, #tpu.memory_space<semaphore_mem>>) src(%dma_wait3A_250 : memref<2x128xi32, #tpu.memory_space<hbm>>) dst(%dma_wait3A_246 : memref<2x128xi32, #tpu.memory_space<vmem>>)
        %dma_start3A_251 = arith.constant 3 : i32
        %dma_start3A_252 = arith.constant 0 : i32
        %dma_start3A_253 = arith.constant 0 : i32
        %dma_start3A_254 = tpu.memref_slice %arg6[%dma_start3A_251, %dma_start3A_252, %dma_start3A_253] : memref<4x2x128xi32, #tpu.memory_space<vmem>> -> memref<1x1x128xi32, #tpu.memory_space<vmem>>
        %dma_start3A_255 = tpu.memref_squeeze %dma_start3A_254 : memref<1x1x128xi32, #tpu.memory_space<vmem>> -> memref<128xi32, #tpu.memory_space<vmem>>
        %dma_start3A_256 = arith.constant 0 : i32
        %dma_start3A_257 = arith.constant 0 : i32
        %dma_start3A_258 = tpu.memref_slice %arg2[%dma_start3A_256, %dma_start3A_257] : memref<10000x136xf32, #tpu.memory_space<hbm>> -> memref<10000x136xf32, #tpu.memory_space<hbm>>
        tpu.enqueue_indirect_dma source(%dma_start3A_258 : memref<10000x136xf32, #tpu.memory_space<hbm>>) target(%arg8 : memref<128x136xf32, #tpu.memory_space<vmem>>) offsets(%dma_start3A_255 : memref<128xi32, #tpu.memory_space<vmem>>) semaphore(%arg10 : memref<!tpu.dma_semaphore, #tpu.memory_space<semaphore_mem>>)
      } else {
      }
      %add3A_169 = arith.constant 2 : i32
      %add3A_170 = arith.addi %add3A_121, %add3A_169 : i32
      %dma_wait3A_171 = arith.constant 2 : i32
      %dma_wait3A_172 = arith.constant 0 : i32
      %dma_wait3A_173 = arith.constant 0 : i32
      %dma_wait3A_174 = tpu.memref_slice %arg6[%dma_wait3A_171, %dma_wait3A_172, %dma_wait3A_173] : memref<4x2x128xi32, #tpu.memory_space<vmem>> -> memref<1x1x128xi32, #tpu.memory_space<vmem>>
      %dma_wait3A_175 = tpu.memref_squeeze %dma_wait3A_174 : memref<1x1x128xi32, #tpu.memory_space<vmem>> -> memref<128xi32, #tpu.memory_space<vmem>>
      %dma_wait3A_176 = arith.constant 0 : i32
      %dma_wait3A_177 = arith.constant 0 : i32
      %dma_wait3A_178 = tpu.memref_slice %arg2[%dma_wait3A_176, %dma_wait3A_177] : memref<10000x136xf32, #tpu.memory_space<hbm>> -> memref<10000x136xf32, #tpu.memory_space<hbm>>
      tpu.wait_indirect_dma semaphore(%arg9 : memref<!tpu.dma_semaphore, #tpu.memory_space<semaphore_mem>>) src(%dma_wait3A_178 : memref<10000x136xf32, #tpu.memory_space<hbm>>) dst(%arg7 : memref<128x136xf32, #tpu.memory_space<vmem>>)
      %dma_start3A_179 = arith.constant 2 : i32
      %dma_start3A_180 = arith.constant 1 : i32
      %dma_start3A_181 = arith.constant 0 : i32
      %dma_start3A_182 = tpu.memref_slice %arg6[%dma_start3A_179, %dma_start3A_180, %dma_start3A_181] : memref<4x2x128xi32, #tpu.memory_space<vmem>> -> memref<1x1x128xi32, #tpu.memory_space<vmem>>
      %dma_start3A_183 = tpu.memref_squeeze %dma_start3A_182 : memref<1x1x128xi32, #tpu.memory_space<vmem>> -> memref<128xi32, #tpu.memory_space<vmem>>
      %dma_start3A_184 = arith.constant 0 : i32
      %dma_start3A_185 = arith.constant 0 : i32
      %dma_start3A_186 = tpu.memref_slice %arg5[%dma_start3A_184, %dma_start3A_185] : memref<10240x136xf32, #tpu.memory_space<vmem_shared>> -> memref<10240x136xf32, #tpu.memory_space<vmem_shared>>
      tpu.enqueue_indirect_dma source(%arg7 : memref<128x136xf32, #tpu.memory_space<vmem>>) target(%dma_start3A_186 : memref<10240x136xf32, #tpu.memory_space<vmem_shared>>) offsets(%dma_start3A_183 : memref<128xi32, #tpu.memory_space<vmem>>) semaphore(%arg11 : memref<!tpu.dma_semaphore, #tpu.memory_space<semaphore_mem>>) {add = true}
      %add3A_187 = arith.constant 2 : i32
      %add3A_188 = arith.addi %add3A_170, %add3A_187 : i32
      %lt3A_189 = arith.cmpi slt, %add3A_188, %select_n3A : i32
      %convert_element_type3A_190 = arith.extui %lt3A_189 : i1 to i32
      %cond3A_191 = arith.constant 0 : i32
      %cond3A_192 = arith.cmpi ne, %convert_element_type3A_190, %cond3A_191 : i32
      scf.if %cond3A_192 {
        %dma_wait3A_217 = arith.constant 2 : i32
        %dma_wait3A_218 = arith.constant 1 : i32
        %dma_wait3A_219 = arith.constant 0 : i32
        %dma_wait3A_220 = tpu.memref_slice %arg6[%dma_wait3A_217, %dma_wait3A_218, %dma_wait3A_219] : memref<4x2x128xi32, #tpu.memory_space<vmem>> -> memref<1x1x128xi32, #tpu.memory_space<vmem>>
        %dma_wait3A_221 = tpu.memref_squeeze %dma_wait3A_220 : memref<1x1x128xi32, #tpu.memory_space<vmem>> -> memref<128xi32, #tpu.memory_space<vmem>>
        %dma_wait3A_222 = arith.constant 0 : i32
        %dma_wait3A_223 = arith.constant 0 : i32
        %dma_wait3A_224 = tpu.memref_slice %arg5[%dma_wait3A_222, %dma_wait3A_223] : memref<10240x136xf32, #tpu.memory_space<vmem_shared>> -> memref<10240x136xf32, #tpu.memory_space<vmem_shared>>
        tpu.wait_indirect_dma semaphore(%arg11 : memref<!tpu.dma_semaphore, #tpu.memory_space<semaphore_mem>>) src(%arg7 : memref<128x136xf32, #tpu.memory_space<vmem>>) dst(%dma_wait3A_224 : memref<10240x136xf32, #tpu.memory_space<vmem_shared>>)
        %add3A_225 = arith.constant 4 : i32
        %add3A_226 = arith.addi %add3A_170, %add3A_225 : i32
        %lt3A_227 = arith.cmpi slt, %add3A_226, %select_n3A : i32
        %convert_element_type3A_228 = arith.extui %lt3A_227 : i1 to i32
        %cond3A_229 = arith.constant 0 : i32
        %cond3A_230 = arith.cmpi ne, %convert_element_type3A_228, %cond3A_229 : i32
        scf.if %cond3A_230 {
          %add3A_259 = arith.addi %select_n3A_8, %add3A_170 : i32
          %add3A_260 = arith.constant 4 : i32
          %add3A_261 = arith.addi %add3A_259, %add3A_260 : i32
          %dma_start3A_262 = arith.constant 2 : i32
          %dma_start3A_263 = arith.constant 0 : i32
          %dma_start3A_264 = arith.constant 0 : i32
          %dma_start3A_265 = tpu.memref_slice %arg6[%dma_start3A_262, %dma_start3A_263, %dma_start3A_264] : memref<4x2x128xi32, #tpu.memory_space<vmem>> -> memref<1x2x128xi32, #tpu.memory_space<vmem>>
          %dma_start3A_266 = tpu.memref_squeeze %dma_start3A_265 : memref<1x2x128xi32, #tpu.memory_space<vmem>> -> memref<2x128xi32, #tpu.memory_space<vmem>>
          %dma_start3A_267 = arith.constant 0 : i32
          %dma_start3A_268 = arith.constant 0 : i32
          %dma_start3A_269 = tpu.memref_slice %arg3[%add3A_261, %dma_start3A_267, %dma_start3A_268] : memref<2560x2x128xi32, #tpu.memory_space<hbm>> -> memref<1x2x128xi32, #tpu.memory_space<hbm>>
          %dma_start3A_270 = tpu.memref_squeeze %dma_start3A_269 : memref<1x2x128xi32, #tpu.memory_space<hbm>> -> memref<2x128xi32, #tpu.memory_space<hbm>>
          %dma_start3A_271 = arith.constant 0 : i32
          %dma_start3A_272 = arith.constant 0 : i32
          %dma_start3A_273 = tpu.memref_slice %arg6[%dma_start3A_262, %dma_start3A_271, %dma_start3A_272] : memref<4x2x128xi32, #tpu.memory_space<vmem>> -> memref<1x2x128xi32, #tpu.memory_space<vmem>>
          %dma_start3A_274 = tpu.memref_squeeze %dma_start3A_273 : memref<1x2x128xi32, #tpu.memory_space<vmem>> -> memref<2x128xi32, #tpu.memory_space<vmem>>
          %dma_start3A_275 = arith.constant 0 : i32
          %dma_start3A_276 = arith.constant 0 : i32
          %dma_start3A_277 = tpu.memref_slice %arg3[%add3A_261, %dma_start3A_275, %dma_start3A_276] : memref<2560x2x128xi32, #tpu.memory_space<hbm>> -> memref<1x2x128xi32, #tpu.memory_space<hbm>>
          %dma_start3A_278 = tpu.memref_squeeze %dma_start3A_277 : memref<1x2x128xi32, #tpu.memory_space<hbm>> -> memref<2x128xi32, #tpu.memory_space<hbm>>
          tpu.enqueue_dma source(%dma_start3A_278 : memref<2x128xi32, #tpu.memory_space<hbm>>) target(%dma_start3A_274 : memref<2x128xi32, #tpu.memory_space<vmem>>) target_semaphore(%arg15 : memref<!tpu.dma_semaphore, #tpu.memory_space<semaphore_mem>>)
        } else {
        }
        %add3A_231 = arith.addi %select_n3A_8, %add3A_170 : i32
        %add3A_232 = arith.constant 2 : i32
        %add3A_233 = arith.addi %add3A_231, %add3A_232 : i32
        %dma_wait3A_234 = arith.constant 0 : i32
        %dma_wait3A_235 = arith.constant 0 : i32
        %dma_wait3A_236 = arith.constant 0 : i32
        %dma_wait3A_237 = tpu.memref_slice %arg6[%dma_wait3A_234, %dma_wait3A_235, %dma_wait3A_236] : memref<4x2x128xi32, #tpu.memory_space<vmem>> -> memref<1x2x128xi32, #tpu.memory_space<vmem>>
        %dma_wait3A_238 = tpu.memref_squeeze %dma_wait3A_237 : memref<1x2x128xi32, #tpu.memory_space<vmem>> -> memref<2x128xi32, #tpu.memory_space<vmem>>
        %dma_wait3A_239 = arith.constant 0 : i32
        %dma_wait3A_240 = arith.constant 0 : i32
        %dma_wait3A_241 = tpu.memref_slice %arg3[%add3A_233, %dma_wait3A_239, %dma_wait3A_240] : memref<2560x2x128xi32, #tpu.memory_space<hbm>> -> memref<1x2x128xi32, #tpu.memory_space<hbm>>
        %dma_wait3A_242 = tpu.memref_squeeze %dma_wait3A_241 : memref<1x2x128xi32, #tpu.memory_space<hbm>> -> memref<2x128xi32, #tpu.memory_space<hbm>>
        %dma_wait3A_243 = arith.constant 0 : i32
        %dma_wait3A_244 = arith.constant 0 : i32
        %dma_wait3A_245 = tpu.memref_slice %arg6[%dma_wait3A_234, %dma_wait3A_243, %dma_wait3A_244] : memref<4x2x128xi32, #tpu.memory_space<vmem>> -> memref<1x2x128xi32, #tpu.memory_space<vmem>>
        %dma_wait3A_246 = tpu.memref_squeeze %dma_wait3A_245 : memref<1x2x128xi32, #tpu.memory_space<vmem>> -> memref<2x128xi32, #tpu.memory_space<vmem>>
        %dma_wait3A_247 = arith.constant 0 : i32
        %dma_wait3A_248 = arith.constant 0 : i32
        %dma_wait3A_249 = tpu.memref_slice %arg3[%add3A_233, %dma_wait3A_247, %dma_wait3A_248] : memref<2560x2x128xi32, #tpu.memory_space<hbm>> -> memref<1x2x128xi32, #tpu.memory_space<hbm>>
        %dma_wait3A_250 = tpu.memref_squeeze %dma_wait3A_249 : memref<1x2x128xi32, #tpu.memory_space<hbm>> -> memref<2x128xi32, #tpu.memory_space<hbm>>
        tpu.wait_dma2 semaphore(%arg13 : memref<!tpu.dma_semaphore, #tpu.memory_space<semaphore_mem>>) src(%dma_wait3A_250 : memref<2x128xi32, #tpu.memory_space<hbm>>) dst(%dma_wait3A_246 : memref<2x128xi32, #tpu.memory_space<vmem>>)
        %dma_start3A_251 = arith.constant 0 : i32
        %dma_start3A_252 = arith.constant 0 : i32
        %dma_start3A_253 = arith.constant 0 : i32
        %dma_start3A_254 = tpu.memref_slice %arg6[%dma_start3A_251, %dma_start3A_252, %dma_start3A_253] : memref<4x2x128xi32, #tpu.memory_space<vmem>> -> memref<1x1x128xi32, #tpu.memory_space<vmem>>
        %dma_start3A_255 = tpu.memref_squeeze %dma_start3A_254 : memref<1x1x128xi32, #tpu.memory_space<vmem>> -> memref<128xi32, #tpu.memory_space<vmem>>
        %dma_start3A_256 = arith.constant 0 : i32
        %dma_start3A_257 = arith.constant 0 : i32
        %dma_start3A_258 = tpu.memref_slice %arg2[%dma_start3A_256, %dma_start3A_257] : memref<10000x136xf32, #tpu.memory_space<hbm>> -> memref<10000x136xf32, #tpu.memory_space<hbm>>
        tpu.enqueue_indirect_dma source(%dma_start3A_258 : memref<10000x136xf32, #tpu.memory_space<hbm>>) target(%arg7 : memref<128x136xf32, #tpu.memory_space<vmem>>) offsets(%dma_start3A_255 : memref<128xi32, #tpu.memory_space<vmem>>) semaphore(%arg9 : memref<!tpu.dma_semaphore, #tpu.memory_space<semaphore_mem>>)
      } else {
      }
      %add3A_193 = arith.constant 3 : i32
      %add3A_194 = arith.addi %add3A_121, %add3A_193 : i32
      %dma_wait3A_195 = arith.constant 3 : i32
      %dma_wait3A_196 = arith.constant 0 : i32
      %dma_wait3A_197 = arith.constant 0 : i32
      %dma_wait3A_198 = tpu.memref_slice %arg6[%dma_wait3A_195, %dma_wait3A_196, %dma_wait3A_197] : memref<4x2x128xi32, #tpu.memory_space<vmem>> -> memref<1x1x128xi32, #tpu.memory_space<vmem>>
      %dma_wait3A_199 = tpu.memref_squeeze %dma_wait3A_198 : memref<1x1x128xi32, #tpu.memory_space<vmem>> -> memref<128xi32, #tpu.memory_space<vmem>>
      %dma_wait3A_200 = arith.constant 0 : i32
      %dma_wait3A_201 = arith.constant 0 : i32
      %dma_wait3A_202 = tpu.memref_slice %arg2[%dma_wait3A_200, %dma_wait3A_201] : memref<10000x136xf32, #tpu.memory_space<hbm>> -> memref<10000x136xf32, #tpu.memory_space<hbm>>
      tpu.wait_indirect_dma semaphore(%arg10 : memref<!tpu.dma_semaphore, #tpu.memory_space<semaphore_mem>>) src(%dma_wait3A_202 : memref<10000x136xf32, #tpu.memory_space<hbm>>) dst(%arg8 : memref<128x136xf32, #tpu.memory_space<vmem>>)
      %dma_start3A_203 = arith.constant 3 : i32
      %dma_start3A_204 = arith.constant 1 : i32
      %dma_start3A_205 = arith.constant 0 : i32
      %dma_start3A_206 = tpu.memref_slice %arg6[%dma_start3A_203, %dma_start3A_204, %dma_start3A_205] : memref<4x2x128xi32, #tpu.memory_space<vmem>> -> memref<1x1x128xi32, #tpu.memory_space<vmem>>
      %dma_start3A_207 = tpu.memref_squeeze %dma_start3A_206 : memref<1x1x128xi32, #tpu.memory_space<vmem>> -> memref<128xi32, #tpu.memory_space<vmem>>
      %dma_start3A_208 = arith.constant 0 : i32
      %dma_start3A_209 = arith.constant 0 : i32
      %dma_start3A_210 = tpu.memref_slice %arg5[%dma_start3A_208, %dma_start3A_209] : memref<10240x136xf32, #tpu.memory_space<vmem_shared>> -> memref<10240x136xf32, #tpu.memory_space<vmem_shared>>
      tpu.enqueue_indirect_dma source(%arg8 : memref<128x136xf32, #tpu.memory_space<vmem>>) target(%dma_start3A_210 : memref<10240x136xf32, #tpu.memory_space<vmem_shared>>) offsets(%dma_start3A_207 : memref<128xi32, #tpu.memory_space<vmem>>) semaphore(%arg12 : memref<!tpu.dma_semaphore, #tpu.memory_space<semaphore_mem>>) {add = true}
      %add3A_211 = arith.constant 2 : i32
      %add3A_212 = arith.addi %add3A_194, %add3A_211 : i32
      %lt3A_213 = arith.cmpi slt, %add3A_212, %select_n3A : i32
      %convert_element_type3A_214 = arith.extui %lt3A_213 : i1 to i32
      %cond3A_215 = arith.constant 0 : i32
      %cond3A_216 = arith.cmpi ne, %convert_element_type3A_214, %cond3A_215 : i32
      scf.if %cond3A_216 {
        %dma_wait3A_217 = arith.constant 3 : i32
        %dma_wait3A_218 = arith.constant 1 : i32
        %dma_wait3A_219 = arith.constant 0 : i32
        %dma_wait3A_220 = tpu.memref_slice %arg6[%dma_wait3A_217, %dma_wait3A_218, %dma_wait3A_219] : memref<4x2x128xi32, #tpu.memory_space<vmem>> -> memref<1x1x128xi32, #tpu.memory_space<vmem>>
        %dma_wait3A_221 = tpu.memref_squeeze %dma_wait3A_220 : memref<1x1x128xi32, #tpu.memory_space<vmem>> -> memref<128xi32, #tpu.memory_space<vmem>>
        %dma_wait3A_222 = arith.constant 0 : i32
        %dma_wait3A_223 = arith.constant 0 : i32
        %dma_wait3A_224 = tpu.memref_slice %arg5[%dma_wait3A_222, %dma_wait3A_223] : memref<10240x136xf32, #tpu.memory_space<vmem_shared>> -> memref<10240x136xf32, #tpu.memory_space<vmem_shared>>
        tpu.wait_indirect_dma semaphore(%arg12 : memref<!tpu.dma_semaphore, #tpu.memory_space<semaphore_mem>>) src(%arg8 : memref<128x136xf32, #tpu.memory_space<vmem>>) dst(%dma_wait3A_224 : memref<10240x136xf32, #tpu.memory_space<vmem_shared>>)
        %add3A_225 = arith.constant 4 : i32
        %add3A_226 = arith.addi %add3A_194, %add3A_225 : i32
        %lt3A_227 = arith.cmpi slt, %add3A_226, %select_n3A : i32
        %convert_element_type3A_228 = arith.extui %lt3A_227 : i1 to i32
        %cond3A_229 = arith.constant 0 : i32
        %cond3A_230 = arith.cmpi ne, %convert_element_type3A_228, %cond3A_229 : i32
        scf.if %cond3A_230 {
          %add3A_259 = arith.addi %select_n3A_8, %add3A_194 : i32
          %add3A_260 = arith.constant 4 : i32
          %add3A_261 = arith.addi %add3A_259, %add3A_260 : i32
          %dma_start3A_262 = arith.constant 3 : i32
          %dma_start3A_263 = arith.constant 0 : i32
          %dma_start3A_264 = arith.constant 0 : i32
          %dma_start3A_265 = tpu.memref_slice %arg6[%dma_start3A_262, %dma_start3A_263, %dma_start3A_264] : memref<4x2x128xi32, #tpu.memory_space<vmem>> -> memref<1x2x128xi32, #tpu.memory_space<vmem>>
          %dma_start3A_266 = tpu.memref_squeeze %dma_start3A_265 : memref<1x2x128xi32, #tpu.memory_space<vmem>> -> memref<2x128xi32, #tpu.memory_space<vmem>>
          %dma_start3A_267 = arith.constant 0 : i32
          %dma_start3A_268 = arith.constant 0 : i32
          %dma_start3A_269 = tpu.memref_slice %arg3[%add3A_261, %dma_start3A_267, %dma_start3A_268] : memref<2560x2x128xi32, #tpu.memory_space<hbm>> -> memref<1x2x128xi32, #tpu.memory_space<hbm>>
          %dma_start3A_270 = tpu.memref_squeeze %dma_start3A_269 : memref<1x2x128xi32, #tpu.memory_space<hbm>> -> memref<2x128xi32, #tpu.memory_space<hbm>>
          %dma_start3A_271 = arith.constant 0 : i32
          %dma_start3A_272 = arith.constant 0 : i32
          %dma_start3A_273 = tpu.memref_slice %arg6[%dma_start3A_262, %dma_start3A_271, %dma_start3A_272] : memref<4x2x128xi32, #tpu.memory_space<vmem>> -> memref<1x2x128xi32, #tpu.memory_space<vmem>>
          %dma_start3A_274 = tpu.memref_squeeze %dma_start3A_273 : memref<1x2x128xi32, #tpu.memory_space<vmem>> -> memref<2x128xi32, #tpu.memory_space<vmem>>
          %dma_start3A_275 = arith.constant 0 : i32
          %dma_start3A_276 = arith.constant 0 : i32
          %dma_start3A_277 = tpu.memref_slice %arg3[%add3A_261, %dma_start3A_275, %dma_start3A_276] : memref<2560x2x128xi32, #tpu.memory_space<hbm>> -> memref<1x2x128xi32, #tpu.memory_space<hbm>>
          %dma_start3A_278 = tpu.memref_squeeze %dma_start3A_277 : memref<1x2x128xi32, #tpu.memory_space<hbm>> -> memref<2x128xi32, #tpu.memory_space<hbm>>
          tpu.enqueue_dma source(%dma_start3A_278 : memref<2x128xi32, #tpu.memory_space<hbm>>) target(%dma_start3A_274 : memref<2x128xi32, #tpu.memory_space<vmem>>) target_semaphore(%arg16 : memref<!tpu.dma_semaphore, #tpu.memory_space<semaphore_mem>>)
        } else {
        }
        %add3A_231 = arith.addi %select_n3A_8, %add3A_194 : i32
        %add3A_232 = arith.constant 2 : i32
        %add3A_233 = arith.addi %add3A_231, %add3A_232 : i32
        %dma_wait3A_234 = arith.constant 1 : i32
        %dma_wait3A_235 = arith.constant 0 : i32
        %dma_wait3A_236 = arith.constant 0 : i32
        %dma_wait3A_237 = tpu.memref_slice %arg6[%dma_wait3A_234, %dma_wait3A_235, %dma_wait3A_236] : memref<4x2x128xi32, #tpu.memory_space<vmem>> -> memref<1x2x128xi32, #tpu.memory_space<vmem>>
        %dma_wait3A_238 = tpu.memref_squeeze %dma_wait3A_237 : memref<1x2x128xi32, #tpu.memory_space<vmem>> -> memref<2x128xi32, #tpu.memory_space<vmem>>
        %dma_wait3A_239 = arith.constant 0 : i32
        %dma_wait3A_240 = arith.constant 0 : i32
        %dma_wait3A_241 = tpu.memref_slice %arg3[%add3A_233, %dma_wait3A_239, %dma_wait3A_240] : memref<2560x2x128xi32, #tpu.memory_space<hbm>> -> memref<1x2x128xi32, #tpu.memory_space<hbm>>
        %dma_wait3A_242 = tpu.memref_squeeze %dma_wait3A_241 : memref<1x2x128xi32, #tpu.memory_space<hbm>> -> memref<2x128xi32, #tpu.memory_space<hbm>>
        %dma_wait3A_243 = arith.constant 0 : i32
        %dma_wait3A_244 = arith.constant 0 : i32
        %dma_wait3A_245 = tpu.memref_slice %arg6[%dma_wait3A_234, %dma_wait3A_243, %dma_wait3A_244] : memref<4x2x128xi32, #tpu.memory_space<vmem>> -> memref<1x2x128xi32, #tpu.memory_space<vmem>>
        %dma_wait3A_246 = tpu.memref_squeeze %dma_wait3A_245 : memref<1x2x128xi32, #tpu.memory_space<vmem>> -> memref<2x128xi32, #tpu.memory_space<vmem>>
        %dma_wait3A_247 = arith.constant 0 : i32
        %dma_wait3A_248 = arith.constant 0 : i32
        %dma_wait3A_249 = tpu.memref_slice %arg3[%add3A_233, %dma_wait3A_247, %dma_wait3A_248] : memref<2560x2x128xi32, #tpu.memory_space<hbm>> -> memref<1x2x128xi32, #tpu.memory_space<hbm>>
        %dma_wait3A_250 = tpu.memref_squeeze %dma_wait3A_249 : memref<1x2x128xi32, #tpu.memory_space<hbm>> -> memref<2x128xi32, #tpu.memory_space<hbm>>
        tpu.wait_dma2 semaphore(%arg14 : memref<!tpu.dma_semaphore, #tpu.memory_space<semaphore_mem>>) src(%dma_wait3A_250 : memref<2x128xi32, #tpu.memory_space<hbm>>) dst(%dma_wait3A_246 : memref<2x128xi32, #tpu.memory_space<vmem>>)
        %dma_start3A_251 = arith.constant 1 : i32
        %dma_start3A_252 = arith.constant 0 : i32
        %dma_start3A_253 = arith.constant 0 : i32
        %dma_start3A_254 = tpu.memref_slice %arg6[%dma_start3A_251, %dma_start3A_252, %dma_start3A_253] : memref<4x2x128xi32, #tpu.memory_space<vmem>> -> memref<1x1x128xi32, #tpu.memory_space<vmem>>
        %dma_start3A_255 = tpu.memref_squeeze %dma_start3A_254 : memref<1x1x128xi32, #tpu.memory_space<vmem>> -> memref<128xi32, #tpu.memory_space<vmem>>
        %dma_start3A_256 = arith.constant 0 : i32
        %dma_start3A_257 = arith.constant 0 : i32
        %dma_start3A_258 = tpu.memref_slice %arg2[%dma_start3A_256, %dma_start3A_257] : memref<10000x136xf32, #tpu.memory_space<hbm>> -> memref<10000x136xf32, #tpu.memory_space<hbm>>
        tpu.enqueue_indirect_dma source(%dma_start3A_258 : memref<10000x136xf32, #tpu.memory_space<hbm>>) target(%arg8 : memref<128x136xf32, #tpu.memory_space<vmem>>) offsets(%dma_start3A_255 : memref<128xi32, #tpu.memory_space<vmem>>) semaphore(%arg10 : memref<!tpu.dma_semaphore, #tpu.memory_space<semaphore_mem>>)
      } else {
      }
    }
    %while3A_97 = arith.constant 1 : i32
    scf.for %while3A_119 = %while3A_95 to %while3A_91 step %while3A_97  : i32 {
      %mul3A_120 = arith.muli %while3A_119, %while3A : i32
      %add3A_121 = arith.addi %while3A_88, %mul3A_120 : i32
      %add3A_122 = arith.constant 0 : i32
      %add3A_123 = arith.addi %add3A_121, %add3A_122 : i32
      %dma_wait3A_124 = arith.constant 0 : i32
      %dma_wait3A_125 = arith.constant 0 : i32
      %dma_wait3A_126 = arith.constant 0 : i32
      %dma_wait3A_127 = tpu.memref_slice %arg6[%dma_wait3A_124, %dma_wait3A_125, %dma_wait3A_126] : memref<4x2x128xi32, #tpu.memory_space<vmem>> -> memref<1x1x128xi32, #tpu.memory_space<vmem>>
      %dma_wait3A_128 = tpu.memref_squeeze %dma_wait3A_127 : memref<1x1x128xi32, #tpu.memory_space<vmem>> -> memref<128xi32, #tpu.memory_space<vmem>>
      %dma_wait3A_129 = arith.constant 0 : i32
      %dma_wait3A_130 = arith.constant 0 : i32
      %dma_wait3A_131 = tpu.memref_slice %arg2[%dma_wait3A_129, %dma_wait3A_130] : memref<10000x136xf32, #tpu.memory_space<hbm>> -> memref<10000x136xf32, #tpu.memory_space<hbm>>
      tpu.wait_indirect_dma semaphore(%arg9 : memref<!tpu.dma_semaphore, #tpu.memory_space<semaphore_mem>>) src(%dma_wait3A_131 : memref<10000x136xf32, #tpu.memory_space<hbm>>) dst(%arg7 : memref<128x136xf32, #tpu.memory_space<vmem>>)
      %dma_start3A_132 = arith.constant 0 : i32
      %dma_start3A_133 = arith.constant 1 : i32
      %dma_start3A_134 = arith.constant 0 : i32
      %dma_start3A_135 = tpu.memref_slice %arg6[%dma_start3A_132, %dma_start3A_133, %dma_start3A_134] : memref<4x2x128xi32, #tpu.memory_space<vmem>> -> memref<1x1x128xi32, #tpu.memory_space<vmem>>
      %dma_start3A_136 = tpu.memref_squeeze %dma_start3A_135 : memref<1x1x128xi32, #tpu.memory_space<vmem>> -> memref<128xi32, #tpu.memory_space<vmem>>
      %dma_start3A_137 = arith.constant 0 : i32
      %dma_start3A_138 = arith.constant 0 : i32
      %dma_start3A_139 = tpu.memref_slice %arg5[%dma_start3A_137, %dma_start3A_138] : memref<10240x136xf32, #tpu.memory_space<vmem_shared>> -> memref<10240x136xf32, #tpu.memory_space<vmem_shared>>
      tpu.enqueue_indirect_dma source(%arg7 : memref<128x136xf32, #tpu.memory_space<vmem>>) target(%dma_start3A_139 : memref<10240x136xf32, #tpu.memory_space<vmem_shared>>) offsets(%dma_start3A_136 : memref<128xi32, #tpu.memory_space<vmem>>) semaphore(%arg11 : memref<!tpu.dma_semaphore, #tpu.memory_space<semaphore_mem>>) {add = true}
      %add3A_140 = arith.constant 2 : i32
      %add3A_141 = arith.addi %add3A_123, %add3A_140 : i32
      %lt3A = arith.cmpi slt, %add3A_141, %select_n3A : i32
      %convert_element_type3A_142 = arith.extui %lt3A : i1 to i32
      %cond3A_143 = arith.constant 0 : i32
      %cond3A_144 = arith.cmpi ne, %convert_element_type3A_142, %cond3A_143 : i32
      scf.if %cond3A_144 {
        %dma_wait3A_217 = arith.constant 0 : i32
        %dma_wait3A_218 = arith.constant 1 : i32
        %dma_wait3A_219 = arith.constant 0 : i32
        %dma_wait3A_220 = tpu.memref_slice %arg6[%dma_wait3A_217, %dma_wait3A_218, %dma_wait3A_219] : memref<4x2x128xi32, #tpu.memory_space<vmem>> -> memref<1x1x128xi32, #tpu.memory_space<vmem>>
        %dma_wait3A_221 = tpu.memref_squeeze %dma_wait3A_220 : memref<1x1x128xi32, #tpu.memory_space<vmem>> -> memref<128xi32, #tpu.memory_space<vmem>>
        %dma_wait3A_222 = arith.constant 0 : i32
        %dma_wait3A_223 = arith.constant 0 : i32
        %dma_wait3A_224 = tpu.memref_slice %arg5[%dma_wait3A_222, %dma_wait3A_223] : memref<10240x136xf32, #tpu.memory_space<vmem_shared>> -> memref<10240x136xf32, #tpu.memory_space<vmem_shared>>
        tpu.wait_indirect_dma semaphore(%arg11 : memref<!tpu.dma_semaphore, #tpu.memory_space<semaphore_mem>>) src(%arg7 : memref<128x136xf32, #tpu.memory_space<vmem>>) dst(%dma_wait3A_224 : memref<10240x136xf32, #tpu.memory_space<vmem_shared>>)
        %add3A_225 = arith.constant 4 : i32
        %add3A_226 = arith.addi %add3A_123, %add3A_225 : i32
        %lt3A_227 = arith.cmpi slt, %add3A_226, %select_n3A : i32
        %convert_element_type3A_228 = arith.extui %lt3A_227 : i1 to i32
        %cond3A_229 = arith.constant 0 : i32
        %cond3A_230 = arith.cmpi ne, %convert_element_type3A_228, %cond3A_229 : i32
        scf.if %cond3A_230 {
          %add3A_259 = arith.addi %select_n3A_8, %add3A_123 : i32
          %add3A_260 = arith.constant 4 : i32
          %add3A_261 = arith.addi %add3A_259, %add3A_260 : i32
          %dma_start3A_262 = arith.constant 0 : i32
          %dma_start3A_263 = arith.constant 0 : i32
          %dma_start3A_264 = arith.constant 0 : i32
          %dma_start3A_265 = tpu.memref_slice %arg6[%dma_start3A_262, %dma_start3A_263, %dma_start3A_264] : memref<4x2x128xi32, #tpu.memory_space<vmem>> -> memref<1x2x128xi32, #tpu.memory_space<vmem>>
          %dma_start3A_266 = tpu.memref_squeeze %dma_start3A_265 : memref<1x2x128xi32, #tpu.memory_space<vmem>> -> memref<2x128xi32, #tpu.memory_space<vmem>>
          %dma_start3A_267 = arith.constant 0 : i32
          %dma_start3A_268 = arith.constant 0 : i32
          %dma_start3A_269 = tpu.memref_slice %arg3[%add3A_261, %dma_start3A_267, %dma_start3A_268] : memref<2560x2x128xi32, #tpu.memory_space<hbm>> -> memref<1x2x128xi32, #tpu.memory_space<hbm>>
          %dma_start3A_270 = tpu.memref_squeeze %dma_start3A_269 : memref<1x2x128xi32, #tpu.memory_space<hbm>> -> memref<2x128xi32, #tpu.memory_space<hbm>>
          %dma_start3A_271 = arith.constant 0 : i32
          %dma_start3A_272 = arith.constant 0 : i32
          %dma_start3A_273 = tpu.memref_slice %arg6[%dma_start3A_262, %dma_start3A_271, %dma_start3A_272] : memref<4x2x128xi32, #tpu.memory_space<vmem>> -> memref<1x2x128xi32, #tpu.memory_space<vmem>>
          %dma_start3A_274 = tpu.memref_squeeze %dma_start3A_273 : memref<1x2x128xi32, #tpu.memory_space<vmem>> -> memref<2x128xi32, #tpu.memory_space<vmem>>
          %dma_start3A_275 = arith.constant 0 : i32
          %dma_start3A_276 = arith.constant 0 : i32
          %dma_start3A_277 = tpu.memref_slice %arg3[%add3A_261, %dma_start3A_275, %dma_start3A_276] : memref<2560x2x128xi32, #tpu.memory_space<hbm>> -> memref<1x2x128xi32, #tpu.memory_space<hbm>>
          %dma_start3A_278 = tpu.memref_squeeze %dma_start3A_277 : memref<1x2x128xi32, #tpu.memory_space<hbm>> -> memref<2x128xi32, #tpu.memory_space<hbm>>
          tpu.enqueue_dma source(%dma_start3A_278 : memref<2x128xi32, #tpu.memory_space<hbm>>) target(%dma_start3A_274 : memref<2x128xi32, #tpu.memory_space<vmem>>) target_semaphore(%arg13 : memref<!tpu.dma_semaphore, #tpu.memory_space<semaphore_mem>>)
        } else {
        }
        %add3A_231 = arith.addi %select_n3A_8, %add3A_123 : i32
        %add3A_232 = arith.constant 2 : i32
        %add3A_233 = arith.addi %add3A_231, %add3A_232 : i32
        %dma_wait3A_234 = arith.constant 2 : i32
        %dma_wait3A_235 = arith.constant 0 : i32
        %dma_wait3A_236 = arith.constant 0 : i32
        %dma_wait3A_237 = tpu.memref_slice %arg6[%dma_wait3A_234, %dma_wait3A_235, %dma_wait3A_236] : memref<4x2x128xi32, #tpu.memory_space<vmem>> -> memref<1x2x128xi32, #tpu.memory_space<vmem>>
        %dma_wait3A_238 = tpu.memref_squeeze %dma_wait3A_237 : memref<1x2x128xi32, #tpu.memory_space<vmem>> -> memref<2x128xi32, #tpu.memory_space<vmem>>
        %dma_wait3A_239 = arith.constant 0 : i32
        %dma_wait3A_240 = arith.constant 0 : i32
        %dma_wait3A_241 = tpu.memref_slice %arg3[%add3A_233, %dma_wait3A_239, %dma_wait3A_240] : memref<2560x2x128xi32, #tpu.memory_space<hbm>> -> memref<1x2x128xi32, #tpu.memory_space<hbm>>
        %dma_wait3A_242 = tpu.memref_squeeze %dma_wait3A_241 : memref<1x2x128xi32, #tpu.memory_space<hbm>> -> memref<2x128xi32, #tpu.memory_space<hbm>>
        %dma_wait3A_243 = arith.constant 0 : i32
        %dma_wait3A_244 = arith.constant 0 : i32
        %dma_wait3A_245 = tpu.memref_slice %arg6[%dma_wait3A_234, %dma_wait3A_243, %dma_wait3A_244] : memref<4x2x128xi32, #tpu.memory_space<vmem>> -> memref<1x2x128xi32, #tpu.memory_space<vmem>>
        %dma_wait3A_246 = tpu.memref_squeeze %dma_wait3A_245 : memref<1x2x128xi32, #tpu.memory_space<vmem>> -> memref<2x128xi32, #tpu.memory_space<vmem>>
        %dma_wait3A_247 = arith.constant 0 : i32
        %dma_wait3A_248 = arith.constant 0 : i32
        %dma_wait3A_249 = tpu.memref_slice %arg3[%add3A_233, %dma_wait3A_247, %dma_wait3A_248] : memref<2560x2x128xi32, #tpu.memory_space<hbm>> -> memref<1x2x128xi32, #tpu.memory_space<hbm>>
        %dma_wait3A_250 = tpu.memref_squeeze %dma_wait3A_249 : memref<1x2x128xi32, #tpu.memory_space<hbm>> -> memref<2x128xi32, #tpu.memory_space<hbm>>
        tpu.wait_dma2 semaphore(%arg15 : memref<!tpu.dma_semaphore, #tpu.memory_space<semaphore_mem>>) src(%dma_wait3A_250 : memref<2x128xi32, #tpu.memory_space<hbm>>) dst(%dma_wait3A_246 : memref<2x128xi32, #tpu.memory_space<vmem>>)
        %dma_start3A_251 = arith.constant 2 : i32
        %dma_start3A_252 = arith.constant 0 : i32
        %dma_start3A_253 = arith.constant 0 : i32
        %dma_start3A_254 = tpu.memref_slice %arg6[%dma_start3A_251, %dma_start3A_252, %dma_start3A_253] : memref<4x2x128xi32, #tpu.memory_space<vmem>> -> memref<1x1x128xi32, #tpu.memory_space<vmem>>
        %dma_start3A_255 = tpu.memref_squeeze %dma_start3A_254 : memref<1x1x128xi32, #tpu.memory_space<vmem>> -> memref<128xi32, #tpu.memory_space<vmem>>
        %dma_start3A_256 = arith.constant 0 : i32
        %dma_start3A_257 = arith.constant 0 : i32
        %dma_start3A_258 = tpu.memref_slice %arg2[%dma_start3A_256, %dma_start3A_257] : memref<10000x136xf32, #tpu.memory_space<hbm>> -> memref<10000x136xf32, #tpu.memory_space<hbm>>
        tpu.enqueue_indirect_dma source(%dma_start3A_258 : memref<10000x136xf32, #tpu.memory_space<hbm>>) target(%arg7 : memref<128x136xf32, #tpu.memory_space<vmem>>) offsets(%dma_start3A_255 : memref<128xi32, #tpu.memory_space<vmem>>) semaphore(%arg9 : memref<!tpu.dma_semaphore, #tpu.memory_space<semaphore_mem>>)
      } else {
      }
      %add3A_145 = arith.constant 1 : i32
      %add3A_146 = arith.addi %add3A_121, %add3A_145 : i32
      %dma_wait3A_147 = arith.constant 1 : i32
      %dma_wait3A_148 = arith.constant 0 : i32
      %dma_wait3A_149 = arith.constant 0 : i32
      %dma_wait3A_150 = tpu.memref_slice %arg6[%dma_wait3A_147, %dma_wait3A_148, %dma_wait3A_149] : memref<4x2x128xi32, #tpu.memory_space<vmem>> -> memref<1x1x128xi32, #tpu.memory_space<vmem>>
      %dma_wait3A_151 = tpu.memref_squeeze %dma_wait3A_150 : memref<1x1x128xi32, #tpu.memory_space<vmem>> -> memref<128xi32, #tpu.memory_space<vmem>>
      %dma_wait3A_152 = arith.constant 0 : i32
      %dma_wait3A_153 = arith.constant 0 : i32
      %dma_wait3A_154 = tpu.memref_slice %arg2[%dma_wait3A_152, %dma_wait3A_153] : memref<10000x136xf32, #tpu.memory_space<hbm>> -> memref<10000x136xf32, #tpu.memory_space<hbm>>
      tpu.wait_indirect_dma semaphore(%arg10 : memref<!tpu.dma_semaphore, #tpu.memory_space<semaphore_mem>>) src(%dma_wait3A_154 : memref<10000x136xf32, #tpu.memory_space<hbm>>) dst(%arg8 : memref<128x136xf32, #tpu.memory_space<vmem>>)
      %dma_start3A_155 = arith.constant 1 : i32
      %dma_start3A_156 = arith.constant 1 : i32
      %dma_start3A_157 = arith.constant 0 : i32
      %dma_start3A_158 = tpu.memref_slice %arg6[%dma_start3A_155, %dma_start3A_156, %dma_start3A_157] : memref<4x2x128xi32, #tpu.memory_space<vmem>> -> memref<1x1x128xi32, #tpu.memory_space<vmem>>
      %dma_start3A_159 = tpu.memref_squeeze %dma_start3A_158 : memref<1x1x128xi32, #tpu.memory_space<vmem>> -> memref<128xi32, #tpu.memory_space<vmem>>
      %dma_start3A_160 = arith.constant 0 : i32
      %dma_start3A_161 = arith.constant 0 : i32
      %dma_start3A_162 = tpu.memref_slice %arg5[%dma_start3A_160, %dma_start3A_161] : memref<10240x136xf32, #tpu.memory_space<vmem_shared>> -> memref<10240x136xf32, #tpu.memory_space<vmem_shared>>
      tpu.enqueue_indirect_dma source(%arg8 : memref<128x136xf32, #tpu.memory_space<vmem>>) target(%dma_start3A_162 : memref<10240x136xf32, #tpu.memory_space<vmem_shared>>) offsets(%dma_start3A_159 : memref<128xi32, #tpu.memory_space<vmem>>) semaphore(%arg12 : memref<!tpu.dma_semaphore, #tpu.memory_space<semaphore_mem>>) {add = true}
      %add3A_163 = arith.constant 2 : i32
      %add3A_164 = arith.addi %add3A_146, %add3A_163 : i32
      %lt3A_165 = arith.cmpi slt, %add3A_164, %select_n3A : i32
      %convert_element_type3A_166 = arith.extui %lt3A_165 : i1 to i32
      %cond3A_167 = arith.constant 0 : i32
      %cond3A_168 = arith.cmpi ne, %convert_element_type3A_166, %cond3A_167 : i32
      scf.if %cond3A_168 {
        %dma_wait3A_217 = arith.constant 1 : i32
        %dma_wait3A_218 = arith.constant 1 : i32
        %dma_wait3A_219 = arith.constant 0 : i32
        %dma_wait3A_220 = tpu.memref_slice %arg6[%dma_wait3A_217, %dma_wait3A_218, %dma_wait3A_219] : memref<4x2x128xi32, #tpu.memory_space<vmem>> -> memref<1x1x128xi32, #tpu.memory_space<vmem>>
        %dma_wait3A_221 = tpu.memref_squeeze %dma_wait3A_220 : memref<1x1x128xi32, #tpu.memory_space<vmem>> -> memref<128xi32, #tpu.memory_space<vmem>>
        %dma_wait3A_222 = arith.constant 0 : i32
        %dma_wait3A_223 = arith.constant 0 : i32
        %dma_wait3A_224 = tpu.memref_slice %arg5[%dma_wait3A_222, %dma_wait3A_223] : memref<10240x136xf32, #tpu.memory_space<vmem_shared>> -> memref<10240x136xf32, #tpu.memory_space<vmem_shared>>
        tpu.wait_indirect_dma semaphore(%arg12 : memref<!tpu.dma_semaphore, #tpu.memory_space<semaphore_mem>>) src(%arg8 : memref<128x136xf32, #tpu.memory_space<vmem>>) dst(%dma_wait3A_224 : memref<10240x136xf32, #tpu.memory_space<vmem_shared>>)
        %add3A_225 = arith.constant 4 : i32
        %add3A_226 = arith.addi %add3A_146, %add3A_225 : i32
        %lt3A_227 = arith.cmpi slt, %add3A_226, %select_n3A : i32
        %convert_element_type3A_228 = arith.extui %lt3A_227 : i1 to i32
        %cond3A_229 = arith.constant 0 : i32
        %cond3A_230 = arith.cmpi ne, %convert_element_type3A_228, %cond3A_229 : i32
        scf.if %cond3A_230 {
          %add3A_259 = arith.addi %select_n3A_8, %add3A_146 : i32
          %add3A_260 = arith.constant 4 : i32
          %add3A_261 = arith.addi %add3A_259, %add3A_260 : i32
          %dma_start3A_262 = arith.constant 1 : i32
          %dma_start3A_263 = arith.constant 0 : i32
          %dma_start3A_264 = arith.constant 0 : i32
          %dma_start3A_265 = tpu.memref_slice %arg6[%dma_start3A_262, %dma_start3A_263, %dma_start3A_264] : memref<4x2x128xi32, #tpu.memory_space<vmem>> -> memref<1x2x128xi32, #tpu.memory_space<vmem>>
          %dma_start3A_266 = tpu.memref_squeeze %dma_start3A_265 : memref<1x2x128xi32, #tpu.memory_space<vmem>> -> memref<2x128xi32, #tpu.memory_space<vmem>>
          %dma_start3A_267 = arith.constant 0 : i32
          %dma_start3A_268 = arith.constant 0 : i32
          %dma_start3A_269 = tpu.memref_slice %arg3[%add3A_261, %dma_start3A_267, %dma_start3A_268] : memref<2560x2x128xi32, #tpu.memory_space<hbm>> -> memref<1x2x128xi32, #tpu.memory_space<hbm>>
          %dma_start3A_270 = tpu.memref_squeeze %dma_start3A_269 : memref<1x2x128xi32, #tpu.memory_space<hbm>> -> memref<2x128xi32, #tpu.memory_space<hbm>>
          %dma_start3A_271 = arith.constant 0 : i32
          %dma_start3A_272 = arith.constant 0 : i32
          %dma_start3A_273 = tpu.memref_slice %arg6[%dma_start3A_262, %dma_start3A_271, %dma_start3A_272] : memref<4x2x128xi32, #tpu.memory_space<vmem>> -> memref<1x2x128xi32, #tpu.memory_space<vmem>>
          %dma_start3A_274 = tpu.memref_squeeze %dma_start3A_273 : memref<1x2x128xi32, #tpu.memory_space<vmem>> -> memref<2x128xi32, #tpu.memory_space<vmem>>
          %dma_start3A_275 = arith.constant 0 : i32
          %dma_start3A_276 = arith.constant 0 : i32
          %dma_start3A_277 = tpu.memref_slice %arg3[%add3A_261, %dma_start3A_275, %dma_start3A_276] : memref<2560x2x128xi32, #tpu.memory_space<hbm>> -> memref<1x2x128xi32, #tpu.memory_space<hbm>>
          %dma_start3A_278 = tpu.memref_squeeze %dma_start3A_277 : memref<1x2x128xi32, #tpu.memory_space<hbm>> -> memref<2x128xi32, #tpu.memory_space<hbm>>
          tpu.enqueue_dma source(%dma_start3A_278 : memref<2x128xi32, #tpu.memory_space<hbm>>) target(%dma_start3A_274 : memref<2x128xi32, #tpu.memory_space<vmem>>) target_semaphore(%arg14 : memref<!tpu.dma_semaphore, #tpu.memory_space<semaphore_mem>>)
        } else {
        }
        %add3A_231 = arith.addi %select_n3A_8, %add3A_146 : i32
        %add3A_232 = arith.constant 2 : i32
        %add3A_233 = arith.addi %add3A_231, %add3A_232 : i32
        %dma_wait3A_234 = arith.constant 3 : i32
        %dma_wait3A_235 = arith.constant 0 : i32
        %dma_wait3A_236 = arith.constant 0 : i32
        %dma_wait3A_237 = tpu.memref_slice %arg6[%dma_wait3A_234, %dma_wait3A_235, %dma_wait3A_236] : memref<4x2x128xi32, #tpu.memory_space<vmem>> -> memref<1x2x128xi32, #tpu.memory_space<vmem>>
        %dma_wait3A_238 = tpu.memref_squeeze %dma_wait3A_237 : memref<1x2x128xi32, #tpu.memory_space<vmem>> -> memref<2x128xi32, #tpu.memory_space<vmem>>
        %dma_wait3A_239 = arith.constant 0 : i32
        %dma_wait3A_240 = arith.constant 0 : i32
        %dma_wait3A_241 = tpu.memref_slice %arg3[%add3A_233, %dma_wait3A_239, %dma_wait3A_240] : memref<2560x2x128xi32, #tpu.memory_space<hbm>> -> memref<1x2x128xi32, #tpu.memory_space<hbm>>
        %dma_wait3A_242 = tpu.memref_squeeze %dma_wait3A_241 : memref<1x2x128xi32, #tpu.memory_space<hbm>> -> memref<2x128xi32, #tpu.memory_space<hbm>>
        %dma_wait3A_243 = arith.constant 0 : i32
        %dma_wait3A_244 = arith.constant 0 : i32
        %dma_wait3A_245 = tpu.memref_slice %arg6[%dma_wait3A_234, %dma_wait3A_243, %dma_wait3A_244] : memref<4x2x128xi32, #tpu.memory_space<vmem>> -> memref<1x2x128xi32, #tpu.memory_space<vmem>>
        %dma_wait3A_246 = tpu.memref_squeeze %dma_wait3A_245 : memref<1x2x128xi32, #tpu.memory_space<vmem>> -> memref<2x128xi32, #tpu.memory_space<vmem>>
        %dma_wait3A_247 = arith.constant 0 : i32
        %dma_wait3A_248 = arith.constant 0 : i32
        %dma_wait3A_249 = tpu.memref_slice %arg3[%add3A_233, %dma_wait3A_247, %dma_wait3A_248] : memref<2560x2x128xi32, #tpu.memory_space<hbm>> -> memref<1x2x128xi32, #tpu.memory_space<hbm>>
        %dma_wait3A_250 = tpu.memref_squeeze %dma_wait3A_249 : memref<1x2x128xi32, #tpu.memory_space<hbm>> -> memref<2x128xi32, #tpu.memory_space<hbm>>
        tpu.wait_dma2 semaphore(%arg16 : memref<!tpu.dma_semaphore, #tpu.memory_space<semaphore_mem>>) src(%dma_wait3A_250 : memref<2x128xi32, #tpu.memory_space<hbm>>) dst(%dma_wait3A_246 : memref<2x128xi32, #tpu.memory_space<vmem>>)
        %dma_start3A_251 = arith.constant 3 : i32
        %dma_start3A_252 = arith.constant 0 : i32
        %dma_start3A_253 = arith.constant 0 : i32
        %dma_start3A_254 = tpu.memref_slice %arg6[%dma_start3A_251, %dma_start3A_252, %dma_start3A_253] : memref<4x2x128xi32, #tpu.memory_space<vmem>> -> memref<1x1x128xi32, #tpu.memory_space<vmem>>
        %dma_start3A_255 = tpu.memref_squeeze %dma_start3A_254 : memref<1x1x128xi32, #tpu.memory_space<vmem>> -> memref<128xi32, #tpu.memory_space<vmem>>
        %dma_start3A_256 = arith.constant 0 : i32
        %dma_start3A_257 = arith.constant 0 : i32
        %dma_start3A_258 = tpu.memref_slice %arg2[%dma_start3A_256, %dma_start3A_257] : memref<10000x136xf32, #tpu.memory_space<hbm>> -> memref<10000x136xf32, #tpu.memory_space<hbm>>
        tpu.enqueue_indirect_dma source(%dma_start3A_258 : memref<10000x136xf32, #tpu.memory_space<hbm>>) target(%arg8 : memref<128x136xf32, #tpu.memory_space<vmem>>) offsets(%dma_start3A_255 : memref<128xi32, #tpu.memory_space<vmem>>) semaphore(%arg10 : memref<!tpu.dma_semaphore, #tpu.memory_space<semaphore_mem>>)
      } else {
      }
      %add3A_169 = arith.constant 2 : i32
      %add3A_170 = arith.addi %add3A_121, %add3A_169 : i32
      %dma_wait3A_171 = arith.constant 2 : i32
      %dma_wait3A_172 = arith.constant 0 : i32
      %dma_wait3A_173 = arith.constant 0 : i32
      %dma_wait3A_174 = tpu.memref_slice %arg6[%dma_wait3A_171, %dma_wait3A_172, %dma_wait3A_173] : memref<4x2x128xi32, #tpu.memory_space<vmem>> -> memref<1x1x128xi32, #tpu.memory_space<vmem>>
      %dma_wait3A_175 = tpu.memref_squeeze %dma_wait3A_174 : memref<1x1x128xi32, #tpu.memory_space<vmem>> -> memref<128xi32, #tpu.memory_space<vmem>>
      %dma_wait3A_176 = arith.constant 0 : i32
      %dma_wait3A_177 = arith.constant 0 : i32
      %dma_wait3A_178 = tpu.memref_slice %arg2[%dma_wait3A_176, %dma_wait3A_177] : memref<10000x136xf32, #tpu.memory_space<hbm>> -> memref<10000x136xf32, #tpu.memory_space<hbm>>
      tpu.wait_indirect_dma semaphore(%arg9 : memref<!tpu.dma_semaphore, #tpu.memory_space<semaphore_mem>>) src(%dma_wait3A_178 : memref<10000x136xf32, #tpu.memory_space<hbm>>) dst(%arg7 : memref<128x136xf32, #tpu.memory_space<vmem>>)
      %dma_start3A_179 = arith.constant 2 : i32
      %dma_start3A_180 = arith.constant 1 : i32
      %dma_start3A_181 = arith.constant 0 : i32
      %dma_start3A_182 = tpu.memref_slice %arg6[%dma_start3A_179, %dma_start3A_180, %dma_start3A_181] : memref<4x2x128xi32, #tpu.memory_space<vmem>> -> memref<1x1x128xi32, #tpu.memory_space<vmem>>
      %dma_start3A_183 = tpu.memref_squeeze %dma_start3A_182 : memref<1x1x128xi32, #tpu.memory_space<vmem>> -> memref<128xi32, #tpu.memory_space<vmem>>
      %dma_start3A_184 = arith.constant 0 : i32
      %dma_start3A_185 = arith.constant 0 : i32
      %dma_start3A_186 = tpu.memref_slice %arg5[%dma_start3A_184, %dma_start3A_185] : memref<10240x136xf32, #tpu.memory_space<vmem_shared>> -> memref<10240x136xf32, #tpu.memory_space<vmem_shared>>
      tpu.enqueue_indirect_dma source(%arg7 : memref<128x136xf32, #tpu.memory_space<vmem>>) target(%dma_start3A_186 : memref<10240x136xf32, #tpu.memory_space<vmem_shared>>) offsets(%dma_start3A_183 : memref<128xi32, #tpu.memory_space<vmem>>) semaphore(%arg11 : memref<!tpu.dma_semaphore, #tpu.memory_space<semaphore_mem>>) {add = true}
      %add3A_187 = arith.constant 2 : i32
      %add3A_188 = arith.addi %add3A_170, %add3A_187 : i32
      %lt3A_189 = arith.cmpi slt, %add3A_188, %select_n3A : i32
      %convert_element_type3A_190 = arith.extui %lt3A_189 : i1 to i32
      %cond3A_191 = arith.constant 0 : i32
      %cond3A_192 = arith.cmpi ne, %convert_element_type3A_190, %cond3A_191 : i32
      scf.if %cond3A_192 {
        %dma_wait3A_217 = arith.constant 2 : i32
        %dma_wait3A_218 = arith.constant 1 : i32
        %dma_wait3A_219 = arith.constant 0 : i32
        %dma_wait3A_220 = tpu.memref_slice %arg6[%dma_wait3A_217, %dma_wait3A_218, %dma_wait3A_219] : memref<4x2x128xi32, #tpu.memory_space<vmem>> -> memref<1x1x128xi32, #tpu.memory_space<vmem>>
        %dma_wait3A_221 = tpu.memref_squeeze %dma_wait3A_220 : memref<1x1x128xi32, #tpu.memory_space<vmem>> -> memref<128xi32, #tpu.memory_space<vmem>>
        %dma_wait3A_222 = arith.constant 0 : i32
        %dma_wait3A_223 = arith.constant 0 : i32
        %dma_wait3A_224 = tpu.memref_slice %arg5[%dma_wait3A_222, %dma_wait3A_223] : memref<10240x136xf32, #tpu.memory_space<vmem_shared>> -> memref<10240x136xf32, #tpu.memory_space<vmem_shared>>
        tpu.wait_indirect_dma semaphore(%arg11 : memref<!tpu.dma_semaphore, #tpu.memory_space<semaphore_mem>>) src(%arg7 : memref<128x136xf32, #tpu.memory_space<vmem>>) dst(%dma_wait3A_224 : memref<10240x136xf32, #tpu.memory_space<vmem_shared>>)
        %add3A_225 = arith.constant 4 : i32
        %add3A_226 = arith.addi %add3A_170, %add3A_225 : i32
        %lt3A_227 = arith.cmpi slt, %add3A_226, %select_n3A : i32
        %convert_element_type3A_228 = arith.extui %lt3A_227 : i1 to i32
        %cond3A_229 = arith.constant 0 : i32
        %cond3A_230 = arith.cmpi ne, %convert_element_type3A_228, %cond3A_229 : i32
        scf.if %cond3A_230 {
          %add3A_259 = arith.addi %select_n3A_8, %add3A_170 : i32
          %add3A_260 = arith.constant 4 : i32
          %add3A_261 = arith.addi %add3A_259, %add3A_260 : i32
          %dma_start3A_262 = arith.constant 2 : i32
          %dma_start3A_263 = arith.constant 0 : i32
          %dma_start3A_264 = arith.constant 0 : i32
          %dma_start3A_265 = tpu.memref_slice %arg6[%dma_start3A_262, %dma_start3A_263, %dma_start3A_264] : memref<4x2x128xi32, #tpu.memory_space<vmem>> -> memref<1x2x128xi32, #tpu.memory_space<vmem>>
          %dma_start3A_266 = tpu.memref_squeeze %dma_start3A_265 : memref<1x2x128xi32, #tpu.memory_space<vmem>> -> memref<2x128xi32, #tpu.memory_space<vmem>>
          %dma_start3A_267 = arith.constant 0 : i32
          %dma_start3A_268 = arith.constant 0 : i32
          %dma_start3A_269 = tpu.memref_slice %arg3[%add3A_261, %dma_start3A_267, %dma_start3A_268] : memref<2560x2x128xi32, #tpu.memory_space<hbm>> -> memref<1x2x128xi32, #tpu.memory_space<hbm>>
          %dma_start3A_270 = tpu.memref_squeeze %dma_start3A_269 : memref<1x2x128xi32, #tpu.memory_space<hbm>> -> memref<2x128xi32, #tpu.memory_space<hbm>>
          %dma_start3A_271 = arith.constant 0 : i32
          %dma_start3A_272 = arith.constant 0 : i32
          %dma_start3A_273 = tpu.memref_slice %arg6[%dma_start3A_262, %dma_start3A_271, %dma_start3A_272] : memref<4x2x128xi32, #tpu.memory_space<vmem>> -> memref<1x2x128xi32, #tpu.memory_space<vmem>>
          %dma_start3A_274 = tpu.memref_squeeze %dma_start3A_273 : memref<1x2x128xi32, #tpu.memory_space<vmem>> -> memref<2x128xi32, #tpu.memory_space<vmem>>
          %dma_start3A_275 = arith.constant 0 : i32
          %dma_start3A_276 = arith.constant 0 : i32
          %dma_start3A_277 = tpu.memref_slice %arg3[%add3A_261, %dma_start3A_275, %dma_start3A_276] : memref<2560x2x128xi32, #tpu.memory_space<hbm>> -> memref<1x2x128xi32, #tpu.memory_space<hbm>>
          %dma_start3A_278 = tpu.memref_squeeze %dma_start3A_277 : memref<1x2x128xi32, #tpu.memory_space<hbm>> -> memref<2x128xi32, #tpu.memory_space<hbm>>
          tpu.enqueue_dma source(%dma_start3A_278 : memref<2x128xi32, #tpu.memory_space<hbm>>) target(%dma_start3A_274 : memref<2x128xi32, #tpu.memory_space<vmem>>) target_semaphore(%arg15 : memref<!tpu.dma_semaphore, #tpu.memory_space<semaphore_mem>>)
        } else {
        }
        %add3A_231 = arith.addi %select_n3A_8, %add3A_170 : i32
        %add3A_232 = arith.constant 2 : i32
        %add3A_233 = arith.addi %add3A_231, %add3A_232 : i32
        %dma_wait3A_234 = arith.constant 0 : i32
        %dma_wait3A_235 = arith.constant 0 : i32
        %dma_wait3A_236 = arith.constant 0 : i32
        %dma_wait3A_237 = tpu.memref_slice %arg6[%dma_wait3A_234, %dma_wait3A_235, %dma_wait3A_236] : memref<4x2x128xi32, #tpu.memory_space<vmem>> -> memref<1x2x128xi32, #tpu.memory_space<vmem>>
        %dma_wait3A_238 = tpu.memref_squeeze %dma_wait3A_237 : memref<1x2x128xi32, #tpu.memory_space<vmem>> -> memref<2x128xi32, #tpu.memory_space<vmem>>
        %dma_wait3A_239 = arith.constant 0 : i32
        %dma_wait3A_240 = arith.constant 0 : i32
        %dma_wait3A_241 = tpu.memref_slice %arg3[%add3A_233, %dma_wait3A_239, %dma_wait3A_240] : memref<2560x2x128xi32, #tpu.memory_space<hbm>> -> memref<1x2x128xi32, #tpu.memory_space<hbm>>
        %dma_wait3A_242 = tpu.memref_squeeze %dma_wait3A_241 : memref<1x2x128xi32, #tpu.memory_space<hbm>> -> memref<2x128xi32, #tpu.memory_space<hbm>>
        %dma_wait3A_243 = arith.constant 0 : i32
        %dma_wait3A_244 = arith.constant 0 : i32
        %dma_wait3A_245 = tpu.memref_slice %arg6[%dma_wait3A_234, %dma_wait3A_243, %dma_wait3A_244] : memref<4x2x128xi32, #tpu.memory_space<vmem>> -> memref<1x2x128xi32, #tpu.memory_space<vmem>>
        %dma_wait3A_246 = tpu.memref_squeeze %dma_wait3A_245 : memref<1x2x128xi32, #tpu.memory_space<vmem>> -> memref<2x128xi32, #tpu.memory_space<vmem>>
        %dma_wait3A_247 = arith.constant 0 : i32
        %dma_wait3A_248 = arith.constant 0 : i32
        %dma_wait3A_249 = tpu.memref_slice %arg3[%add3A_233, %dma_wait3A_247, %dma_wait3A_248] : memref<2560x2x128xi32, #tpu.memory_space<hbm>> -> memref<1x2x128xi32, #tpu.memory_space<hbm>>
        %dma_wait3A_250 = tpu.memref_squeeze %dma_wait3A_249 : memref<1x2x128xi32, #tpu.memory_space<hbm>> -> memref<2x128xi32, #tpu.memory_space<hbm>>
        tpu.wait_dma2 semaphore(%arg13 : memref<!tpu.dma_semaphore, #tpu.memory_space<semaphore_mem>>) src(%dma_wait3A_250 : memref<2x128xi32, #tpu.memory_space<hbm>>) dst(%dma_wait3A_246 : memref<2x128xi32, #tpu.memory_space<vmem>>)
        %dma_start3A_251 = arith.constant 0 : i32
        %dma_start3A_252 = arith.constant 0 : i32
        %dma_start3A_253 = arith.constant 0 : i32
        %dma_start3A_254 = tpu.memref_slice %arg6[%dma_start3A_251, %dma_start3A_252, %dma_start3A_253] : memref<4x2x128xi32, #tpu.memory_space<vmem>> -> memref<1x1x128xi32, #tpu.memory_space<vmem>>
        %dma_start3A_255 = tpu.memref_squeeze %dma_start3A_254 : memref<1x1x128xi32, #tpu.memory_space<vmem>> -> memref<128xi32, #tpu.memory_space<vmem>>
        %dma_start3A_256 = arith.constant 0 : i32
        %dma_start3A_257 = arith.constant 0 : i32
        %dma_start3A_258 = tpu.memref_slice %arg2[%dma_start3A_256, %dma_start3A_257] : memref<10000x136xf32, #tpu.memory_space<hbm>> -> memref<10000x136xf32, #tpu.memory_space<hbm>>
        tpu.enqueue_indirect_dma source(%dma_start3A_258 : memref<10000x136xf32, #tpu.memory_space<hbm>>) target(%arg7 : memref<128x136xf32, #tpu.memory_space<vmem>>) offsets(%dma_start3A_255 : memref<128xi32, #tpu.memory_space<vmem>>) semaphore(%arg9 : memref<!tpu.dma_semaphore, #tpu.memory_space<semaphore_mem>>)
      } else {
      }
      %add3A_193 = arith.constant 3 : i32
      %add3A_194 = arith.addi %add3A_121, %add3A_193 : i32
      %dma_wait3A_195 = arith.constant 3 : i32
      %dma_wait3A_196 = arith.constant 0 : i32
      %dma_wait3A_197 = arith.constant 0 : i32
      %dma_wait3A_198 = tpu.memref_slice %arg6[%dma_wait3A_195, %dma_wait3A_196, %dma_wait3A_197] : memref<4x2x128xi32, #tpu.memory_space<vmem>> -> memref<1x1x128xi32, #tpu.memory_space<vmem>>
      %dma_wait3A_199 = tpu.memref_squeeze %dma_wait3A_198 : memref<1x1x128xi32, #tpu.memory_space<vmem>> -> memref<128xi32, #tpu.memory_space<vmem>>
      %dma_wait3A_200 = arith.constant 0 : i32
      %dma_wait3A_201 = arith.constant 0 : i32
      %dma_wait3A_202 = tpu.memref_slice %arg2[%dma_wait3A_200, %dma_wait3A_201] : memref<10000x136xf32, #tpu.memory_space<hbm>> -> memref<10000x136xf32, #tpu.memory_space<hbm>>
      tpu.wait_indirect_dma semaphore(%arg10 : memref<!tpu.dma_semaphore, #tpu.memory_space<semaphore_mem>>) src(%dma_wait3A_202 : memref<10000x136xf32, #tpu.memory_space<hbm>>) dst(%arg8 : memref<128x136xf32, #tpu.memory_space<vmem>>)
      %dma_start3A_203 = arith.constant 3 : i32
      %dma_start3A_204 = arith.constant 1 : i32
      %dma_start3A_205 = arith.constant 0 : i32
      %dma_start3A_206 = tpu.memref_slice %arg6[%dma_start3A_203, %dma_start3A_204, %dma_start3A_205] : memref<4x2x128xi32, #tpu.memory_space<vmem>> -> memref<1x1x128xi32, #tpu.memory_space<vmem>>
      %dma_start3A_207 = tpu.memref_squeeze %dma_start3A_206 : memref<1x1x128xi32, #tpu.memory_space<vmem>> -> memref<128xi32, #tpu.memory_space<vmem>>
      %dma_start3A_208 = arith.constant 0 : i32
      %dma_start3A_209 = arith.constant 0 : i32
      %dma_start3A_210 = tpu.memref_slice %arg5[%dma_start3A_208, %dma_start3A_209] : memref<10240x136xf32, #tpu.memory_space<vmem_shared>> -> memref<10240x136xf32, #tpu.memory_space<vmem_shared>>
      tpu.enqueue_indirect_dma source(%arg8 : memref<128x136xf32, #tpu.memory_space<vmem>>) target(%dma_start3A_210 : memref<10240x136xf32, #tpu.memory_space<vmem_shared>>) offsets(%dma_start3A_207 : memref<128xi32, #tpu.memory_space<vmem>>) semaphore(%arg12 : memref<!tpu.dma_semaphore, #tpu.memory_space<semaphore_mem>>) {add = true}
      %add3A_211 = arith.constant 2 : i32
      %add3A_212 = arith.addi %add3A_194, %add3A_211 : i32
      %lt3A_213 = arith.cmpi slt, %add3A_212, %select_n3A : i32
      %convert_element_type3A_214 = arith.extui %lt3A_213 : i1 to i32
      %cond3A_215 = arith.constant 0 : i32
      %cond3A_216 = arith.cmpi ne, %convert_element_type3A_214, %cond3A_215 : i32
      scf.if %cond3A_216 {
        %dma_wait3A_217 = arith.constant 3 : i32
        %dma_wait3A_218 = arith.constant 1 : i32
        %dma_wait3A_219 = arith.constant 0 : i32
        %dma_wait3A_220 = tpu.memref_slice %arg6[%dma_wait3A_217, %dma_wait3A_218, %dma_wait3A_219] : memref<4x2x128xi32, #tpu.memory_space<vmem>> -> memref<1x1x128xi32, #tpu.memory_space<vmem>>
        %dma_wait3A_221 = tpu.memref_squeeze %dma_wait3A_220 : memref<1x1x128xi32, #tpu.memory_space<vmem>> -> memref<128xi32, #tpu.memory_space<vmem>>
        %dma_wait3A_222 = arith.constant 0 : i32
        %dma_wait3A_223 = arith.constant 0 : i32
        %dma_wait3A_224 = tpu.memref_slice %arg5[%dma_wait3A_222, %dma_wait3A_223] : memref<10240x136xf32, #tpu.memory_space<vmem_shared>> -> memref<10240x136xf32, #tpu.memory_space<vmem_shared>>
        tpu.wait_indirect_dma semaphore(%arg12 : memref<!tpu.dma_semaphore, #tpu.memory_space<semaphore_mem>>) src(%arg8 : memref<128x136xf32, #tpu.memory_space<vmem>>) dst(%dma_wait3A_224 : memref<10240x136xf32, #tpu.memory_space<vmem_shared>>)
        %add3A_225 = arith.constant 4 : i32
        %add3A_226 = arith.addi %add3A_194, %add3A_225 : i32
        %lt3A_227 = arith.cmpi slt, %add3A_226, %select_n3A : i32
        %convert_element_type3A_228 = arith.extui %lt3A_227 : i1 to i32
        %cond3A_229 = arith.constant 0 : i32
        %cond3A_230 = arith.cmpi ne, %convert_element_type3A_228, %cond3A_229 : i32
        scf.if %cond3A_230 {
          %add3A_259 = arith.addi %select_n3A_8, %add3A_194 : i32
          %add3A_260 = arith.constant 4 : i32
          %add3A_261 = arith.addi %add3A_259, %add3A_260 : i32
          %dma_start3A_262 = arith.constant 3 : i32
          %dma_start3A_263 = arith.constant 0 : i32
          %dma_start3A_264 = arith.constant 0 : i32
          %dma_start3A_265 = tpu.memref_slice %arg6[%dma_start3A_262, %dma_start3A_263, %dma_start3A_264] : memref<4x2x128xi32, #tpu.memory_space<vmem>> -> memref<1x2x128xi32, #tpu.memory_space<vmem>>
          %dma_start3A_266 = tpu.memref_squeeze %dma_start3A_265 : memref<1x2x128xi32, #tpu.memory_space<vmem>> -> memref<2x128xi32, #tpu.memory_space<vmem>>
          %dma_start3A_267 = arith.constant 0 : i32
          %dma_start3A_268 = arith.constant 0 : i32
          %dma_start3A_269 = tpu.memref_slice %arg3[%add3A_261, %dma_start3A_267, %dma_start3A_268] : memref<2560x2x128xi32, #tpu.memory_space<hbm>> -> memref<1x2x128xi32, #tpu.memory_space<hbm>>
          %dma_start3A_270 = tpu.memref_squeeze %dma_start3A_269 : memref<1x2x128xi32, #tpu.memory_space<hbm>> -> memref<2x128xi32, #tpu.memory_space<hbm>>
          %dma_start3A_271 = arith.constant 0 : i32
          %dma_start3A_272 = arith.constant 0 : i32
          %dma_start3A_273 = tpu.memref_slice %arg6[%dma_start3A_262, %dma_start3A_271, %dma_start3A_272] : memref<4x2x128xi32, #tpu.memory_space<vmem>> -> memref<1x2x128xi32, #tpu.memory_space<vmem>>
          %dma_start3A_274 = tpu.memref_squeeze %dma_start3A_273 : memref<1x2x128xi32, #tpu.memory_space<vmem>> -> memref<2x128xi32, #tpu.memory_space<vmem>>
          %dma_start3A_275 = arith.constant 0 : i32
          %dma_start3A_276 = arith.constant 0 : i32
          %dma_start3A_277 = tpu.memref_slice %arg3[%add3A_261, %dma_start3A_275, %dma_start3A_276] : memref<2560x2x128xi32, #tpu.memory_space<hbm>> -> memref<1x2x128xi32, #tpu.memory_space<hbm>>
          %dma_start3A_278 = tpu.memref_squeeze %dma_start3A_277 : memref<1x2x128xi32, #tpu.memory_space<hbm>> -> memref<2x128xi32, #tpu.memory_space<hbm>>
          tpu.enqueue_dma source(%dma_start3A_278 : memref<2x128xi32, #tpu.memory_space<hbm>>) target(%dma_start3A_274 : memref<2x128xi32, #tpu.memory_space<vmem>>) target_semaphore(%arg16 : memref<!tpu.dma_semaphore, #tpu.memory_space<semaphore_mem>>)
        } else {
        }
        %add3A_231 = arith.addi %select_n3A_8, %add3A_194 : i32
        %add3A_232 = arith.constant 2 : i32
        %add3A_233 = arith.addi %add3A_231, %add3A_232 : i32
        %dma_wait3A_234 = arith.constant 1 : i32
        %dma_wait3A_235 = arith.constant 0 : i32
        %dma_wait3A_236 = arith.constant 0 : i32
        %dma_wait3A_237 = tpu.memref_slice %arg6[%dma_wait3A_234, %dma_wait3A_235, %dma_wait3A_236] : memref<4x2x128xi32, #tpu.memory_space<vmem>> -> memref<1x2x128xi32, #tpu.memory_space<vmem>>
        %dma_wait3A_238 = tpu.memref_squeeze %dma_wait3A_237 : memref<1x2x128xi32, #tpu.memory_space<vmem>> -> memref<2x128xi32, #tpu.memory_space<vmem>>
        %dma_wait3A_239 = arith.constant 0 : i32
        %dma_wait3A_240 = arith.constant 0 : i32
        %dma_wait3A_241 = tpu.memref_slice %arg3[%add3A_233, %dma_wait3A_239, %dma_wait3A_240] : memref<2560x2x128xi32, #tpu.memory_space<hbm>> -> memref<1x2x128xi32, #tpu.memory_space<hbm>>
        %dma_wait3A_242 = tpu.memref_squeeze %dma_wait3A_241 : memref<1x2x128xi32, #tpu.memory_space<hbm>> -> memref<2x128xi32, #tpu.memory_space<hbm>>
        %dma_wait3A_243 = arith.constant 0 : i32
        %dma_wait3A_244 = arith.constant 0 : i32
        %dma_wait3A_245 = tpu.memref_slice %arg6[%dma_wait3A_234, %dma_wait3A_243, %dma_wait3A_244] : memref<4x2x128xi32, #tpu.memory_space<vmem>> -> memref<1x2x128xi32, #tpu.memory_space<vmem>>
        %dma_wait3A_246 = tpu.memref_squeeze %dma_wait3A_245 : memref<1x2x128xi32, #tpu.memory_space<vmem>> -> memref<2x128xi32, #tpu.memory_space<vmem>>
        %dma_wait3A_247 = arith.constant 0 : i32
        %dma_wait3A_248 = arith.constant 0 : i32
        %dma_wait3A_249 = tpu.memref_slice %arg3[%add3A_233, %dma_wait3A_247, %dma_wait3A_248] : memref<2560x2x128xi32, #tpu.memory_space<hbm>> -> memref<1x2x128xi32, #tpu.memory_space<hbm>>
        %dma_wait3A_250 = tpu.memref_squeeze %dma_wait3A_249 : memref<1x2x128xi32, #tpu.memory_space<hbm>> -> memref<2x128xi32, #tpu.memory_space<hbm>>
        tpu.wait_dma2 semaphore(%arg14 : memref<!tpu.dma_semaphore, #tpu.memory_space<semaphore_mem>>) src(%dma_wait3A_250 : memref<2x128xi32, #tpu.memory_space<hbm>>) dst(%dma_wait3A_246 : memref<2x128xi32, #tpu.memory_space<vmem>>)
        %dma_start3A_251 = arith.constant 1 : i32
        %dma_start3A_252 = arith.constant 0 : i32
        %dma_start3A_253 = arith.constant 0 : i32
        %dma_start3A_254 = tpu.memref_slice %arg6[%dma_start3A_251, %dma_start3A_252, %dma_start3A_253] : memref<4x2x128xi32, #tpu.memory_space<vmem>> -> memref<1x1x128xi32, #tpu.memory_space<vmem>>
        %dma_start3A_255 = tpu.memref_squeeze %dma_start3A_254 : memref<1x1x128xi32, #tpu.memory_space<vmem>> -> memref<128xi32, #tpu.memory_space<vmem>>
        %dma_start3A_256 = arith.constant 0 : i32
        %dma_start3A_257 = arith.constant 0 : i32
        %dma_start3A_258 = tpu.memref_slice %arg2[%dma_start3A_256, %dma_start3A_257] : memref<10000x136xf32, #tpu.memory_space<hbm>> -> memref<10000x136xf32, #tpu.memory_space<hbm>>
        tpu.enqueue_indirect_dma source(%dma_start3A_258 : memref<10000x136xf32, #tpu.memory_space<hbm>>) target(%arg8 : memref<128x136xf32, #tpu.memory_space<vmem>>) offsets(%dma_start3A_255 : memref<128xi32, #tpu.memory_space<vmem>>) semaphore(%arg10 : memref<!tpu.dma_semaphore, #tpu.memory_space<semaphore_mem>>)
      } else {
      }
    }
    %dma_wait3A = arith.constant 2 : i32
    %dma_wait3A_98 = arith.constant 1 : i32
    %dma_wait3A_99 = arith.constant 0 : i32
    %dma_wait3A_100 = tpu.memref_slice %arg6[%dma_wait3A, %dma_wait3A_98, %dma_wait3A_99] : memref<4x2x128xi32, #tpu.memory_space<vmem>> -> memref<1x1x128xi32, #tpu.memory_space<vmem>>
    %dma_wait3A_101 = tpu.memref_squeeze %dma_wait3A_100 : memref<1x1x128xi32, #tpu.memory_space<vmem>> -> memref<128xi32, #tpu.memory_space<vmem>>
    %dma_wait3A_102 = arith.constant 0 : i32
    %dma_wait3A_103 = arith.constant 0 : i32
    %dma_wait3A_104 = tpu.memref_slice %arg5[%dma_wait3A_102, %dma_wait3A_103] : memref<10240x136xf32, #tpu.memory_space<vmem_shared>> -> memref<10240x136xf32, #tpu.memory_space<vmem_shared>>
    tpu.wait_indirect_dma semaphore(%arg11 : memref<!tpu.dma_semaphore, #tpu.memory_space<semaphore_mem>>) src(%arg7 : memref<128x136xf32, #tpu.memory_space<vmem>>) dst(%dma_wait3A_104 : memref<10240x136xf32, #tpu.memory_space<vmem_shared>>)
    %dma_wait3A_105 = arith.constant 3 : i32
    %dma_wait3A_106 = arith.constant 1 : i32
    %dma_wait3A_107 = arith.constant 0 : i32
    %dma_wait3A_108 = tpu.memref_slice %arg6[%dma_wait3A_105, %dma_wait3A_106, %dma_wait3A_107] : memref<4x2x128xi32, #tpu.memory_space<vmem>> -> memref<1x1x128xi32, #tpu.memory_space<vmem>>
    %dma_wait3A_109 = tpu.memref_squeeze %dma_wait3A_108 : memref<1x1x128xi32, #tpu.memory_space<vmem>> -> memref<128xi32, #tpu.memory_space<vmem>>
    %dma_wait3A_110 = arith.constant 0 : i32
    %dma_wait3A_111 = arith.constant 0 : i32
    %dma_wait3A_112 = tpu.memref_slice %arg5[%dma_wait3A_110, %dma_wait3A_111] : memref<10240x136xf32, #tpu.memory_space<vmem_shared>> -> memref<10240x136xf32, #tpu.memory_space<vmem_shared>>
    tpu.wait_indirect_dma semaphore(%arg12 : memref<!tpu.dma_semaphore, #tpu.memory_space<semaphore_mem>>) src(%arg8 : memref<128x136xf32, #tpu.memory_space<vmem>>) dst(%dma_wait3A_112 : memref<10240x136xf32, #tpu.memory_space<vmem_shared>>)
    %barrier3A_113 = arith.constant 0 : index
    tpu.barrier barrier_id(%barrier3A_113)
    %mul3A_114 = arith.constant 624 : i32
    %mul3A_115 = arith.muli %arg1, %mul3A_114 : i32
    "tpu.region"() ({
      %run_scoped3A_119 = tpu.sem_alloc : memref<!tpu.dma_semaphore, #tpu.memory_space<semaphore_mem>>
      %dma_start3A_120 = arith.constant 0 : i32
      %dma_start3A_121 = tpu.memref_slice %arg4[%arg0, %mul3A_115, %dma_start3A_120] : memref<2x10000x136xf32, #tpu.memory_space<hbm>> -> memref<1x624x136xf32, #tpu.memory_space<hbm>>
      %dma_start3A_122 = tpu.memref_squeeze %dma_start3A_121 : memref<1x624x136xf32, #tpu.memory_space<hbm>> -> memref<624x136xf32, #tpu.memory_space<hbm>>
      %dma_start3A_123 = arith.constant 0 : i32
      %dma_start3A_124 = tpu.memref_slice %arg5[%mul3A_115, %dma_start3A_123] : memref<10240x136xf32, #tpu.memory_space<vmem_shared>> -> memref<624x136xf32, #tpu.memory_space<vmem_shared>>
      tpu.enqueue_dma source(%dma_start3A_124 : memref<624x136xf32, #tpu.memory_space<vmem_shared>>) target(%dma_start3A_122 : memref<624x136xf32, #tpu.memory_space<hbm>>) target_semaphore(%run_scoped3A_119 : memref<!tpu.dma_semaphore, #tpu.memory_space<semaphore_mem>>)
      %dma_wait3A_125 = arith.constant 0 : i32
      %dma_wait3A_126 = tpu.memref_slice %arg4[%arg0, %mul3A_115, %dma_wait3A_125] : memref<2x10000x136xf32, #tpu.memory_space<hbm>> -> memref<1x624x136xf32, #tpu.memory_space<hbm>>
      %dma_wait3A_127 = tpu.memref_squeeze %dma_wait3A_126 : memref<1x624x136xf32, #tpu.memory_space<hbm>> -> memref<624x136xf32, #tpu.memory_space<hbm>>
      %dma_wait3A_128 = arith.constant 0 : i32
      %dma_wait3A_129 = tpu.memref_slice %arg5[%mul3A_115, %dma_wait3A_128] : memref<10240x136xf32, #tpu.memory_space<vmem_shared>> -> memref<624x136xf32, #tpu.memory_space<vmem_shared>>
      tpu.wait_dma2 semaphore(%run_scoped3A_119 : memref<!tpu.dma_semaphore, #tpu.memory_space<semaphore_mem>>) src(%dma_wait3A_129 : memref<624x136xf32, #tpu.memory_space<vmem_shared>>) dst(%dma_wait3A_127 : memref<624x136xf32, #tpu.memory_space<hbm>>)
      tpu.yield
    }) : () -> ()
    %eq3A_116 = arith.constant 15 : i32
    %eq3A_117 = arith.cmpi eq, %arg1, %eq3A_116 : i32
    %convert_element_type3A = arith.extui %eq3A_117 : i1 to i32
    %cond3A = arith.constant 0 : i32
    %cond3A_118 = arith.cmpi ne, %convert_element_type3A, %cond3A : i32
    scf.if %cond3A_118 {
      "tpu.region"() ({
        %run_scoped3A_119 = tpu.sem_alloc : memref<!tpu.dma_semaphore, #tpu.memory_space<semaphore_mem>>
        %dma_start3A_120 = arith.constant 9984 : i32
        %dma_start3A_121 = arith.constant 0 : i32
        %dma_start3A_122 = tpu.memref_slice %arg4[%arg0, %dma_start3A_120, %dma_start3A_121] : memref<2x10000x136xf32, #tpu.memory_space<hbm>> -> memref<1x16x136xf32, #tpu.memory_space<hbm>>
        %dma_start3A_123 = tpu.memref_squeeze %dma_start3A_122 : memref<1x16x136xf32, #tpu.memory_space<hbm>> -> memref<16x136xf32, #tpu.memory_space<hbm>>
        %dma_start3A_124 = arith.constant 9984 : i32
        %dma_start3A_125 = arith.constant 0 : i32
        %dma_start3A_126 = tpu.memref_slice %arg5[%dma_start3A_124, %dma_start3A_125] : memref<10240x136xf32, #tpu.memory_space<vmem_shared>> -> memref<16x136xf32, #tpu.memory_space<vmem_shared>>
        tpu.enqueue_dma source(%dma_start3A_126 : memref<16x136xf32, #tpu.memory_space<vmem_shared>>) target(%dma_start3A_123 : memref<16x136xf32, #tpu.memory_space<hbm>>) target_semaphore(%run_scoped3A_119 : memref<!tpu.dma_semaphore, #tpu.memory_space<semaphore_mem>>)
        %dma_wait3A_127 = arith.constant 9984 : i32
        %dma_wait3A_128 = arith.constant 0 : i32
        %dma_wait3A_129 = tpu.memref_slice %arg4[%arg0, %dma_wait3A_127, %dma_wait3A_128] : memref<2x10000x136xf32, #tpu.memory_space<hbm>> -> memref<1x16x136xf32, #tpu.memory_space<hbm>>
        %dma_wait3A_130 = tpu.memref_squeeze %dma_wait3A_129 : memref<1x16x136xf32, #tpu.memory_space<hbm>> -> memref<16x136xf32, #tpu.memory_space<hbm>>
        %dma_wait3A_131 = arith.constant 9984 : i32
        %dma_wait3A_132 = arith.constant 0 : i32
        %dma_wait3A_133 = tpu.memref_slice %arg5[%dma_wait3A_131, %dma_wait3A_132] : memref<10240x136xf32, #tpu.memory_space<vmem_shared>> -> memref<16x136xf32, #tpu.memory_space<vmem_shared>>
        tpu.wait_dma2 semaphore(%run_scoped3A_119 : memref<!tpu.dma_semaphore, #tpu.memory_space<semaphore_mem>>) src(%dma_wait3A_133 : memref<16x136xf32, #tpu.memory_space<vmem_shared>>) dst(%dma_wait3A_130 : memref<16x136xf32, #tpu.memory_space<hbm>>)
        tpu.yield
      }) : () -> ()
    } else {
    }
    return
  }
}

#map = affine_map<(d0, d1) -> (0, 0)>
#map1 = affine_map<(d0, d1) -> (0, 0, 0)>
module attributes {stable_mosaic.version = 14 : i64} {
  func.func @body(%arg0: i32, %arg1: i32, %arg2: memref<10000x64xf32, #tpu.memory_space<hbm>>, %arg3: memref<2560x2x128xi32, #tpu.memory_space<hbm>>, %arg4: memref<2x10000x64xf32, #tpu.memory_space<hbm>>, %arg5: memref<10240x64xf32, #tpu.memory_space<vmem_shared>>, %arg6: memref<4x2x128xi32, #tpu.memory_space<vmem>>, %arg7: memref<128x64xf32, #tpu.memory_space<vmem>>, %arg8: memref<128x64xf32, #tpu.memory_space<vmem>>, %arg9: memref<!tpu.dma_semaphore, #tpu.memory_space<semaphore_mem>>, %arg10: memref<!tpu.dma_semaphore, #tpu.memory_space<semaphore_mem>>, %arg11: memref<!tpu.dma_semaphore, #tpu.memory_space<semaphore_mem>>, %arg12: memref<!tpu.dma_semaphore, #tpu.memory_space<semaphore_mem>>, %arg13: memref<!tpu.dma_semaphore, #tpu.memory_space<semaphore_mem>>, %arg14: memref<!tpu.dma_semaphore, #tpu.memory_space<semaphore_mem>>, %arg15: memref<!tpu.dma_semaphore, #tpu.memory_space<semaphore_mem>>, %arg16: memref<!tpu.dma_semaphore, #tpu.memory_space<semaphore_mem>>) attributes {dimension_semantics = [#tpu.dimension_semantics<core_parallel>, #tpu.dimension_semantics<subcore_parallel>], iteration_bounds = array<i64: 2, 16>, scalar_prefetch = 0 : i64, scratch_operands = 12 : i64, tpu.core_type = #tpu.core_type<sc_vector_subcore>, window_params = [{transform_indices = #map}, {transform_indices = #map1}, {transform_indices = #map1}]} {
    %eq3A = arith.constant 0 : i32
    %eq3A_0 = arith.cmpi eq, %arg0, %eq3A : i32
    %jit3A = arith.constant 152 : i32
    %jit3A_1 = arith.constant 8 : i32
    %select_n3A = arith.select %eq3A_0, %jit3A, %jit3A_1 : i32
    %eq3A_2 = arith.constant 0 : i32
    %eq3A_3 = arith.cmpi eq, %arg0, %eq3A_2 : i32
    %mul3A = arith.constant 152 : i32
    %mul3A_4 = arith.muli %arg1, %mul3A : i32
    %mul3A_5 = arith.constant 8 : i32
    %mul3A_6 = arith.muli %arg1, %mul3A_5 : i32
    %add3A = arith.constant 2432 : i32
    %add3A_7 = arith.addi %add3A, %mul3A_6 : i32
    %select_n3A_8 = arith.select %eq3A_3, %mul3A_4, %add3A_7 : i32
    %run_scoped3A = arith.constant 0 : i32
    "tpu.region"() ({
      %run_scoped3A_119 = tpu.sem_alloc : memref<!tpu.dma_semaphore, #tpu.memory_space<semaphore_mem>>
      %dma_start3A_120 = arith.constant 0 : i32
      %dma_start3A_121 = arith.constant 0 : i32
      %dma_start3A_122 = tpu.memref_slice %arg6[%run_scoped3A, %dma_start3A_120, %dma_start3A_121] : memref<4x2x128xi32, #tpu.memory_space<vmem>> -> memref<1x2x128xi32, #tpu.memory_space<vmem>>
      %dma_start3A_123 = tpu.memref_squeeze %dma_start3A_122 : memref<1x2x128xi32, #tpu.memory_space<vmem>> -> memref<2x128xi32, #tpu.memory_space<vmem>>
      %dma_start3A_124 = arith.constant 0 : i32
      %dma_start3A_125 = arith.constant 0 : i32
      %dma_start3A_126 = tpu.memref_slice %arg3[%select_n3A_8, %dma_start3A_124, %dma_start3A_125] : memref<2560x2x128xi32, #tpu.memory_space<hbm>> -> memref<1x2x128xi32, #tpu.memory_space<hbm>>
      %dma_start3A_127 = tpu.memref_squeeze %dma_start3A_126 : memref<1x2x128xi32, #tpu.memory_space<hbm>> -> memref<2x128xi32, #tpu.memory_space<hbm>>
      %dma_start3A_128 = arith.constant 0 : i32
      %dma_start3A_129 = arith.constant 0 : i32
      %dma_start3A_130 = tpu.memref_slice %arg6[%run_scoped3A, %dma_start3A_128, %dma_start3A_129] : memref<4x2x128xi32, #tpu.memory_space<vmem>> -> memref<1x2x128xi32, #tpu.memory_space<vmem>>
      %dma_start3A_131 = tpu.memref_squeeze %dma_start3A_130 : memref<1x2x128xi32, #tpu.memory_space<vmem>> -> memref<2x128xi32, #tpu.memory_space<vmem>>
      %dma_start3A_132 = arith.constant 0 : i32
      %dma_start3A_133 = arith.constant 0 : i32
      %dma_start3A_134 = tpu.memref_slice %arg3[%select_n3A_8, %dma_start3A_132, %dma_start3A_133] : memref<2560x2x128xi32, #tpu.memory_space<hbm>> -> memref<1x2x128xi32, #tpu.memory_space<hbm>>
      %dma_start3A_135 = tpu.memref_squeeze %dma_start3A_134 : memref<1x2x128xi32, #tpu.memory_space<hbm>> -> memref<2x128xi32, #tpu.memory_space<hbm>>
      tpu.enqueue_dma source(%dma_start3A_135 : memref<2x128xi32, #tpu.memory_space<hbm>>) target(%dma_start3A_131 : memref<2x128xi32, #tpu.memory_space<vmem>>) target_semaphore(%run_scoped3A_119 : memref<!tpu.dma_semaphore, #tpu.memory_space<semaphore_mem>>)
      %dma_wait3A_136 = arith.constant 0 : i32
      %dma_wait3A_137 = arith.constant 0 : i32
      %dma_wait3A_138 = tpu.memref_slice %arg6[%run_scoped3A, %dma_wait3A_136, %dma_wait3A_137] : memref<4x2x128xi32, #tpu.memory_space<vmem>> -> memref<1x2x128xi32, #tpu.memory_space<vmem>>
      %dma_wait3A_139 = tpu.memref_squeeze %dma_wait3A_138 : memref<1x2x128xi32, #tpu.memory_space<vmem>> -> memref<2x128xi32, #tpu.memory_space<vmem>>
      %dma_wait3A_140 = arith.constant 0 : i32
      %dma_wait3A_141 = arith.constant 0 : i32
      %dma_wait3A_142 = tpu.memref_slice %arg3[%select_n3A_8, %dma_wait3A_140, %dma_wait3A_141] : memref<2560x2x128xi32, #tpu.memory_space<hbm>> -> memref<1x2x128xi32, #tpu.memory_space<hbm>>
      %dma_wait3A_143 = tpu.memref_squeeze %dma_wait3A_142 : memref<1x2x128xi32, #tpu.memory_space<hbm>> -> memref<2x128xi32, #tpu.memory_space<hbm>>
      %dma_wait3A_144 = arith.constant 0 : i32
      %dma_wait3A_145 = arith.constant 0 : i32
      %dma_wait3A_146 = tpu.memref_slice %arg6[%run_scoped3A, %dma_wait3A_144, %dma_wait3A_145] : memref<4x2x128xi32, #tpu.memory_space<vmem>> -> memref<1x2x128xi32, #tpu.memory_space<vmem>>
      %dma_wait3A_147 = tpu.memref_squeeze %dma_wait3A_146 : memref<1x2x128xi32, #tpu.memory_space<vmem>> -> memref<2x128xi32, #tpu.memory_space<vmem>>
      %dma_wait3A_148 = arith.constant 0 : i32
      %dma_wait3A_149 = arith.constant 0 : i32
      %dma_wait3A_150 = tpu.memref_slice %arg3[%select_n3A_8, %dma_wait3A_148, %dma_wait3A_149] : memref<2560x2x128xi32, #tpu.memory_space<hbm>> -> memref<1x2x128xi32, #tpu.memory_space<hbm>>
      %dma_wait3A_151 = tpu.memref_squeeze %dma_wait3A_150 : memref<1x2x128xi32, #tpu.memory_space<hbm>> -> memref<2x128xi32, #tpu.memory_space<hbm>>
      tpu.wait_dma2 semaphore(%run_scoped3A_119 : memref<!tpu.dma_semaphore, #tpu.memory_space<semaphore_mem>>) src(%dma_wait3A_151 : memref<2x128xi32, #tpu.memory_space<hbm>>) dst(%dma_wait3A_147 : memref<2x128xi32, #tpu.memory_space<vmem>>)
      tpu.yield
    }) : () -> ()
    %add3A_9 = arith.constant 1 : i32
    %add3A_10 = arith.addi %select_n3A_8, %add3A_9 : i32
    %run_scoped3A_11 = arith.constant 1 : i32
    "tpu.region"() ({
      %run_scoped3A_119 = tpu.sem_alloc : memref<!tpu.dma_semaphore, #tpu.memory_space<semaphore_mem>>
      %dma_start3A_120 = arith.constant 0 : i32
      %dma_start3A_121 = arith.constant 0 : i32
      %dma_start3A_122 = tpu.memref_slice %arg6[%run_scoped3A_11, %dma_start3A_120, %dma_start3A_121] : memref<4x2x128xi32, #tpu.memory_space<vmem>> -> memref<1x2x128xi32, #tpu.memory_space<vmem>>
      %dma_start3A_123 = tpu.memref_squeeze %dma_start3A_122 : memref<1x2x128xi32, #tpu.memory_space<vmem>> -> memref<2x128xi32, #tpu.memory_space<vmem>>
      %dma_start3A_124 = arith.constant 0 : i32
      %dma_start3A_125 = arith.constant 0 : i32
      %dma_start3A_126 = tpu.memref_slice %arg3[%add3A_10, %dma_start3A_124, %dma_start3A_125] : memref<2560x2x128xi32, #tpu.memory_space<hbm>> -> memref<1x2x128xi32, #tpu.memory_space<hbm>>
      %dma_start3A_127 = tpu.memref_squeeze %dma_start3A_126 : memref<1x2x128xi32, #tpu.memory_space<hbm>> -> memref<2x128xi32, #tpu.memory_space<hbm>>
      %dma_start3A_128 = arith.constant 0 : i32
      %dma_start3A_129 = arith.constant 0 : i32
      %dma_start3A_130 = tpu.memref_slice %arg6[%run_scoped3A_11, %dma_start3A_128, %dma_start3A_129] : memref<4x2x128xi32, #tpu.memory_space<vmem>> -> memref<1x2x128xi32, #tpu.memory_space<vmem>>
      %dma_start3A_131 = tpu.memref_squeeze %dma_start3A_130 : memref<1x2x128xi32, #tpu.memory_space<vmem>> -> memref<2x128xi32, #tpu.memory_space<vmem>>
      %dma_start3A_132 = arith.constant 0 : i32
      %dma_start3A_133 = arith.constant 0 : i32
      %dma_start3A_134 = tpu.memref_slice %arg3[%add3A_10, %dma_start3A_132, %dma_start3A_133] : memref<2560x2x128xi32, #tpu.memory_space<hbm>> -> memref<1x2x128xi32, #tpu.memory_space<hbm>>
      %dma_start3A_135 = tpu.memref_squeeze %dma_start3A_134 : memref<1x2x128xi32, #tpu.memory_space<hbm>> -> memref<2x128xi32, #tpu.memory_space<hbm>>
      tpu.enqueue_dma source(%dma_start3A_135 : memref<2x128xi32, #tpu.memory_space<hbm>>) target(%dma_start3A_131 : memref<2x128xi32, #tpu.memory_space<vmem>>) target_semaphore(%run_scoped3A_119 : memref<!tpu.dma_semaphore, #tpu.memory_space<semaphore_mem>>)
      %dma_wait3A_136 = arith.constant 0 : i32
      %dma_wait3A_137 = arith.constant 0 : i32
      %dma_wait3A_138 = tpu.memref_slice %arg6[%run_scoped3A_11, %dma_wait3A_136, %dma_wait3A_137] : memref<4x2x128xi32, #tpu.memory_space<vmem>> -> memref<1x2x128xi32, #tpu.memory_space<vmem>>
      %dma_wait3A_139 = tpu.memref_squeeze %dma_wait3A_138 : memref<1x2x128xi32, #tpu.memory_space<vmem>> -> memref<2x128xi32, #tpu.memory_space<vmem>>
      %dma_wait3A_140 = arith.constant 0 : i32
      %dma_wait3A_141 = arith.constant 0 : i32
      %dma_wait3A_142 = tpu.memref_slice %arg3[%add3A_10, %dma_wait3A_140, %dma_wait3A_141] : memref<2560x2x128xi32, #tpu.memory_space<hbm>> -> memref<1x2x128xi32, #tpu.memory_space<hbm>>
      %dma_wait3A_143 = tpu.memref_squeeze %dma_wait3A_142 : memref<1x2x128xi32, #tpu.memory_space<hbm>> -> memref<2x128xi32, #tpu.memory_space<hbm>>
      %dma_wait3A_144 = arith.constant 0 : i32
      %dma_wait3A_145 = arith.constant 0 : i32
      %dma_wait3A_146 = tpu.memref_slice %arg6[%run_scoped3A_11, %dma_wait3A_144, %dma_wait3A_145] : memref<4x2x128xi32, #tpu.memory_space<vmem>> -> memref<1x2x128xi32, #tpu.memory_space<vmem>>
      %dma_wait3A_147 = tpu.memref_squeeze %dma_wait3A_146 : memref<1x2x128xi32, #tpu.memory_space<vmem>> -> memref<2x128xi32, #tpu.memory_space<vmem>>
      %dma_wait3A_148 = arith.constant 0 : i32
      %dma_wait3A_149 = arith.constant 0 : i32
      %dma_wait3A_150 = tpu.memref_slice %arg3[%add3A_10, %dma_wait3A_148, %dma_wait3A_149] : memref<2560x2x128xi32, #tpu.memory_space<hbm>> -> memref<1x2x128xi32, #tpu.memory_space<hbm>>
      %dma_wait3A_151 = tpu.memref_squeeze %dma_wait3A_150 : memref<1x2x128xi32, #tpu.memory_space<hbm>> -> memref<2x128xi32, #tpu.memory_space<hbm>>
      tpu.wait_dma2 semaphore(%run_scoped3A_119 : memref<!tpu.dma_semaphore, #tpu.memory_space<semaphore_mem>>) src(%dma_wait3A_151 : memref<2x128xi32, #tpu.memory_space<hbm>>) dst(%dma_wait3A_147 : memref<2x128xi32, #tpu.memory_space<vmem>>)
      tpu.yield
    }) : () -> ()
    %add3A_12 = arith.constant 2 : i32
    %add3A_13 = arith.addi %select_n3A_8, %add3A_12 : i32
    %dma_start3A = arith.constant 2 : i32
    %dma_start3A_14 = arith.constant 0 : i32
    %dma_start3A_15 = arith.constant 0 : i32
    %dma_start3A_16 = tpu.memref_slice %arg6[%dma_start3A, %dma_start3A_14, %dma_start3A_15] : memref<4x2x128xi32, #tpu.memory_space<vmem>> -> memref<1x2x128xi32, #tpu.memory_space<vmem>>
    %dma_start3A_17 = tpu.memref_squeeze %dma_start3A_16 : memref<1x2x128xi32, #tpu.memory_space<vmem>> -> memref<2x128xi32, #tpu.memory_space<vmem>>
    %dma_start3A_18 = arith.constant 0 : i32
    %dma_start3A_19 = arith.constant 0 : i32
    %dma_start3A_20 = tpu.memref_slice %arg3[%add3A_13, %dma_start3A_18, %dma_start3A_19] : memref<2560x2x128xi32, #tpu.memory_space<hbm>> -> memref<1x2x128xi32, #tpu.memory_space<hbm>>
    %dma_start3A_21 = tpu.memref_squeeze %dma_start3A_20 : memref<1x2x128xi32, #tpu.memory_space<hbm>> -> memref<2x128xi32, #tpu.memory_space<hbm>>
    %dma_start3A_22 = arith.constant 0 : i32
    %dma_start3A_23 = arith.constant 0 : i32
    %dma_start3A_24 = tpu.memref_slice %arg6[%dma_start3A, %dma_start3A_22, %dma_start3A_23] : memref<4x2x128xi32, #tpu.memory_space<vmem>> -> memref<1x2x128xi32, #tpu.memory_space<vmem>>
    %dma_start3A_25 = tpu.memref_squeeze %dma_start3A_24 : memref<1x2x128xi32, #tpu.memory_space<vmem>> -> memref<2x128xi32, #tpu.memory_space<vmem>>
    %dma_start3A_26 = arith.constant 0 : i32
    %dma_start3A_27 = arith.constant 0 : i32
    %dma_start3A_28 = tpu.memref_slice %arg3[%add3A_13, %dma_start3A_26, %dma_start3A_27] : memref<2560x2x128xi32, #tpu.memory_space<hbm>> -> memref<1x2x128xi32, #tpu.memory_space<hbm>>
    %dma_start3A_29 = tpu.memref_squeeze %dma_start3A_28 : memref<1x2x128xi32, #tpu.memory_space<hbm>> -> memref<2x128xi32, #tpu.memory_space<hbm>>
    tpu.enqueue_dma source(%dma_start3A_29 : memref<2x128xi32, #tpu.memory_space<hbm>>) target(%dma_start3A_25 : memref<2x128xi32, #tpu.memory_space<vmem>>) target_semaphore(%arg15 : memref<!tpu.dma_semaphore, #tpu.memory_space<semaphore_mem>>)
    %add3A_30 = arith.constant 3 : i32
    %add3A_31 = arith.addi %select_n3A_8, %add3A_30 : i32
    %dma_start3A_32 = arith.constant 3 : i32
    %dma_start3A_33 = arith.constant 0 : i32
    %dma_start3A_34 = arith.constant 0 : i32
    %dma_start3A_35 = tpu.memref_slice %arg6[%dma_start3A_32, %dma_start3A_33, %dma_start3A_34] : memref<4x2x128xi32, #tpu.memory_space<vmem>> -> memref<1x2x128xi32, #tpu.memory_space<vmem>>
    %dma_start3A_36 = tpu.memref_squeeze %dma_start3A_35 : memref<1x2x128xi32, #tpu.memory_space<vmem>> -> memref<2x128xi32, #tpu.memory_space<vmem>>
    %dma_start3A_37 = arith.constant 0 : i32
    %dma_start3A_38 = arith.constant 0 : i32
    %dma_start3A_39 = tpu.memref_slice %arg3[%add3A_31, %dma_start3A_37, %dma_start3A_38] : memref<2560x2x128xi32, #tpu.memory_space<hbm>> -> memref<1x2x128xi32, #tpu.memory_space<hbm>>
    %dma_start3A_40 = tpu.memref_squeeze %dma_start3A_39 : memref<1x2x128xi32, #tpu.memory_space<hbm>> -> memref<2x128xi32, #tpu.memory_space<hbm>>
    %dma_start3A_41 = arith.constant 0 : i32
    %dma_start3A_42 = arith.constant 0 : i32
    %dma_start3A_43 = tpu.memref_slice %arg6[%dma_start3A_32, %dma_start3A_41, %dma_start3A_42] : memref<4x2x128xi32, #tpu.memory_space<vmem>> -> memref<1x2x128xi32, #tpu.memory_space<vmem>>
    %dma_start3A_44 = tpu.memref_squeeze %dma_start3A_43 : memref<1x2x128xi32, #tpu.memory_space<vmem>> -> memref<2x128xi32, #tpu.memory_space<vmem>>
    %dma_start3A_45 = arith.constant 0 : i32
    %dma_start3A_46 = arith.constant 0 : i32
    %dma_start3A_47 = tpu.memref_slice %arg3[%add3A_31, %dma_start3A_45, %dma_start3A_46] : memref<2560x2x128xi32, #tpu.memory_space<hbm>> -> memref<1x2x128xi32, #tpu.memory_space<hbm>>
    %dma_start3A_48 = tpu.memref_squeeze %dma_start3A_47 : memref<1x2x128xi32, #tpu.memory_space<hbm>> -> memref<2x128xi32, #tpu.memory_space<hbm>>
    tpu.enqueue_dma source(%dma_start3A_48 : memref<2x128xi32, #tpu.memory_space<hbm>>) target(%dma_start3A_44 : memref<2x128xi32, #tpu.memory_space<vmem>>) target_semaphore(%arg16 : memref<!tpu.dma_semaphore, #tpu.memory_space<semaphore_mem>>)
    %dma_start3A_49 = arith.constant 1 : i32
    %dma_start3A_50 = arith.constant 0 : i32
    %dma_start3A_51 = arith.constant 0 : i32
    %dma_start3A_52 = tpu.memref_slice %arg6[%dma_start3A_49, %dma_start3A_50, %dma_start3A_51] : memref<4x2x128xi32, #tpu.memory_space<vmem>> -> memref<1x1x128xi32, #tpu.memory_space<vmem>>
    %dma_start3A_53 = tpu.memref_squeeze %dma_start3A_52 : memref<1x1x128xi32, #tpu.memory_space<vmem>> -> memref<128xi32, #tpu.memory_space<vmem>>
    %dma_start3A_54 = arith.constant 0 : i32
    %dma_start3A_55 = arith.constant 0 : i32
    %dma_start3A_56 = tpu.memref_slice %arg2[%dma_start3A_54, %dma_start3A_55] : memref<10000x64xf32, #tpu.memory_space<hbm>> -> memref<10000x64xf32, #tpu.memory_space<hbm>>
    tpu.enqueue_indirect_dma source(%dma_start3A_56 : memref<10000x64xf32, #tpu.memory_space<hbm>>) target(%arg8 : memref<128x64xf32, #tpu.memory_space<vmem>>) offsets(%dma_start3A_53 : memref<128xi32, #tpu.memory_space<vmem>>) semaphore(%arg10 : memref<!tpu.dma_semaphore, #tpu.memory_space<semaphore_mem>>)
    %broadcast_in_dim3A = arith.constant 0.000000e+00 : f32
    %broadcast_in_dim3A_57 = vector.broadcast %broadcast_in_dim3A : f32 to vector<16xf32>
    %scan3A = arith.constant 0 : i32
    %scan3A_58 = arith.constant 128 : i32
    %scan3A_59 = arith.addi %scan3A, %scan3A_58 : i32
    %scan3A_60 = arith.constant 1 : i32
    scf.for %scan3A_119 = %scan3A to %scan3A_59 step %scan3A_60  : i32 {
      %mul3A_120 = arith.constant 1 : i32
      %mul3A_121 = arith.muli %scan3A_119, %mul3A_120 : i32
      %add3A_122 = arith.constant 0 : i32
      %add3A_123 = arith.addi %add3A_122, %mul3A_121 : i32
      %swap3A = arith.index_cast %add3A_123 : i32 to index
      %swap3A_124 = arith.constant 0 : index
      %swap3A_125 = tpu.vector_load %arg7[%swap3A, %swap3A_124] {strides = array<i32>} : memref<128x64xf32, #tpu.memory_space<vmem>>, vector<1x16xf32>,
      %swap3A_126 = vector.shape_cast %swap3A_125 : vector<1x16xf32> to vector<16xf32>
      %swap3A_127 = vector.shape_cast %broadcast_in_dim3A_57 : vector<16xf32> to vector<1x16xf32>
      tpu.vector_store %arg7[%swap3A, %swap3A_124], %swap3A_127 {strides = array<i32>} : memref<128x64xf32, #tpu.memory_space<vmem>>, vector<1x16xf32>,
      %swap3A_128 = arith.index_cast %add3A_123 : i32 to index
      %swap3A_129 = arith.constant 16 : index
      %swap3A_130 = tpu.vector_load %arg7[%swap3A_128, %swap3A_129] {strides = array<i32>} : memref<128x64xf32, #tpu.memory_space<vmem>>, vector<1x16xf32>,
      %swap3A_131 = vector.shape_cast %swap3A_130 : vector<1x16xf32> to vector<16xf32>
      %swap3A_132 = vector.shape_cast %broadcast_in_dim3A_57 : vector<16xf32> to vector<1x16xf32>
      tpu.vector_store %arg7[%swap3A_128, %swap3A_129], %swap3A_132 {strides = array<i32>} : memref<128x64xf32, #tpu.memory_space<vmem>>, vector<1x16xf32>,
      %swap3A_133 = arith.index_cast %add3A_123 : i32 to index
      %swap3A_134 = arith.constant 32 : index
      %swap3A_135 = tpu.vector_load %arg7[%swap3A_133, %swap3A_134] {strides = array<i32>} : memref<128x64xf32, #tpu.memory_space<vmem>>, vector<1x16xf32>,
      %swap3A_136 = vector.shape_cast %swap3A_135 : vector<1x16xf32> to vector<16xf32>
      %swap3A_137 = vector.shape_cast %broadcast_in_dim3A_57 : vector<16xf32> to vector<1x16xf32>
      tpu.vector_store %arg7[%swap3A_133, %swap3A_134], %swap3A_137 {strides = array<i32>} : memref<128x64xf32, #tpu.memory_space<vmem>>, vector<1x16xf32>,
      %swap3A_138 = arith.index_cast %add3A_123 : i32 to index
      %swap3A_139 = arith.constant 48 : index
      %swap3A_140 = tpu.vector_load %arg7[%swap3A_138, %swap3A_139] {strides = array<i32>} : memref<128x64xf32, #tpu.memory_space<vmem>>, vector<1x16xf32>,
      %swap3A_141 = vector.shape_cast %swap3A_140 : vector<1x16xf32> to vector<16xf32>
      %swap3A_142 = vector.shape_cast %broadcast_in_dim3A_57 : vector<16xf32> to vector<1x16xf32>
      tpu.vector_store %arg7[%swap3A_138, %swap3A_139], %swap3A_142 {strides = array<i32>} : memref<128x64xf32, #tpu.memory_space<vmem>>, vector<1x16xf32>,
    }
    %scan3A_61 = arith.constant 128 : i32
    %mul3A_62 = arith.constant 640 : i32
    %mul3A_63 = arith.muli %arg1, %mul3A_62 : i32
    %scan3A_64 = arith.constant 0 : i32
    %scan3A_65 = arith.constant 5 : i32
    %scan3A_66 = arith.addi %scan3A_64, %scan3A_65 : i32
    %scan3A_67 = arith.constant 1 : i32
    scf.for %scan3A_119 = %scan3A_64 to %scan3A_66 step %scan3A_67  : i32 {
      %mul3A_120 = arith.constant 1 : i32
      %mul3A_121 = arith.muli %scan3A_119, %mul3A_120 : i32
      %add3A_122 = arith.constant 0 : i32
      %add3A_123 = arith.addi %add3A_122, %mul3A_121 : i32
      %mul3A_124 = arith.constant 128 : i32
      %mul3A_125 = arith.muli %add3A_123, %mul3A_124 : i32
      %add3A_126 = arith.addi %mul3A_63, %mul3A_125 : i32
      %dma_start3A_127 = arith.constant 0 : i32
      %dma_start3A_128 = tpu.memref_slice %arg5[%add3A_126, %dma_start3A_127] : memref<10240x64xf32, #tpu.memory_space<vmem_shared>> -> memref<128x64xf32, #tpu.memory_space<vmem_shared>>
      %dma_start3A_129 = arith.constant 0 : i32
      %dma_start3A_130 = tpu.memref_slice %arg5[%add3A_126, %dma_start3A_129] : memref<10240x64xf32, #tpu.memory_space<vmem_shared>> -> memref<128x64xf32, #tpu.memory_space<vmem_shared>>
      tpu.enqueue_dma source(%arg7 : memref<128x64xf32, #tpu.memory_space<vmem>>) target(%dma_start3A_130 : memref<128x64xf32, #tpu.memory_space<vmem_shared>>) target_semaphore(%arg11 : memref<!tpu.dma_semaphore, #tpu.memory_space<semaphore_mem>>)
    }
    %scan3A_68 = arith.constant 5 : i32
    %scan3A_69 = arith.constant 0 : i32
    %scan3A_70 = arith.constant 5 : i32
    %scan3A_71 = arith.addi %scan3A_69, %scan3A_70 : i32
    %scan3A_72 = arith.constant 1 : i32
    scf.for %scan3A_119 = %scan3A_69 to %scan3A_71 step %scan3A_72  : i32 {
      %mul3A_120 = arith.constant 1 : i32
      %mul3A_121 = arith.muli %scan3A_119, %mul3A_120 : i32
      %add3A_122 = arith.constant 0 : i32
      %add3A_123 = arith.addi %add3A_122, %mul3A_121 : i32
      %dma_wait3A_124 = arith.constant 0 : i32
      %dma_wait3A_125 = tpu.memref_slice %arg5[%mul3A_63, %dma_wait3A_124] : memref<10240x64xf32, #tpu.memory_space<vmem_shared>> -> memref<128x64xf32, #tpu.memory_space<vmem_shared>>
      %dma_wait3A_126 = arith.constant 0 : i32
      %dma_wait3A_127 = tpu.memref_slice %arg5[%mul3A_63, %dma_wait3A_126] : memref<10240x64xf32, #tpu.memory_space<vmem_shared>> -> memref<128x64xf32, #tpu.memory_space<vmem_shared>>
      tpu.wait_dma2 semaphore(%arg11 : memref<!tpu.dma_semaphore, #tpu.memory_space<semaphore_mem>>) src(%arg7 : memref<128x64xf32, #tpu.memory_space<vmem>>) dst(%dma_wait3A_127 : memref<128x64xf32, #tpu.memory_space<vmem_shared>>)
    }
    %scan3A_73 = arith.constant 5 : i32
    %dma_start3A_74 = arith.constant 0 : i32
    %dma_start3A_75 = arith.constant 0 : i32
    %dma_start3A_76 = arith.constant 0 : i32
    %dma_start3A_77 = tpu.memref_slice %arg6[%dma_start3A_74, %dma_start3A_75, %dma_start3A_76] : memref<4x2x128xi32, #tpu.memory_space<vmem>> -> memref<1x1x128xi32, #tpu.memory_space<vmem>>
    %dma_start3A_78 = tpu.memref_squeeze %dma_start3A_77 : memref<1x1x128xi32, #tpu.memory_space<vmem>> -> memref<128xi32, #tpu.memory_space<vmem>>
    %dma_start3A_79 = arith.constant 0 : i32
    %dma_start3A_80 = arith.constant 0 : i32
    %dma_start3A_81 = tpu.memref_slice %arg2[%dma_start3A_79, %dma_start3A_80] : memref<10000x64xf32, #tpu.memory_space<hbm>> -> memref<10000x64xf32, #tpu.memory_space<hbm>>
    tpu.enqueue_indirect_dma source(%dma_start3A_81 : memref<10000x64xf32, #tpu.memory_space<hbm>>) target(%arg7 : memref<128x64xf32, #tpu.memory_space<vmem>>) offsets(%dma_start3A_78 : memref<128xi32, #tpu.memory_space<vmem>>) semaphore(%arg9 : memref<!tpu.dma_semaphore, #tpu.memory_space<semaphore_mem>>)
    %barrier3A = arith.constant 0 : index
    tpu.barrier barrier_id(%barrier3A)
    %sub3A = arith.constant 0 : i32
    %sub3A_82 = arith.subi %select_n3A, %sub3A : i32
    %sub3A_83 = arith.constant 4 : i32
    %sub3A_84 = arith.constant 1 : i32
    %sub3A_85 = arith.subi %sub3A_83, %sub3A_84 : i32
    %add3A_86 = arith.addi %sub3A_82, %sub3A_85 : i32
    %div3A = arith.constant 4 : i32
    %div3A_87 = arith.divsi %add3A_86, %div3A : i32
    %while3A = arith.constant 4 : i32
    %while3A_88 = arith.constant 0 : i32
    %while3A_89 = arith.constant 0 : i32
    %while3A_90 = arith.subi %div3A_87, %while3A_89 : i32
    %while3A_91 = arith.addi %while3A_89, %while3A_90 : i32
    %while3A_92 = arith.constant 1 : i32
    %while3A_93 = arith.divsi %while3A_90, %while3A_92 : i32
    %while3A_94 = arith.muli %while3A_93, %while3A_92 : i32
    %while3A_95 = arith.addi %while3A_89, %while3A_94 : i32
    %while3A_96 = arith.constant 1 : i32
    scf.for %while3A_119 = %while3A_89 to %while3A_95 step %while3A_96  : i32 {
      %mul3A_120 = arith.muli %while3A_119, %while3A : i32
      %add3A_121 = arith.addi %while3A_88, %mul3A_120 : i32
      %add3A_122 = arith.constant 0 : i32
      %add3A_123 = arith.addi %add3A_121, %add3A_122 : i32
      %dma_wait3A_124 = arith.constant 0 : i32
      %dma_wait3A_125 = arith.constant 0 : i32
      %dma_wait3A_126 = arith.constant 0 : i32
      %dma_wait3A_127 = tpu.memref_slice %arg6[%dma_wait3A_124, %dma_wait3A_125, %dma_wait3A_126] : memref<4x2x128xi32, #tpu.memory_space<vmem>> -> memref<1x1x128xi32, #tpu.memory_space<vmem>>
      %dma_wait3A_128 = tpu.memref_squeeze %dma_wait3A_127 : memref<1x1x128xi32, #tpu.memory_space<vmem>> -> memref<128xi32, #tpu.memory_space<vmem>>
      %dma_wait3A_129 = arith.constant 0 : i32
      %dma_wait3A_130 = arith.constant 0 : i32
      %dma_wait3A_131 = tpu.memref_slice %arg2[%dma_wait3A_129, %dma_wait3A_130] : memref<10000x64xf32, #tpu.memory_space<hbm>> -> memref<10000x64xf32, #tpu.memory_space<hbm>>
      tpu.wait_indirect_dma semaphore(%arg9 : memref<!tpu.dma_semaphore, #tpu.memory_space<semaphore_mem>>) src(%dma_wait3A_131 : memref<10000x64xf32, #tpu.memory_space<hbm>>) dst(%arg7 : memref<128x64xf32, #tpu.memory_space<vmem>>)
      %dma_start3A_132 = arith.constant 0 : i32
      %dma_start3A_133 = arith.constant 1 : i32
      %dma_start3A_134 = arith.constant 0 : i32
      %dma_start3A_135 = tpu.memref_slice %arg6[%dma_start3A_132, %dma_start3A_133, %dma_start3A_134] : memref<4x2x128xi32, #tpu.memory_space<vmem>> -> memref<1x1x128xi32, #tpu.memory_space<vmem>>
      %dma_start3A_136 = tpu.memref_squeeze %dma_start3A_135 : memref<1x1x128xi32, #tpu.memory_space<vmem>> -> memref<128xi32, #tpu.memory_space<vmem>>
      %dma_start3A_137 = arith.constant 0 : i32
      %dma_start3A_138 = arith.constant 0 : i32
      %dma_start3A_139 = tpu.memref_slice %arg5[%dma_start3A_137, %dma_start3A_138] : memref<10240x64xf32, #tpu.memory_space<vmem_shared>> -> memref<10240x64xf32, #tpu.memory_space<vmem_shared>>
      tpu.enqueue_indirect_dma source(%arg7 : memref<128x64xf32, #tpu.memory_space<vmem>>) target(%dma_start3A_139 : memref<10240x64xf32, #tpu.memory_space<vmem_shared>>) offsets(%dma_start3A_136 : memref<128xi32, #tpu.memory_space<vmem>>) semaphore(%arg11 : memref<!tpu.dma_semaphore, #tpu.memory_space<semaphore_mem>>) {add = true}
      %add3A_140 = arith.constant 2 : i32
      %add3A_141 = arith.addi %add3A_123, %add3A_140 : i32
      %lt3A = arith.cmpi slt, %add3A_141, %select_n3A : i32
      %convert_element_type3A_142 = arith.extui %lt3A : i1 to i32
      %cond3A_143 = arith.constant 0 : i32
      %cond3A_144 = arith.cmpi ne, %convert_element_type3A_142, %cond3A_143 : i32
      scf.if %cond3A_144 {
        %dma_wait3A_217 = arith.constant 0 : i32
        %dma_wait3A_218 = arith.constant 1 : i32
        %dma_wait3A_219 = arith.constant 0 : i32
        %dma_wait3A_220 = tpu.memref_slice %arg6[%dma_wait3A_217, %dma_wait3A_218, %dma_wait3A_219] : memref<4x2x128xi32, #tpu.memory_space<vmem>> -> memref<1x1x128xi32, #tpu.memory_space<vmem>>
        %dma_wait3A_221 = tpu.memref_squeeze %dma_wait3A_220 : memref<1x1x128xi32, #tpu.memory_space<vmem>> -> memref<128xi32, #tpu.memory_space<vmem>>
        %dma_wait3A_222 = arith.constant 0 : i32
        %dma_wait3A_223 = arith.constant 0 : i32
        %dma_wait3A_224 = tpu.memref_slice %arg5[%dma_wait3A_222, %dma_wait3A_223] : memref<10240x64xf32, #tpu.memory_space<vmem_shared>> -> memref<10240x64xf32, #tpu.memory_space<vmem_shared>>
        tpu.wait_indirect_dma semaphore(%arg11 : memref<!tpu.dma_semaphore, #tpu.memory_space<semaphore_mem>>) src(%arg7 : memref<128x64xf32, #tpu.memory_space<vmem>>) dst(%dma_wait3A_224 : memref<10240x64xf32, #tpu.memory_space<vmem_shared>>)
        %add3A_225 = arith.constant 4 : i32
        %add3A_226 = arith.addi %add3A_123, %add3A_225 : i32
        %lt3A_227 = arith.cmpi slt, %add3A_226, %select_n3A : i32
        %convert_element_type3A_228 = arith.extui %lt3A_227 : i1 to i32
        %cond3A_229 = arith.constant 0 : i32
        %cond3A_230 = arith.cmpi ne, %convert_element_type3A_228, %cond3A_229 : i32
        scf.if %cond3A_230 {
          %add3A_259 = arith.addi %select_n3A_8, %add3A_123 : i32
          %add3A_260 = arith.constant 4 : i32
          %add3A_261 = arith.addi %add3A_259, %add3A_260 : i32
          %dma_start3A_262 = arith.constant 0 : i32
          %dma_start3A_263 = arith.constant 0 : i32
          %dma_start3A_264 = arith.constant 0 : i32
          %dma_start3A_265 = tpu.memref_slice %arg6[%dma_start3A_262, %dma_start3A_263, %dma_start3A_264] : memref<4x2x128xi32, #tpu.memory_space<vmem>> -> memref<1x2x128xi32, #tpu.memory_space<vmem>>
          %dma_start3A_266 = tpu.memref_squeeze %dma_start3A_265 : memref<1x2x128xi32, #tpu.memory_space<vmem>> -> memref<2x128xi32, #tpu.memory_space<vmem>>
          %dma_start3A_267 = arith.constant 0 : i32
          %dma_start3A_268 = arith.constant 0 : i32
          %dma_start3A_269 = tpu.memref_slice %arg3[%add3A_261, %dma_start3A_267, %dma_start3A_268] : memref<2560x2x128xi32, #tpu.memory_space<hbm>> -> memref<1x2x128xi32, #tpu.memory_space<hbm>>
          %dma_start3A_270 = tpu.memref_squeeze %dma_start3A_269 : memref<1x2x128xi32, #tpu.memory_space<hbm>> -> memref<2x128xi32, #tpu.memory_space<hbm>>
          %dma_start3A_271 = arith.constant 0 : i32
          %dma_start3A_272 = arith.constant 0 : i32
          %dma_start3A_273 = tpu.memref_slice %arg6[%dma_start3A_262, %dma_start3A_271, %dma_start3A_272] : memref<4x2x128xi32, #tpu.memory_space<vmem>> -> memref<1x2x128xi32, #tpu.memory_space<vmem>>
          %dma_start3A_274 = tpu.memref_squeeze %dma_start3A_273 : memref<1x2x128xi32, #tpu.memory_space<vmem>> -> memref<2x128xi32, #tpu.memory_space<vmem>>
          %dma_start3A_275 = arith.constant 0 : i32
          %dma_start3A_276 = arith.constant 0 : i32
          %dma_start3A_277 = tpu.memref_slice %arg3[%add3A_261, %dma_start3A_275, %dma_start3A_276] : memref<2560x2x128xi32, #tpu.memory_space<hbm>> -> memref<1x2x128xi32, #tpu.memory_space<hbm>>
          %dma_start3A_278 = tpu.memref_squeeze %dma_start3A_277 : memref<1x2x128xi32, #tpu.memory_space<hbm>> -> memref<2x128xi32, #tpu.memory_space<hbm>>
          tpu.enqueue_dma source(%dma_start3A_278 : memref<2x128xi32, #tpu.memory_space<hbm>>) target(%dma_start3A_274 : memref<2x128xi32, #tpu.memory_space<vmem>>) target_semaphore(%arg13 : memref<!tpu.dma_semaphore, #tpu.memory_space<semaphore_mem>>)
        } else {
        }
        %add3A_231 = arith.addi %select_n3A_8, %add3A_123 : i32
        %add3A_232 = arith.constant 2 : i32
        %add3A_233 = arith.addi %add3A_231, %add3A_232 : i32
        %dma_wait3A_234 = arith.constant 2 : i32
        %dma_wait3A_235 = arith.constant 0 : i32
        %dma_wait3A_236 = arith.constant 0 : i32
        %dma_wait3A_237 = tpu.memref_slice %arg6[%dma_wait3A_234, %dma_wait3A_235, %dma_wait3A_236] : memref<4x2x128xi32, #tpu.memory_space<vmem>> -> memref<1x2x128xi32, #tpu.memory_space<vmem>>
        %dma_wait3A_238 = tpu.memref_squeeze %dma_wait3A_237 : memref<1x2x128xi32, #tpu.memory_space<vmem>> -> memref<2x128xi32, #tpu.memory_space<vmem>>
        %dma_wait3A_239 = arith.constant 0 : i32
        %dma_wait3A_240 = arith.constant 0 : i32
        %dma_wait3A_241 = tpu.memref_slice %arg3[%add3A_233, %dma_wait3A_239, %dma_wait3A_240] : memref<2560x2x128xi32, #tpu.memory_space<hbm>> -> memref<1x2x128xi32, #tpu.memory_space<hbm>>
        %dma_wait3A_242 = tpu.memref_squeeze %dma_wait3A_241 : memref<1x2x128xi32, #tpu.memory_space<hbm>> -> memref<2x128xi32, #tpu.memory_space<hbm>>
        %dma_wait3A_243 = arith.constant 0 : i32
        %dma_wait3A_244 = arith.constant 0 : i32
        %dma_wait3A_245 = tpu.memref_slice %arg6[%dma_wait3A_234, %dma_wait3A_243, %dma_wait3A_244] : memref<4x2x128xi32, #tpu.memory_space<vmem>> -> memref<1x2x128xi32, #tpu.memory_space<vmem>>
        %dma_wait3A_246 = tpu.memref_squeeze %dma_wait3A_245 : memref<1x2x128xi32, #tpu.memory_space<vmem>> -> memref<2x128xi32, #tpu.memory_space<vmem>>
        %dma_wait3A_247 = arith.constant 0 : i32
        %dma_wait3A_248 = arith.constant 0 : i32
        %dma_wait3A_249 = tpu.memref_slice %arg3[%add3A_233, %dma_wait3A_247, %dma_wait3A_248] : memref<2560x2x128xi32, #tpu.memory_space<hbm>> -> memref<1x2x128xi32, #tpu.memory_space<hbm>>
        %dma_wait3A_250 = tpu.memref_squeeze %dma_wait3A_249 : memref<1x2x128xi32, #tpu.memory_space<hbm>> -> memref<2x128xi32, #tpu.memory_space<hbm>>
        tpu.wait_dma2 semaphore(%arg15 : memref<!tpu.dma_semaphore, #tpu.memory_space<semaphore_mem>>) src(%dma_wait3A_250 : memref<2x128xi32, #tpu.memory_space<hbm>>) dst(%dma_wait3A_246 : memref<2x128xi32, #tpu.memory_space<vmem>>)
        %dma_start3A_251 = arith.constant 2 : i32
        %dma_start3A_252 = arith.constant 0 : i32
        %dma_start3A_253 = arith.constant 0 : i32
        %dma_start3A_254 = tpu.memref_slice %arg6[%dma_start3A_251, %dma_start3A_252, %dma_start3A_253] : memref<4x2x128xi32, #tpu.memory_space<vmem>> -> memref<1x1x128xi32, #tpu.memory_space<vmem>>
        %dma_start3A_255 = tpu.memref_squeeze %dma_start3A_254 : memref<1x1x128xi32, #tpu.memory_space<vmem>> -> memref<128xi32, #tpu.memory_space<vmem>>
        %dma_start3A_256 = arith.constant 0 : i32
        %dma_start3A_257 = arith.constant 0 : i32
        %dma_start3A_258 = tpu.memref_slice %arg2[%dma_start3A_256, %dma_start3A_257] : memref<10000x64xf32, #tpu.memory_space<hbm>> -> memref<10000x64xf32, #tpu.memory_space<hbm>>
        tpu.enqueue_indirect_dma source(%dma_start3A_258 : memref<10000x64xf32, #tpu.memory_space<hbm>>) target(%arg7 : memref<128x64xf32, #tpu.memory_space<vmem>>) offsets(%dma_start3A_255 : memref<128xi32, #tpu.memory_space<vmem>>) semaphore(%arg9 : memref<!tpu.dma_semaphore, #tpu.memory_space<semaphore_mem>>)
      } else {
      }
      %add3A_145 = arith.constant 1 : i32
      %add3A_146 = arith.addi %add3A_121, %add3A_145 : i32
      %dma_wait3A_147 = arith.constant 1 : i32
      %dma_wait3A_148 = arith.constant 0 : i32
      %dma_wait3A_149 = arith.constant 0 : i32
      %dma_wait3A_150 = tpu.memref_slice %arg6[%dma_wait3A_147, %dma_wait3A_148, %dma_wait3A_149] : memref<4x2x128xi32, #tpu.memory_space<vmem>> -> memref<1x1x128xi32, #tpu.memory_space<vmem>>
      %dma_wait3A_151 = tpu.memref_squeeze %dma_wait3A_150 : memref<1x1x128xi32, #tpu.memory_space<vmem>> -> memref<128xi32, #tpu.memory_space<vmem>>
      %dma_wait3A_152 = arith.constant 0 : i32
      %dma_wait3A_153 = arith.constant 0 : i32
      %dma_wait3A_154 = tpu.memref_slice %arg2[%dma_wait3A_152, %dma_wait3A_153] : memref<10000x64xf32, #tpu.memory_space<hbm>> -> memref<10000x64xf32, #tpu.memory_space<hbm>>
      tpu.wait_indirect_dma semaphore(%arg10 : memref<!tpu.dma_semaphore, #tpu.memory_space<semaphore_mem>>) src(%dma_wait3A_154 : memref<10000x64xf32, #tpu.memory_space<hbm>>) dst(%arg8 : memref<128x64xf32, #tpu.memory_space<vmem>>)
      %dma_start3A_155 = arith.constant 1 : i32
      %dma_start3A_156 = arith.constant 1 : i32
      %dma_start3A_157 = arith.constant 0 : i32
      %dma_start3A_158 = tpu.memref_slice %arg6[%dma_start3A_155, %dma_start3A_156, %dma_start3A_157] : memref<4x2x128xi32, #tpu.memory_space<vmem>> -> memref<1x1x128xi32, #tpu.memory_space<vmem>>
      %dma_start3A_159 = tpu.memref_squeeze %dma_start3A_158 : memref<1x1x128xi32, #tpu.memory_space<vmem>> -> memref<128xi32, #tpu.memory_space<vmem>>
      %dma_start3A_160 = arith.constant 0 : i32
      %dma_start3A_161 = arith.constant 0 : i32
      %dma_start3A_162 = tpu.memref_slice %arg5[%dma_start3A_160, %dma_start3A_161] : memref<10240x64xf32, #tpu.memory_space<vmem_shared>> -> memref<10240x64xf32, #tpu.memory_space<vmem_shared>>
      tpu.enqueue_indirect_dma source(%arg8 : memref<128x64xf32, #tpu.memory_space<vmem>>) target(%dma_start3A_162 : memref<10240x64xf32, #tpu.memory_space<vmem_shared>>) offsets(%dma_start3A_159 : memref<128xi32, #tpu.memory_space<vmem>>) semaphore(%arg12 : memref<!tpu.dma_semaphore, #tpu.memory_space<semaphore_mem>>) {add = true}
      %add3A_163 = arith.constant 2 : i32
      %add3A_164 = arith.addi %add3A_146, %add3A_163 : i32
      %lt3A_165 = arith.cmpi slt, %add3A_164, %select_n3A : i32
      %convert_element_type3A_166 = arith.extui %lt3A_165 : i1 to i32
      %cond3A_167 = arith.constant 0 : i32
      %cond3A_168 = arith.cmpi ne, %convert_element_type3A_166, %cond3A_167 : i32
      scf.if %cond3A_168 {
        %dma_wait3A_217 = arith.constant 1 : i32
        %dma_wait3A_218 = arith.constant 1 : i32
        %dma_wait3A_219 = arith.constant 0 : i32
        %dma_wait3A_220 = tpu.memref_slice %arg6[%dma_wait3A_217, %dma_wait3A_218, %dma_wait3A_219] : memref<4x2x128xi32, #tpu.memory_space<vmem>> -> memref<1x1x128xi32, #tpu.memory_space<vmem>>
        %dma_wait3A_221 = tpu.memref_squeeze %dma_wait3A_220 : memref<1x1x128xi32, #tpu.memory_space<vmem>> -> memref<128xi32, #tpu.memory_space<vmem>>
        %dma_wait3A_222 = arith.constant 0 : i32
        %dma_wait3A_223 = arith.constant 0 : i32
        %dma_wait3A_224 = tpu.memref_slice %arg5[%dma_wait3A_222, %dma_wait3A_223] : memref<10240x64xf32, #tpu.memory_space<vmem_shared>> -> memref<10240x64xf32, #tpu.memory_space<vmem_shared>>
        tpu.wait_indirect_dma semaphore(%arg12 : memref<!tpu.dma_semaphore, #tpu.memory_space<semaphore_mem>>) src(%arg8 : memref<128x64xf32, #tpu.memory_space<vmem>>) dst(%dma_wait3A_224 : memref<10240x64xf32, #tpu.memory_space<vmem_shared>>)
        %add3A_225 = arith.constant 4 : i32
        %add3A_226 = arith.addi %add3A_146, %add3A_225 : i32
        %lt3A_227 = arith.cmpi slt, %add3A_226, %select_n3A : i32
        %convert_element_type3A_228 = arith.extui %lt3A_227 : i1 to i32
        %cond3A_229 = arith.constant 0 : i32
        %cond3A_230 = arith.cmpi ne, %convert_element_type3A_228, %cond3A_229 : i32
        scf.if %cond3A_230 {
          %add3A_259 = arith.addi %select_n3A_8, %add3A_146 : i32
          %add3A_260 = arith.constant 4 : i32
          %add3A_261 = arith.addi %add3A_259, %add3A_260 : i32
          %dma_start3A_262 = arith.constant 1 : i32
          %dma_start3A_263 = arith.constant 0 : i32
          %dma_start3A_264 = arith.constant 0 : i32
          %dma_start3A_265 = tpu.memref_slice %arg6[%dma_start3A_262, %dma_start3A_263, %dma_start3A_264] : memref<4x2x128xi32, #tpu.memory_space<vmem>> -> memref<1x2x128xi32, #tpu.memory_space<vmem>>
          %dma_start3A_266 = tpu.memref_squeeze %dma_start3A_265 : memref<1x2x128xi32, #tpu.memory_space<vmem>> -> memref<2x128xi32, #tpu.memory_space<vmem>>
          %dma_start3A_267 = arith.constant 0 : i32
          %dma_start3A_268 = arith.constant 0 : i32
          %dma_start3A_269 = tpu.memref_slice %arg3[%add3A_261, %dma_start3A_267, %dma_start3A_268] : memref<2560x2x128xi32, #tpu.memory_space<hbm>> -> memref<1x2x128xi32, #tpu.memory_space<hbm>>
          %dma_start3A_270 = tpu.memref_squeeze %dma_start3A_269 : memref<1x2x128xi32, #tpu.memory_space<hbm>> -> memref<2x128xi32, #tpu.memory_space<hbm>>
          %dma_start3A_271 = arith.constant 0 : i32
          %dma_start3A_272 = arith.constant 0 : i32
          %dma_start3A_273 = tpu.memref_slice %arg6[%dma_start3A_262, %dma_start3A_271, %dma_start3A_272] : memref<4x2x128xi32, #tpu.memory_space<vmem>> -> memref<1x2x128xi32, #tpu.memory_space<vmem>>
          %dma_start3A_274 = tpu.memref_squeeze %dma_start3A_273 : memref<1x2x128xi32, #tpu.memory_space<vmem>> -> memref<2x128xi32, #tpu.memory_space<vmem>>
          %dma_start3A_275 = arith.constant 0 : i32
          %dma_start3A_276 = arith.constant 0 : i32
          %dma_start3A_277 = tpu.memref_slice %arg3[%add3A_261, %dma_start3A_275, %dma_start3A_276] : memref<2560x2x128xi32, #tpu.memory_space<hbm>> -> memref<1x2x128xi32, #tpu.memory_space<hbm>>
          %dma_start3A_278 = tpu.memref_squeeze %dma_start3A_277 : memref<1x2x128xi32, #tpu.memory_space<hbm>> -> memref<2x128xi32, #tpu.memory_space<hbm>>
          tpu.enqueue_dma source(%dma_start3A_278 : memref<2x128xi32, #tpu.memory_space<hbm>>) target(%dma_start3A_274 : memref<2x128xi32, #tpu.memory_space<vmem>>) target_semaphore(%arg14 : memref<!tpu.dma_semaphore, #tpu.memory_space<semaphore_mem>>)
        } else {
        }
        %add3A_231 = arith.addi %select_n3A_8, %add3A_146 : i32
        %add3A_232 = arith.constant 2 : i32
        %add3A_233 = arith.addi %add3A_231, %add3A_232 : i32
        %dma_wait3A_234 = arith.constant 3 : i32
        %dma_wait3A_235 = arith.constant 0 : i32
        %dma_wait3A_236 = arith.constant 0 : i32
        %dma_wait3A_237 = tpu.memref_slice %arg6[%dma_wait3A_234, %dma_wait3A_235, %dma_wait3A_236] : memref<4x2x128xi32, #tpu.memory_space<vmem>> -> memref<1x2x128xi32, #tpu.memory_space<vmem>>
        %dma_wait3A_238 = tpu.memref_squeeze %dma_wait3A_237 : memref<1x2x128xi32, #tpu.memory_space<vmem>> -> memref<2x128xi32, #tpu.memory_space<vmem>>
        %dma_wait3A_239 = arith.constant 0 : i32
        %dma_wait3A_240 = arith.constant 0 : i32
        %dma_wait3A_241 = tpu.memref_slice %arg3[%add3A_233, %dma_wait3A_239, %dma_wait3A_240] : memref<2560x2x128xi32, #tpu.memory_space<hbm>> -> memref<1x2x128xi32, #tpu.memory_space<hbm>>
        %dma_wait3A_242 = tpu.memref_squeeze %dma_wait3A_241 : memref<1x2x128xi32, #tpu.memory_space<hbm>> -> memref<2x128xi32, #tpu.memory_space<hbm>>
        %dma_wait3A_243 = arith.constant 0 : i32
        %dma_wait3A_244 = arith.constant 0 : i32
        %dma_wait3A_245 = tpu.memref_slice %arg6[%dma_wait3A_234, %dma_wait3A_243, %dma_wait3A_244] : memref<4x2x128xi32, #tpu.memory_space<vmem>> -> memref<1x2x128xi32, #tpu.memory_space<vmem>>
        %dma_wait3A_246 = tpu.memref_squeeze %dma_wait3A_245 : memref<1x2x128xi32, #tpu.memory_space<vmem>> -> memref<2x128xi32, #tpu.memory_space<vmem>>
        %dma_wait3A_247 = arith.constant 0 : i32
        %dma_wait3A_248 = arith.constant 0 : i32
        %dma_wait3A_249 = tpu.memref_slice %arg3[%add3A_233, %dma_wait3A_247, %dma_wait3A_248] : memref<2560x2x128xi32, #tpu.memory_space<hbm>> -> memref<1x2x128xi32, #tpu.memory_space<hbm>>
        %dma_wait3A_250 = tpu.memref_squeeze %dma_wait3A_249 : memref<1x2x128xi32, #tpu.memory_space<hbm>> -> memref<2x128xi32, #tpu.memory_space<hbm>>
        tpu.wait_dma2 semaphore(%arg16 : memref<!tpu.dma_semaphore, #tpu.memory_space<semaphore_mem>>) src(%dma_wait3A_250 : memref<2x128xi32, #tpu.memory_space<hbm>>) dst(%dma_wait3A_246 : memref<2x128xi32, #tpu.memory_space<vmem>>)
        %dma_start3A_251 = arith.constant 3 : i32
        %dma_start3A_252 = arith.constant 0 : i32
        %dma_start3A_253 = arith.constant 0 : i32
        %dma_start3A_254 = tpu.memref_slice %arg6[%dma_start3A_251, %dma_start3A_252, %dma_start3A_253] : memref<4x2x128xi32, #tpu.memory_space<vmem>> -> memref<1x1x128xi32, #tpu.memory_space<vmem>>
        %dma_start3A_255 = tpu.memref_squeeze %dma_start3A_254 : memref<1x1x128xi32, #tpu.memory_space<vmem>> -> memref<128xi32, #tpu.memory_space<vmem>>
        %dma_start3A_256 = arith.constant 0 : i32
        %dma_start3A_257 = arith.constant 0 : i32
        %dma_start3A_258 = tpu.memref_slice %arg2[%dma_start3A_256, %dma_start3A_257] : memref<10000x64xf32, #tpu.memory_space<hbm>> -> memref<10000x64xf32, #tpu.memory_space<hbm>>
        tpu.enqueue_indirect_dma source(%dma_start3A_258 : memref<10000x64xf32, #tpu.memory_space<hbm>>) target(%arg8 : memref<128x64xf32, #tpu.memory_space<vmem>>) offsets(%dma_start3A_255 : memref<128xi32, #tpu.memory_space<vmem>>) semaphore(%arg10 : memref<!tpu.dma_semaphore, #tpu.memory_space<semaphore_mem>>)
      } else {
      }
      %add3A_169 = arith.constant 2 : i32
      %add3A_170 = arith.addi %add3A_121, %add3A_169 : i32
      %dma_wait3A_171 = arith.constant 2 : i32
      %dma_wait3A_172 = arith.constant 0 : i32
      %dma_wait3A_173 = arith.constant 0 : i32
      %dma_wait3A_174 = tpu.memref_slice %arg6[%dma_wait3A_171, %dma_wait3A_172, %dma_wait3A_173] : memref<4x2x128xi32, #tpu.memory_space<vmem>> -> memref<1x1x128xi32, #tpu.memory_space<vmem>>
      %dma_wait3A_175 = tpu.memref_squeeze %dma_wait3A_174 : memref<1x1x128xi32, #tpu.memory_space<vmem>> -> memref<128xi32, #tpu.memory_space<vmem>>
      %dma_wait3A_176 = arith.constant 0 : i32
      %dma_wait3A_177 = arith.constant 0 : i32
      %dma_wait3A_178 = tpu.memref_slice %arg2[%dma_wait3A_176, %dma_wait3A_177] : memref<10000x64xf32, #tpu.memory_space<hbm>> -> memref<10000x64xf32, #tpu.memory_space<hbm>>
      tpu.wait_indirect_dma semaphore(%arg9 : memref<!tpu.dma_semaphore, #tpu.memory_space<semaphore_mem>>) src(%dma_wait3A_178 : memref<10000x64xf32, #tpu.memory_space<hbm>>) dst(%arg7 : memref<128x64xf32, #tpu.memory_space<vmem>>)
      %dma_start3A_179 = arith.constant 2 : i32
      %dma_start3A_180 = arith.constant 1 : i32
      %dma_start3A_181 = arith.constant 0 : i32
      %dma_start3A_182 = tpu.memref_slice %arg6[%dma_start3A_179, %dma_start3A_180, %dma_start3A_181] : memref<4x2x128xi32, #tpu.memory_space<vmem>> -> memref<1x1x128xi32, #tpu.memory_space<vmem>>
      %dma_start3A_183 = tpu.memref_squeeze %dma_start3A_182 : memref<1x1x128xi32, #tpu.memory_space<vmem>> -> memref<128xi32, #tpu.memory_space<vmem>>
      %dma_start3A_184 = arith.constant 0 : i32
      %dma_start3A_185 = arith.constant 0 : i32
      %dma_start3A_186 = tpu.memref_slice %arg5[%dma_start3A_184, %dma_start3A_185] : memref<10240x64xf32, #tpu.memory_space<vmem_shared>> -> memref<10240x64xf32, #tpu.memory_space<vmem_shared>>
      tpu.enqueue_indirect_dma source(%arg7 : memref<128x64xf32, #tpu.memory_space<vmem>>) target(%dma_start3A_186 : memref<10240x64xf32, #tpu.memory_space<vmem_shared>>) offsets(%dma_start3A_183 : memref<128xi32, #tpu.memory_space<vmem>>) semaphore(%arg11 : memref<!tpu.dma_semaphore, #tpu.memory_space<semaphore_mem>>) {add = true}
      %add3A_187 = arith.constant 2 : i32
      %add3A_188 = arith.addi %add3A_170, %add3A_187 : i32
      %lt3A_189 = arith.cmpi slt, %add3A_188, %select_n3A : i32
      %convert_element_type3A_190 = arith.extui %lt3A_189 : i1 to i32
      %cond3A_191 = arith.constant 0 : i32
      %cond3A_192 = arith.cmpi ne, %convert_element_type3A_190, %cond3A_191 : i32
      scf.if %cond3A_192 {
        %dma_wait3A_217 = arith.constant 2 : i32
        %dma_wait3A_218 = arith.constant 1 : i32
        %dma_wait3A_219 = arith.constant 0 : i32
        %dma_wait3A_220 = tpu.memref_slice %arg6[%dma_wait3A_217, %dma_wait3A_218, %dma_wait3A_219] : memref<4x2x128xi32, #tpu.memory_space<vmem>> -> memref<1x1x128xi32, #tpu.memory_space<vmem>>
        %dma_wait3A_221 = tpu.memref_squeeze %dma_wait3A_220 : memref<1x1x128xi32, #tpu.memory_space<vmem>> -> memref<128xi32, #tpu.memory_space<vmem>>
        %dma_wait3A_222 = arith.constant 0 : i32
        %dma_wait3A_223 = arith.constant 0 : i32
        %dma_wait3A_224 = tpu.memref_slice %arg5[%dma_wait3A_222, %dma_wait3A_223] : memref<10240x64xf32, #tpu.memory_space<vmem_shared>> -> memref<10240x64xf32, #tpu.memory_space<vmem_shared>>
        tpu.wait_indirect_dma semaphore(%arg11 : memref<!tpu.dma_semaphore, #tpu.memory_space<semaphore_mem>>) src(%arg7 : memref<128x64xf32, #tpu.memory_space<vmem>>) dst(%dma_wait3A_224 : memref<10240x64xf32, #tpu.memory_space<vmem_shared>>)
        %add3A_225 = arith.constant 4 : i32
        %add3A_226 = arith.addi %add3A_170, %add3A_225 : i32
        %lt3A_227 = arith.cmpi slt, %add3A_226, %select_n3A : i32
        %convert_element_type3A_228 = arith.extui %lt3A_227 : i1 to i32
        %cond3A_229 = arith.constant 0 : i32
        %cond3A_230 = arith.cmpi ne, %convert_element_type3A_228, %cond3A_229 : i32
        scf.if %cond3A_230 {
          %add3A_259 = arith.addi %select_n3A_8, %add3A_170 : i32
          %add3A_260 = arith.constant 4 : i32
          %add3A_261 = arith.addi %add3A_259, %add3A_260 : i32
          %dma_start3A_262 = arith.constant 2 : i32
          %dma_start3A_263 = arith.constant 0 : i32
          %dma_start3A_264 = arith.constant 0 : i32
          %dma_start3A_265 = tpu.memref_slice %arg6[%dma_start3A_262, %dma_start3A_263, %dma_start3A_264] : memref<4x2x128xi32, #tpu.memory_space<vmem>> -> memref<1x2x128xi32, #tpu.memory_space<vmem>>
          %dma_start3A_266 = tpu.memref_squeeze %dma_start3A_265 : memref<1x2x128xi32, #tpu.memory_space<vmem>> -> memref<2x128xi32, #tpu.memory_space<vmem>>
          %dma_start3A_267 = arith.constant 0 : i32
          %dma_start3A_268 = arith.constant 0 : i32
          %dma_start3A_269 = tpu.memref_slice %arg3[%add3A_261, %dma_start3A_267, %dma_start3A_268] : memref<2560x2x128xi32, #tpu.memory_space<hbm>> -> memref<1x2x128xi32, #tpu.memory_space<hbm>>
          %dma_start3A_270 = tpu.memref_squeeze %dma_start3A_269 : memref<1x2x128xi32, #tpu.memory_space<hbm>> -> memref<2x128xi32, #tpu.memory_space<hbm>>
          %dma_start3A_271 = arith.constant 0 : i32
          %dma_start3A_272 = arith.constant 0 : i32
          %dma_start3A_273 = tpu.memref_slice %arg6[%dma_start3A_262, %dma_start3A_271, %dma_start3A_272] : memref<4x2x128xi32, #tpu.memory_space<vmem>> -> memref<1x2x128xi32, #tpu.memory_space<vmem>>
          %dma_start3A_274 = tpu.memref_squeeze %dma_start3A_273 : memref<1x2x128xi32, #tpu.memory_space<vmem>> -> memref<2x128xi32, #tpu.memory_space<vmem>>
          %dma_start3A_275 = arith.constant 0 : i32
          %dma_start3A_276 = arith.constant 0 : i32
          %dma_start3A_277 = tpu.memref_slice %arg3[%add3A_261, %dma_start3A_275, %dma_start3A_276] : memref<2560x2x128xi32, #tpu.memory_space<hbm>> -> memref<1x2x128xi32, #tpu.memory_space<hbm>>
          %dma_start3A_278 = tpu.memref_squeeze %dma_start3A_277 : memref<1x2x128xi32, #tpu.memory_space<hbm>> -> memref<2x128xi32, #tpu.memory_space<hbm>>
          tpu.enqueue_dma source(%dma_start3A_278 : memref<2x128xi32, #tpu.memory_space<hbm>>) target(%dma_start3A_274 : memref<2x128xi32, #tpu.memory_space<vmem>>) target_semaphore(%arg15 : memref<!tpu.dma_semaphore, #tpu.memory_space<semaphore_mem>>)
        } else {
        }
        %add3A_231 = arith.addi %select_n3A_8, %add3A_170 : i32
        %add3A_232 = arith.constant 2 : i32
        %add3A_233 = arith.addi %add3A_231, %add3A_232 : i32
        %dma_wait3A_234 = arith.constant 0 : i32
        %dma_wait3A_235 = arith.constant 0 : i32
        %dma_wait3A_236 = arith.constant 0 : i32
        %dma_wait3A_237 = tpu.memref_slice %arg6[%dma_wait3A_234, %dma_wait3A_235, %dma_wait3A_236] : memref<4x2x128xi32, #tpu.memory_space<vmem>> -> memref<1x2x128xi32, #tpu.memory_space<vmem>>
        %dma_wait3A_238 = tpu.memref_squeeze %dma_wait3A_237 : memref<1x2x128xi32, #tpu.memory_space<vmem>> -> memref<2x128xi32, #tpu.memory_space<vmem>>
        %dma_wait3A_239 = arith.constant 0 : i32
        %dma_wait3A_240 = arith.constant 0 : i32
        %dma_wait3A_241 = tpu.memref_slice %arg3[%add3A_233, %dma_wait3A_239, %dma_wait3A_240] : memref<2560x2x128xi32, #tpu.memory_space<hbm>> -> memref<1x2x128xi32, #tpu.memory_space<hbm>>
        %dma_wait3A_242 = tpu.memref_squeeze %dma_wait3A_241 : memref<1x2x128xi32, #tpu.memory_space<hbm>> -> memref<2x128xi32, #tpu.memory_space<hbm>>
        %dma_wait3A_243 = arith.constant 0 : i32
        %dma_wait3A_244 = arith.constant 0 : i32
        %dma_wait3A_245 = tpu.memref_slice %arg6[%dma_wait3A_234, %dma_wait3A_243, %dma_wait3A_244] : memref<4x2x128xi32, #tpu.memory_space<vmem>> -> memref<1x2x128xi32, #tpu.memory_space<vmem>>
        %dma_wait3A_246 = tpu.memref_squeeze %dma_wait3A_245 : memref<1x2x128xi32, #tpu.memory_space<vmem>> -> memref<2x128xi32, #tpu.memory_space<vmem>>
        %dma_wait3A_247 = arith.constant 0 : i32
        %dma_wait3A_248 = arith.constant 0 : i32
        %dma_wait3A_249 = tpu.memref_slice %arg3[%add3A_233, %dma_wait3A_247, %dma_wait3A_248] : memref<2560x2x128xi32, #tpu.memory_space<hbm>> -> memref<1x2x128xi32, #tpu.memory_space<hbm>>
        %dma_wait3A_250 = tpu.memref_squeeze %dma_wait3A_249 : memref<1x2x128xi32, #tpu.memory_space<hbm>> -> memref<2x128xi32, #tpu.memory_space<hbm>>
        tpu.wait_dma2 semaphore(%arg13 : memref<!tpu.dma_semaphore, #tpu.memory_space<semaphore_mem>>) src(%dma_wait3A_250 : memref<2x128xi32, #tpu.memory_space<hbm>>) dst(%dma_wait3A_246 : memref<2x128xi32, #tpu.memory_space<vmem>>)
        %dma_start3A_251 = arith.constant 0 : i32
        %dma_start3A_252 = arith.constant 0 : i32
        %dma_start3A_253 = arith.constant 0 : i32
        %dma_start3A_254 = tpu.memref_slice %arg6[%dma_start3A_251, %dma_start3A_252, %dma_start3A_253] : memref<4x2x128xi32, #tpu.memory_space<vmem>> -> memref<1x1x128xi32, #tpu.memory_space<vmem>>
        %dma_start3A_255 = tpu.memref_squeeze %dma_start3A_254 : memref<1x1x128xi32, #tpu.memory_space<vmem>> -> memref<128xi32, #tpu.memory_space<vmem>>
        %dma_start3A_256 = arith.constant 0 : i32
        %dma_start3A_257 = arith.constant 0 : i32
        %dma_start3A_258 = tpu.memref_slice %arg2[%dma_start3A_256, %dma_start3A_257] : memref<10000x64xf32, #tpu.memory_space<hbm>> -> memref<10000x64xf32, #tpu.memory_space<hbm>>
        tpu.enqueue_indirect_dma source(%dma_start3A_258 : memref<10000x64xf32, #tpu.memory_space<hbm>>) target(%arg7 : memref<128x64xf32, #tpu.memory_space<vmem>>) offsets(%dma_start3A_255 : memref<128xi32, #tpu.memory_space<vmem>>) semaphore(%arg9 : memref<!tpu.dma_semaphore, #tpu.memory_space<semaphore_mem>>)
      } else {
      }
      %add3A_193 = arith.constant 3 : i32
      %add3A_194 = arith.addi %add3A_121, %add3A_193 : i32
      %dma_wait3A_195 = arith.constant 3 : i32
      %dma_wait3A_196 = arith.constant 0 : i32
      %dma_wait3A_197 = arith.constant 0 : i32
      %dma_wait3A_198 = tpu.memref_slice %arg6[%dma_wait3A_195, %dma_wait3A_196, %dma_wait3A_197] : memref<4x2x128xi32, #tpu.memory_space<vmem>> -> memref<1x1x128xi32, #tpu.memory_space<vmem>>
      %dma_wait3A_199 = tpu.memref_squeeze %dma_wait3A_198 : memref<1x1x128xi32, #tpu.memory_space<vmem>> -> memref<128xi32, #tpu.memory_space<vmem>>
      %dma_wait3A_200 = arith.constant 0 : i32
      %dma_wait3A_201 = arith.constant 0 : i32
      %dma_wait3A_202 = tpu.memref_slice %arg2[%dma_wait3A_200, %dma_wait3A_201] : memref<10000x64xf32, #tpu.memory_space<hbm>> -> memref<10000x64xf32, #tpu.memory_space<hbm>>
      tpu.wait_indirect_dma semaphore(%arg10 : memref<!tpu.dma_semaphore, #tpu.memory_space<semaphore_mem>>) src(%dma_wait3A_202 : memref<10000x64xf32, #tpu.memory_space<hbm>>) dst(%arg8 : memref<128x64xf32, #tpu.memory_space<vmem>>)
      %dma_start3A_203 = arith.constant 3 : i32
      %dma_start3A_204 = arith.constant 1 : i32
      %dma_start3A_205 = arith.constant 0 : i32
      %dma_start3A_206 = tpu.memref_slice %arg6[%dma_start3A_203, %dma_start3A_204, %dma_start3A_205] : memref<4x2x128xi32, #tpu.memory_space<vmem>> -> memref<1x1x128xi32, #tpu.memory_space<vmem>>
      %dma_start3A_207 = tpu.memref_squeeze %dma_start3A_206 : memref<1x1x128xi32, #tpu.memory_space<vmem>> -> memref<128xi32, #tpu.memory_space<vmem>>
      %dma_start3A_208 = arith.constant 0 : i32
      %dma_start3A_209 = arith.constant 0 : i32
      %dma_start3A_210 = tpu.memref_slice %arg5[%dma_start3A_208, %dma_start3A_209] : memref<10240x64xf32, #tpu.memory_space<vmem_shared>> -> memref<10240x64xf32, #tpu.memory_space<vmem_shared>>
      tpu.enqueue_indirect_dma source(%arg8 : memref<128x64xf32, #tpu.memory_space<vmem>>) target(%dma_start3A_210 : memref<10240x64xf32, #tpu.memory_space<vmem_shared>>) offsets(%dma_start3A_207 : memref<128xi32, #tpu.memory_space<vmem>>) semaphore(%arg12 : memref<!tpu.dma_semaphore, #tpu.memory_space<semaphore_mem>>) {add = true}
      %add3A_211 = arith.constant 2 : i32
      %add3A_212 = arith.addi %add3A_194, %add3A_211 : i32
      %lt3A_213 = arith.cmpi slt, %add3A_212, %select_n3A : i32
      %convert_element_type3A_214 = arith.extui %lt3A_213 : i1 to i32
      %cond3A_215 = arith.constant 0 : i32
      %cond3A_216 = arith.cmpi ne, %convert_element_type3A_214, %cond3A_215 : i32
      scf.if %cond3A_216 {
        %dma_wait3A_217 = arith.constant 3 : i32
        %dma_wait3A_218 = arith.constant 1 : i32
        %dma_wait3A_219 = arith.constant 0 : i32
        %dma_wait3A_220 = tpu.memref_slice %arg6[%dma_wait3A_217, %dma_wait3A_218, %dma_wait3A_219] : memref<4x2x128xi32, #tpu.memory_space<vmem>> -> memref<1x1x128xi32, #tpu.memory_space<vmem>>
        %dma_wait3A_221 = tpu.memref_squeeze %dma_wait3A_220 : memref<1x1x128xi32, #tpu.memory_space<vmem>> -> memref<128xi32, #tpu.memory_space<vmem>>
        %dma_wait3A_222 = arith.constant 0 : i32
        %dma_wait3A_223 = arith.constant 0 : i32
        %dma_wait3A_224 = tpu.memref_slice %arg5[%dma_wait3A_222, %dma_wait3A_223] : memref<10240x64xf32, #tpu.memory_space<vmem_shared>> -> memref<10240x64xf32, #tpu.memory_space<vmem_shared>>
        tpu.wait_indirect_dma semaphore(%arg12 : memref<!tpu.dma_semaphore, #tpu.memory_space<semaphore_mem>>) src(%arg8 : memref<128x64xf32, #tpu.memory_space<vmem>>) dst(%dma_wait3A_224 : memref<10240x64xf32, #tpu.memory_space<vmem_shared>>)
        %add3A_225 = arith.constant 4 : i32
        %add3A_226 = arith.addi %add3A_194, %add3A_225 : i32
        %lt3A_227 = arith.cmpi slt, %add3A_226, %select_n3A : i32
        %convert_element_type3A_228 = arith.extui %lt3A_227 : i1 to i32
        %cond3A_229 = arith.constant 0 : i32
        %cond3A_230 = arith.cmpi ne, %convert_element_type3A_228, %cond3A_229 : i32
        scf.if %cond3A_230 {
          %add3A_259 = arith.addi %select_n3A_8, %add3A_194 : i32
          %add3A_260 = arith.constant 4 : i32
          %add3A_261 = arith.addi %add3A_259, %add3A_260 : i32
          %dma_start3A_262 = arith.constant 3 : i32
          %dma_start3A_263 = arith.constant 0 : i32
          %dma_start3A_264 = arith.constant 0 : i32
          %dma_start3A_265 = tpu.memref_slice %arg6[%dma_start3A_262, %dma_start3A_263, %dma_start3A_264] : memref<4x2x128xi32, #tpu.memory_space<vmem>> -> memref<1x2x128xi32, #tpu.memory_space<vmem>>
          %dma_start3A_266 = tpu.memref_squeeze %dma_start3A_265 : memref<1x2x128xi32, #tpu.memory_space<vmem>> -> memref<2x128xi32, #tpu.memory_space<vmem>>
          %dma_start3A_267 = arith.constant 0 : i32
          %dma_start3A_268 = arith.constant 0 : i32
          %dma_start3A_269 = tpu.memref_slice %arg3[%add3A_261, %dma_start3A_267, %dma_start3A_268] : memref<2560x2x128xi32, #tpu.memory_space<hbm>> -> memref<1x2x128xi32, #tpu.memory_space<hbm>>
          %dma_start3A_270 = tpu.memref_squeeze %dma_start3A_269 : memref<1x2x128xi32, #tpu.memory_space<hbm>> -> memref<2x128xi32, #tpu.memory_space<hbm>>
          %dma_start3A_271 = arith.constant 0 : i32
          %dma_start3A_272 = arith.constant 0 : i32
          %dma_start3A_273 = tpu.memref_slice %arg6[%dma_start3A_262, %dma_start3A_271, %dma_start3A_272] : memref<4x2x128xi32, #tpu.memory_space<vmem>> -> memref<1x2x128xi32, #tpu.memory_space<vmem>>
          %dma_start3A_274 = tpu.memref_squeeze %dma_start3A_273 : memref<1x2x128xi32, #tpu.memory_space<vmem>> -> memref<2x128xi32, #tpu.memory_space<vmem>>
          %dma_start3A_275 = arith.constant 0 : i32
          %dma_start3A_276 = arith.constant 0 : i32
          %dma_start3A_277 = tpu.memref_slice %arg3[%add3A_261, %dma_start3A_275, %dma_start3A_276] : memref<2560x2x128xi32, #tpu.memory_space<hbm>> -> memref<1x2x128xi32, #tpu.memory_space<hbm>>
          %dma_start3A_278 = tpu.memref_squeeze %dma_start3A_277 : memref<1x2x128xi32, #tpu.memory_space<hbm>> -> memref<2x128xi32, #tpu.memory_space<hbm>>
          tpu.enqueue_dma source(%dma_start3A_278 : memref<2x128xi32, #tpu.memory_space<hbm>>) target(%dma_start3A_274 : memref<2x128xi32, #tpu.memory_space<vmem>>) target_semaphore(%arg16 : memref<!tpu.dma_semaphore, #tpu.memory_space<semaphore_mem>>)
        } else {
        }
        %add3A_231 = arith.addi %select_n3A_8, %add3A_194 : i32
        %add3A_232 = arith.constant 2 : i32
        %add3A_233 = arith.addi %add3A_231, %add3A_232 : i32
        %dma_wait3A_234 = arith.constant 1 : i32
        %dma_wait3A_235 = arith.constant 0 : i32
        %dma_wait3A_236 = arith.constant 0 : i32
        %dma_wait3A_237 = tpu.memref_slice %arg6[%dma_wait3A_234, %dma_wait3A_235, %dma_wait3A_236] : memref<4x2x128xi32, #tpu.memory_space<vmem>> -> memref<1x2x128xi32, #tpu.memory_space<vmem>>
        %dma_wait3A_238 = tpu.memref_squeeze %dma_wait3A_237 : memref<1x2x128xi32, #tpu.memory_space<vmem>> -> memref<2x128xi32, #tpu.memory_space<vmem>>
        %dma_wait3A_239 = arith.constant 0 : i32
        %dma_wait3A_240 = arith.constant 0 : i32
        %dma_wait3A_241 = tpu.memref_slice %arg3[%add3A_233, %dma_wait3A_239, %dma_wait3A_240] : memref<2560x2x128xi32, #tpu.memory_space<hbm>> -> memref<1x2x128xi32, #tpu.memory_space<hbm>>
        %dma_wait3A_242 = tpu.memref_squeeze %dma_wait3A_241 : memref<1x2x128xi32, #tpu.memory_space<hbm>> -> memref<2x128xi32, #tpu.memory_space<hbm>>
        %dma_wait3A_243 = arith.constant 0 : i32
        %dma_wait3A_244 = arith.constant 0 : i32
        %dma_wait3A_245 = tpu.memref_slice %arg6[%dma_wait3A_234, %dma_wait3A_243, %dma_wait3A_244] : memref<4x2x128xi32, #tpu.memory_space<vmem>> -> memref<1x2x128xi32, #tpu.memory_space<vmem>>
        %dma_wait3A_246 = tpu.memref_squeeze %dma_wait3A_245 : memref<1x2x128xi32, #tpu.memory_space<vmem>> -> memref<2x128xi32, #tpu.memory_space<vmem>>
        %dma_wait3A_247 = arith.constant 0 : i32
        %dma_wait3A_248 = arith.constant 0 : i32
        %dma_wait3A_249 = tpu.memref_slice %arg3[%add3A_233, %dma_wait3A_247, %dma_wait3A_248] : memref<2560x2x128xi32, #tpu.memory_space<hbm>> -> memref<1x2x128xi32, #tpu.memory_space<hbm>>
        %dma_wait3A_250 = tpu.memref_squeeze %dma_wait3A_249 : memref<1x2x128xi32, #tpu.memory_space<hbm>> -> memref<2x128xi32, #tpu.memory_space<hbm>>
        tpu.wait_dma2 semaphore(%arg14 : memref<!tpu.dma_semaphore, #tpu.memory_space<semaphore_mem>>) src(%dma_wait3A_250 : memref<2x128xi32, #tpu.memory_space<hbm>>) dst(%dma_wait3A_246 : memref<2x128xi32, #tpu.memory_space<vmem>>)
        %dma_start3A_251 = arith.constant 1 : i32
        %dma_start3A_252 = arith.constant 0 : i32
        %dma_start3A_253 = arith.constant 0 : i32
        %dma_start3A_254 = tpu.memref_slice %arg6[%dma_start3A_251, %dma_start3A_252, %dma_start3A_253] : memref<4x2x128xi32, #tpu.memory_space<vmem>> -> memref<1x1x128xi32, #tpu.memory_space<vmem>>
        %dma_start3A_255 = tpu.memref_squeeze %dma_start3A_254 : memref<1x1x128xi32, #tpu.memory_space<vmem>> -> memref<128xi32, #tpu.memory_space<vmem>>
        %dma_start3A_256 = arith.constant 0 : i32
        %dma_start3A_257 = arith.constant 0 : i32
        %dma_start3A_258 = tpu.memref_slice %arg2[%dma_start3A_256, %dma_start3A_257] : memref<10000x64xf32, #tpu.memory_space<hbm>> -> memref<10000x64xf32, #tpu.memory_space<hbm>>
        tpu.enqueue_indirect_dma source(%dma_start3A_258 : memref<10000x64xf32, #tpu.memory_space<hbm>>) target(%arg8 : memref<128x64xf32, #tpu.memory_space<vmem>>) offsets(%dma_start3A_255 : memref<128xi32, #tpu.memory_space<vmem>>) semaphore(%arg10 : memref<!tpu.dma_semaphore, #tpu.memory_space<semaphore_mem>>)
      } else {
      }
    }
    %while3A_97 = arith.constant 1 : i32
    scf.for %while3A_119 = %while3A_95 to %while3A_91 step %while3A_97  : i32 {
      %mul3A_120 = arith.muli %while3A_119, %while3A : i32
      %add3A_121 = arith.addi %while3A_88, %mul3A_120 : i32
      %add3A_122 = arith.constant 0 : i32
      %add3A_123 = arith.addi %add3A_121, %add3A_122 : i32
      %dma_wait3A_124 = arith.constant 0 : i32
      %dma_wait3A_125 = arith.constant 0 : i32
      %dma_wait3A_126 = arith.constant 0 : i32
      %dma_wait3A_127 = tpu.memref_slice %arg6[%dma_wait3A_124, %dma_wait3A_125, %dma_wait3A_126] : memref<4x2x128xi32, #tpu.memory_space<vmem>> -> memref<1x1x128xi32, #tpu.memory_space<vmem>>
      %dma_wait3A_128 = tpu.memref_squeeze %dma_wait3A_127 : memref<1x1x128xi32, #tpu.memory_space<vmem>> -> memref<128xi32, #tpu.memory_space<vmem>>
      %dma_wait3A_129 = arith.constant 0 : i32
      %dma_wait3A_130 = arith.constant 0 : i32
      %dma_wait3A_131 = tpu.memref_slice %arg2[%dma_wait3A_129, %dma_wait3A_130] : memref<10000x64xf32, #tpu.memory_space<hbm>> -> memref<10000x64xf32, #tpu.memory_space<hbm>>
      tpu.wait_indirect_dma semaphore(%arg9 : memref<!tpu.dma_semaphore, #tpu.memory_space<semaphore_mem>>) src(%dma_wait3A_131 : memref<10000x64xf32, #tpu.memory_space<hbm>>) dst(%arg7 : memref<128x64xf32, #tpu.memory_space<vmem>>)
      %dma_start3A_132 = arith.constant 0 : i32
      %dma_start3A_133 = arith.constant 1 : i32
      %dma_start3A_134 = arith.constant 0 : i32
      %dma_start3A_135 = tpu.memref_slice %arg6[%dma_start3A_132, %dma_start3A_133, %dma_start3A_134] : memref<4x2x128xi32, #tpu.memory_space<vmem>> -> memref<1x1x128xi32, #tpu.memory_space<vmem>>
      %dma_start3A_136 = tpu.memref_squeeze %dma_start3A_135 : memref<1x1x128xi32, #tpu.memory_space<vmem>> -> memref<128xi32, #tpu.memory_space<vmem>>
      %dma_start3A_137 = arith.constant 0 : i32
      %dma_start3A_138 = arith.constant 0 : i32
      %dma_start3A_139 = tpu.memref_slice %arg5[%dma_start3A_137, %dma_start3A_138] : memref<10240x64xf32, #tpu.memory_space<vmem_shared>> -> memref<10240x64xf32, #tpu.memory_space<vmem_shared>>
      tpu.enqueue_indirect_dma source(%arg7 : memref<128x64xf32, #tpu.memory_space<vmem>>) target(%dma_start3A_139 : memref<10240x64xf32, #tpu.memory_space<vmem_shared>>) offsets(%dma_start3A_136 : memref<128xi32, #tpu.memory_space<vmem>>) semaphore(%arg11 : memref<!tpu.dma_semaphore, #tpu.memory_space<semaphore_mem>>) {add = true}
      %add3A_140 = arith.constant 2 : i32
      %add3A_141 = arith.addi %add3A_123, %add3A_140 : i32
      %lt3A = arith.cmpi slt, %add3A_141, %select_n3A : i32
      %convert_element_type3A_142 = arith.extui %lt3A : i1 to i32
      %cond3A_143 = arith.constant 0 : i32
      %cond3A_144 = arith.cmpi ne, %convert_element_type3A_142, %cond3A_143 : i32
      scf.if %cond3A_144 {
        %dma_wait3A_217 = arith.constant 0 : i32
        %dma_wait3A_218 = arith.constant 1 : i32
        %dma_wait3A_219 = arith.constant 0 : i32
        %dma_wait3A_220 = tpu.memref_slice %arg6[%dma_wait3A_217, %dma_wait3A_218, %dma_wait3A_219] : memref<4x2x128xi32, #tpu.memory_space<vmem>> -> memref<1x1x128xi32, #tpu.memory_space<vmem>>
        %dma_wait3A_221 = tpu.memref_squeeze %dma_wait3A_220 : memref<1x1x128xi32, #tpu.memory_space<vmem>> -> memref<128xi32, #tpu.memory_space<vmem>>
        %dma_wait3A_222 = arith.constant 0 : i32
        %dma_wait3A_223 = arith.constant 0 : i32
        %dma_wait3A_224 = tpu.memref_slice %arg5[%dma_wait3A_222, %dma_wait3A_223] : memref<10240x64xf32, #tpu.memory_space<vmem_shared>> -> memref<10240x64xf32, #tpu.memory_space<vmem_shared>>
        tpu.wait_indirect_dma semaphore(%arg11 : memref<!tpu.dma_semaphore, #tpu.memory_space<semaphore_mem>>) src(%arg7 : memref<128x64xf32, #tpu.memory_space<vmem>>) dst(%dma_wait3A_224 : memref<10240x64xf32, #tpu.memory_space<vmem_shared>>)
        %add3A_225 = arith.constant 4 : i32
        %add3A_226 = arith.addi %add3A_123, %add3A_225 : i32
        %lt3A_227 = arith.cmpi slt, %add3A_226, %select_n3A : i32
        %convert_element_type3A_228 = arith.extui %lt3A_227 : i1 to i32
        %cond3A_229 = arith.constant 0 : i32
        %cond3A_230 = arith.cmpi ne, %convert_element_type3A_228, %cond3A_229 : i32
        scf.if %cond3A_230 {
          %add3A_259 = arith.addi %select_n3A_8, %add3A_123 : i32
          %add3A_260 = arith.constant 4 : i32
          %add3A_261 = arith.addi %add3A_259, %add3A_260 : i32
          %dma_start3A_262 = arith.constant 0 : i32
          %dma_start3A_263 = arith.constant 0 : i32
          %dma_start3A_264 = arith.constant 0 : i32
          %dma_start3A_265 = tpu.memref_slice %arg6[%dma_start3A_262, %dma_start3A_263, %dma_start3A_264] : memref<4x2x128xi32, #tpu.memory_space<vmem>> -> memref<1x2x128xi32, #tpu.memory_space<vmem>>
          %dma_start3A_266 = tpu.memref_squeeze %dma_start3A_265 : memref<1x2x128xi32, #tpu.memory_space<vmem>> -> memref<2x128xi32, #tpu.memory_space<vmem>>
          %dma_start3A_267 = arith.constant 0 : i32
          %dma_start3A_268 = arith.constant 0 : i32
          %dma_start3A_269 = tpu.memref_slice %arg3[%add3A_261, %dma_start3A_267, %dma_start3A_268] : memref<2560x2x128xi32, #tpu.memory_space<hbm>> -> memref<1x2x128xi32, #tpu.memory_space<hbm>>
          %dma_start3A_270 = tpu.memref_squeeze %dma_start3A_269 : memref<1x2x128xi32, #tpu.memory_space<hbm>> -> memref<2x128xi32, #tpu.memory_space<hbm>>
          %dma_start3A_271 = arith.constant 0 : i32
          %dma_start3A_272 = arith.constant 0 : i32
          %dma_start3A_273 = tpu.memref_slice %arg6[%dma_start3A_262, %dma_start3A_271, %dma_start3A_272] : memref<4x2x128xi32, #tpu.memory_space<vmem>> -> memref<1x2x128xi32, #tpu.memory_space<vmem>>
          %dma_start3A_274 = tpu.memref_squeeze %dma_start3A_273 : memref<1x2x128xi32, #tpu.memory_space<vmem>> -> memref<2x128xi32, #tpu.memory_space<vmem>>
          %dma_start3A_275 = arith.constant 0 : i32
          %dma_start3A_276 = arith.constant 0 : i32
          %dma_start3A_277 = tpu.memref_slice %arg3[%add3A_261, %dma_start3A_275, %dma_start3A_276] : memref<2560x2x128xi32, #tpu.memory_space<hbm>> -> memref<1x2x128xi32, #tpu.memory_space<hbm>>
          %dma_start3A_278 = tpu.memref_squeeze %dma_start3A_277 : memref<1x2x128xi32, #tpu.memory_space<hbm>> -> memref<2x128xi32, #tpu.memory_space<hbm>>
          tpu.enqueue_dma source(%dma_start3A_278 : memref<2x128xi32, #tpu.memory_space<hbm>>) target(%dma_start3A_274 : memref<2x128xi32, #tpu.memory_space<vmem>>) target_semaphore(%arg13 : memref<!tpu.dma_semaphore, #tpu.memory_space<semaphore_mem>>)
        } else {
        }
        %add3A_231 = arith.addi %select_n3A_8, %add3A_123 : i32
        %add3A_232 = arith.constant 2 : i32
        %add3A_233 = arith.addi %add3A_231, %add3A_232 : i32
        %dma_wait3A_234 = arith.constant 2 : i32
        %dma_wait3A_235 = arith.constant 0 : i32
        %dma_wait3A_236 = arith.constant 0 : i32
        %dma_wait3A_237 = tpu.memref_slice %arg6[%dma_wait3A_234, %dma_wait3A_235, %dma_wait3A_236] : memref<4x2x128xi32, #tpu.memory_space<vmem>> -> memref<1x2x128xi32, #tpu.memory_space<vmem>>
        %dma_wait3A_238 = tpu.memref_squeeze %dma_wait3A_237 : memref<1x2x128xi32, #tpu.memory_space<vmem>> -> memref<2x128xi32, #tpu.memory_space<vmem>>
        %dma_wait3A_239 = arith.constant 0 : i32
        %dma_wait3A_240 = arith.constant 0 : i32
        %dma_wait3A_241 = tpu.memref_slice %arg3[%add3A_233, %dma_wait3A_239, %dma_wait3A_240] : memref<2560x2x128xi32, #tpu.memory_space<hbm>> -> memref<1x2x128xi32, #tpu.memory_space<hbm>>
        %dma_wait3A_242 = tpu.memref_squeeze %dma_wait3A_241 : memref<1x2x128xi32, #tpu.memory_space<hbm>> -> memref<2x128xi32, #tpu.memory_space<hbm>>
        %dma_wait3A_243 = arith.constant 0 : i32
        %dma_wait3A_244 = arith.constant 0 : i32
        %dma_wait3A_245 = tpu.memref_slice %arg6[%dma_wait3A_234, %dma_wait3A_243, %dma_wait3A_244] : memref<4x2x128xi32, #tpu.memory_space<vmem>> -> memref<1x2x128xi32, #tpu.memory_space<vmem>>
        %dma_wait3A_246 = tpu.memref_squeeze %dma_wait3A_245 : memref<1x2x128xi32, #tpu.memory_space<vmem>> -> memref<2x128xi32, #tpu.memory_space<vmem>>
        %dma_wait3A_247 = arith.constant 0 : i32
        %dma_wait3A_248 = arith.constant 0 : i32
        %dma_wait3A_249 = tpu.memref_slice %arg3[%add3A_233, %dma_wait3A_247, %dma_wait3A_248] : memref<2560x2x128xi32, #tpu.memory_space<hbm>> -> memref<1x2x128xi32, #tpu.memory_space<hbm>>
        %dma_wait3A_250 = tpu.memref_squeeze %dma_wait3A_249 : memref<1x2x128xi32, #tpu.memory_space<hbm>> -> memref<2x128xi32, #tpu.memory_space<hbm>>
        tpu.wait_dma2 semaphore(%arg15 : memref<!tpu.dma_semaphore, #tpu.memory_space<semaphore_mem>>) src(%dma_wait3A_250 : memref<2x128xi32, #tpu.memory_space<hbm>>) dst(%dma_wait3A_246 : memref<2x128xi32, #tpu.memory_space<vmem>>)
        %dma_start3A_251 = arith.constant 2 : i32
        %dma_start3A_252 = arith.constant 0 : i32
        %dma_start3A_253 = arith.constant 0 : i32
        %dma_start3A_254 = tpu.memref_slice %arg6[%dma_start3A_251, %dma_start3A_252, %dma_start3A_253] : memref<4x2x128xi32, #tpu.memory_space<vmem>> -> memref<1x1x128xi32, #tpu.memory_space<vmem>>
        %dma_start3A_255 = tpu.memref_squeeze %dma_start3A_254 : memref<1x1x128xi32, #tpu.memory_space<vmem>> -> memref<128xi32, #tpu.memory_space<vmem>>
        %dma_start3A_256 = arith.constant 0 : i32
        %dma_start3A_257 = arith.constant 0 : i32
        %dma_start3A_258 = tpu.memref_slice %arg2[%dma_start3A_256, %dma_start3A_257] : memref<10000x64xf32, #tpu.memory_space<hbm>> -> memref<10000x64xf32, #tpu.memory_space<hbm>>
        tpu.enqueue_indirect_dma source(%dma_start3A_258 : memref<10000x64xf32, #tpu.memory_space<hbm>>) target(%arg7 : memref<128x64xf32, #tpu.memory_space<vmem>>) offsets(%dma_start3A_255 : memref<128xi32, #tpu.memory_space<vmem>>) semaphore(%arg9 : memref<!tpu.dma_semaphore, #tpu.memory_space<semaphore_mem>>)
      } else {
      }
      %add3A_145 = arith.constant 1 : i32
      %add3A_146 = arith.addi %add3A_121, %add3A_145 : i32
      %dma_wait3A_147 = arith.constant 1 : i32
      %dma_wait3A_148 = arith.constant 0 : i32
      %dma_wait3A_149 = arith.constant 0 : i32
      %dma_wait3A_150 = tpu.memref_slice %arg6[%dma_wait3A_147, %dma_wait3A_148, %dma_wait3A_149] : memref<4x2x128xi32, #tpu.memory_space<vmem>> -> memref<1x1x128xi32, #tpu.memory_space<vmem>>
      %dma_wait3A_151 = tpu.memref_squeeze %dma_wait3A_150 : memref<1x1x128xi32, #tpu.memory_space<vmem>> -> memref<128xi32, #tpu.memory_space<vmem>>
      %dma_wait3A_152 = arith.constant 0 : i32
      %dma_wait3A_153 = arith.constant 0 : i32
      %dma_wait3A_154 = tpu.memref_slice %arg2[%dma_wait3A_152, %dma_wait3A_153] : memref<10000x64xf32, #tpu.memory_space<hbm>> -> memref<10000x64xf32, #tpu.memory_space<hbm>>
      tpu.wait_indirect_dma semaphore(%arg10 : memref<!tpu.dma_semaphore, #tpu.memory_space<semaphore_mem>>) src(%dma_wait3A_154 : memref<10000x64xf32, #tpu.memory_space<hbm>>) dst(%arg8 : memref<128x64xf32, #tpu.memory_space<vmem>>)
      %dma_start3A_155 = arith.constant 1 : i32
      %dma_start3A_156 = arith.constant 1 : i32
      %dma_start3A_157 = arith.constant 0 : i32
      %dma_start3A_158 = tpu.memref_slice %arg6[%dma_start3A_155, %dma_start3A_156, %dma_start3A_157] : memref<4x2x128xi32, #tpu.memory_space<vmem>> -> memref<1x1x128xi32, #tpu.memory_space<vmem>>
      %dma_start3A_159 = tpu.memref_squeeze %dma_start3A_158 : memref<1x1x128xi32, #tpu.memory_space<vmem>> -> memref<128xi32, #tpu.memory_space<vmem>>
      %dma_start3A_160 = arith.constant 0 : i32
      %dma_start3A_161 = arith.constant 0 : i32
      %dma_start3A_162 = tpu.memref_slice %arg5[%dma_start3A_160, %dma_start3A_161] : memref<10240x64xf32, #tpu.memory_space<vmem_shared>> -> memref<10240x64xf32, #tpu.memory_space<vmem_shared>>
      tpu.enqueue_indirect_dma source(%arg8 : memref<128x64xf32, #tpu.memory_space<vmem>>) target(%dma_start3A_162 : memref<10240x64xf32, #tpu.memory_space<vmem_shared>>) offsets(%dma_start3A_159 : memref<128xi32, #tpu.memory_space<vmem>>) semaphore(%arg12 : memref<!tpu.dma_semaphore, #tpu.memory_space<semaphore_mem>>) {add = true}
      %add3A_163 = arith.constant 2 : i32
      %add3A_164 = arith.addi %add3A_146, %add3A_163 : i32
      %lt3A_165 = arith.cmpi slt, %add3A_164, %select_n3A : i32
      %convert_element_type3A_166 = arith.extui %lt3A_165 : i1 to i32
      %cond3A_167 = arith.constant 0 : i32
      %cond3A_168 = arith.cmpi ne, %convert_element_type3A_166, %cond3A_167 : i32
      scf.if %cond3A_168 {
        %dma_wait3A_217 = arith.constant 1 : i32
        %dma_wait3A_218 = arith.constant 1 : i32
        %dma_wait3A_219 = arith.constant 0 : i32
        %dma_wait3A_220 = tpu.memref_slice %arg6[%dma_wait3A_217, %dma_wait3A_218, %dma_wait3A_219] : memref<4x2x128xi32, #tpu.memory_space<vmem>> -> memref<1x1x128xi32, #tpu.memory_space<vmem>>
        %dma_wait3A_221 = tpu.memref_squeeze %dma_wait3A_220 : memref<1x1x128xi32, #tpu.memory_space<vmem>> -> memref<128xi32, #tpu.memory_space<vmem>>
        %dma_wait3A_222 = arith.constant 0 : i32
        %dma_wait3A_223 = arith.constant 0 : i32
        %dma_wait3A_224 = tpu.memref_slice %arg5[%dma_wait3A_222, %dma_wait3A_223] : memref<10240x64xf32, #tpu.memory_space<vmem_shared>> -> memref<10240x64xf32, #tpu.memory_space<vmem_shared>>
        tpu.wait_indirect_dma semaphore(%arg12 : memref<!tpu.dma_semaphore, #tpu.memory_space<semaphore_mem>>) src(%arg8 : memref<128x64xf32, #tpu.memory_space<vmem>>) dst(%dma_wait3A_224 : memref<10240x64xf32, #tpu.memory_space<vmem_shared>>)
        %add3A_225 = arith.constant 4 : i32
        %add3A_226 = arith.addi %add3A_146, %add3A_225 : i32
        %lt3A_227 = arith.cmpi slt, %add3A_226, %select_n3A : i32
        %convert_element_type3A_228 = arith.extui %lt3A_227 : i1 to i32
        %cond3A_229 = arith.constant 0 : i32
        %cond3A_230 = arith.cmpi ne, %convert_element_type3A_228, %cond3A_229 : i32
        scf.if %cond3A_230 {
          %add3A_259 = arith.addi %select_n3A_8, %add3A_146 : i32
          %add3A_260 = arith.constant 4 : i32
          %add3A_261 = arith.addi %add3A_259, %add3A_260 : i32
          %dma_start3A_262 = arith.constant 1 : i32
          %dma_start3A_263 = arith.constant 0 : i32
          %dma_start3A_264 = arith.constant 0 : i32
          %dma_start3A_265 = tpu.memref_slice %arg6[%dma_start3A_262, %dma_start3A_263, %dma_start3A_264] : memref<4x2x128xi32, #tpu.memory_space<vmem>> -> memref<1x2x128xi32, #tpu.memory_space<vmem>>
          %dma_start3A_266 = tpu.memref_squeeze %dma_start3A_265 : memref<1x2x128xi32, #tpu.memory_space<vmem>> -> memref<2x128xi32, #tpu.memory_space<vmem>>
          %dma_start3A_267 = arith.constant 0 : i32
          %dma_start3A_268 = arith.constant 0 : i32
          %dma_start3A_269 = tpu.memref_slice %arg3[%add3A_261, %dma_start3A_267, %dma_start3A_268] : memref<2560x2x128xi32, #tpu.memory_space<hbm>> -> memref<1x2x128xi32, #tpu.memory_space<hbm>>
          %dma_start3A_270 = tpu.memref_squeeze %dma_start3A_269 : memref<1x2x128xi32, #tpu.memory_space<hbm>> -> memref<2x128xi32, #tpu.memory_space<hbm>>
          %dma_start3A_271 = arith.constant 0 : i32
          %dma_start3A_272 = arith.constant 0 : i32
          %dma_start3A_273 = tpu.memref_slice %arg6[%dma_start3A_262, %dma_start3A_271, %dma_start3A_272] : memref<4x2x128xi32, #tpu.memory_space<vmem>> -> memref<1x2x128xi32, #tpu.memory_space<vmem>>
          %dma_start3A_274 = tpu.memref_squeeze %dma_start3A_273 : memref<1x2x128xi32, #tpu.memory_space<vmem>> -> memref<2x128xi32, #tpu.memory_space<vmem>>
          %dma_start3A_275 = arith.constant 0 : i32
          %dma_start3A_276 = arith.constant 0 : i32
          %dma_start3A_277 = tpu.memref_slice %arg3[%add3A_261, %dma_start3A_275, %dma_start3A_276] : memref<2560x2x128xi32, #tpu.memory_space<hbm>> -> memref<1x2x128xi32, #tpu.memory_space<hbm>>
          %dma_start3A_278 = tpu.memref_squeeze %dma_start3A_277 : memref<1x2x128xi32, #tpu.memory_space<hbm>> -> memref<2x128xi32, #tpu.memory_space<hbm>>
          tpu.enqueue_dma source(%dma_start3A_278 : memref<2x128xi32, #tpu.memory_space<hbm>>) target(%dma_start3A_274 : memref<2x128xi32, #tpu.memory_space<vmem>>) target_semaphore(%arg14 : memref<!tpu.dma_semaphore, #tpu.memory_space<semaphore_mem>>)
        } else {
        }
        %add3A_231 = arith.addi %select_n3A_8, %add3A_146 : i32
        %add3A_232 = arith.constant 2 : i32
        %add3A_233 = arith.addi %add3A_231, %add3A_232 : i32
        %dma_wait3A_234 = arith.constant 3 : i32
        %dma_wait3A_235 = arith.constant 0 : i32
        %dma_wait3A_236 = arith.constant 0 : i32
        %dma_wait3A_237 = tpu.memref_slice %arg6[%dma_wait3A_234, %dma_wait3A_235, %dma_wait3A_236] : memref<4x2x128xi32, #tpu.memory_space<vmem>> -> memref<1x2x128xi32, #tpu.memory_space<vmem>>
        %dma_wait3A_238 = tpu.memref_squeeze %dma_wait3A_237 : memref<1x2x128xi32, #tpu.memory_space<vmem>> -> memref<2x128xi32, #tpu.memory_space<vmem>>
        %dma_wait3A_239 = arith.constant 0 : i32
        %dma_wait3A_240 = arith.constant 0 : i32
        %dma_wait3A_241 = tpu.memref_slice %arg3[%add3A_233, %dma_wait3A_239, %dma_wait3A_240] : memref<2560x2x128xi32, #tpu.memory_space<hbm>> -> memref<1x2x128xi32, #tpu.memory_space<hbm>>
        %dma_wait3A_242 = tpu.memref_squeeze %dma_wait3A_241 : memref<1x2x128xi32, #tpu.memory_space<hbm>> -> memref<2x128xi32, #tpu.memory_space<hbm>>
        %dma_wait3A_243 = arith.constant 0 : i32
        %dma_wait3A_244 = arith.constant 0 : i32
        %dma_wait3A_245 = tpu.memref_slice %arg6[%dma_wait3A_234, %dma_wait3A_243, %dma_wait3A_244] : memref<4x2x128xi32, #tpu.memory_space<vmem>> -> memref<1x2x128xi32, #tpu.memory_space<vmem>>
        %dma_wait3A_246 = tpu.memref_squeeze %dma_wait3A_245 : memref<1x2x128xi32, #tpu.memory_space<vmem>> -> memref<2x128xi32, #tpu.memory_space<vmem>>
        %dma_wait3A_247 = arith.constant 0 : i32
        %dma_wait3A_248 = arith.constant 0 : i32
        %dma_wait3A_249 = tpu.memref_slice %arg3[%add3A_233, %dma_wait3A_247, %dma_wait3A_248] : memref<2560x2x128xi32, #tpu.memory_space<hbm>> -> memref<1x2x128xi32, #tpu.memory_space<hbm>>
        %dma_wait3A_250 = tpu.memref_squeeze %dma_wait3A_249 : memref<1x2x128xi32, #tpu.memory_space<hbm>> -> memref<2x128xi32, #tpu.memory_space<hbm>>
        tpu.wait_dma2 semaphore(%arg16 : memref<!tpu.dma_semaphore, #tpu.memory_space<semaphore_mem>>) src(%dma_wait3A_250 : memref<2x128xi32, #tpu.memory_space<hbm>>) dst(%dma_wait3A_246 : memref<2x128xi32, #tpu.memory_space<vmem>>)
        %dma_start3A_251 = arith.constant 3 : i32
        %dma_start3A_252 = arith.constant 0 : i32
        %dma_start3A_253 = arith.constant 0 : i32
        %dma_start3A_254 = tpu.memref_slice %arg6[%dma_start3A_251, %dma_start3A_252, %dma_start3A_253] : memref<4x2x128xi32, #tpu.memory_space<vmem>> -> memref<1x1x128xi32, #tpu.memory_space<vmem>>
        %dma_start3A_255 = tpu.memref_squeeze %dma_start3A_254 : memref<1x1x128xi32, #tpu.memory_space<vmem>> -> memref<128xi32, #tpu.memory_space<vmem>>
        %dma_start3A_256 = arith.constant 0 : i32
        %dma_start3A_257 = arith.constant 0 : i32
        %dma_start3A_258 = tpu.memref_slice %arg2[%dma_start3A_256, %dma_start3A_257] : memref<10000x64xf32, #tpu.memory_space<hbm>> -> memref<10000x64xf32, #tpu.memory_space<hbm>>
        tpu.enqueue_indirect_dma source(%dma_start3A_258 : memref<10000x64xf32, #tpu.memory_space<hbm>>) target(%arg8 : memref<128x64xf32, #tpu.memory_space<vmem>>) offsets(%dma_start3A_255 : memref<128xi32, #tpu.memory_space<vmem>>) semaphore(%arg10 : memref<!tpu.dma_semaphore, #tpu.memory_space<semaphore_mem>>)
      } else {
      }
      %add3A_169 = arith.constant 2 : i32
      %add3A_170 = arith.addi %add3A_121, %add3A_169 : i32
      %dma_wait3A_171 = arith.constant 2 : i32
      %dma_wait3A_172 = arith.constant 0 : i32
      %dma_wait3A_173 = arith.constant 0 : i32
      %dma_wait3A_174 = tpu.memref_slice %arg6[%dma_wait3A_171, %dma_wait3A_172, %dma_wait3A_173] : memref<4x2x128xi32, #tpu.memory_space<vmem>> -> memref<1x1x128xi32, #tpu.memory_space<vmem>>
      %dma_wait3A_175 = tpu.memref_squeeze %dma_wait3A_174 : memref<1x1x128xi32, #tpu.memory_space<vmem>> -> memref<128xi32, #tpu.memory_space<vmem>>
      %dma_wait3A_176 = arith.constant 0 : i32
      %dma_wait3A_177 = arith.constant 0 : i32
      %dma_wait3A_178 = tpu.memref_slice %arg2[%dma_wait3A_176, %dma_wait3A_177] : memref<10000x64xf32, #tpu.memory_space<hbm>> -> memref<10000x64xf32, #tpu.memory_space<hbm>>
      tpu.wait_indirect_dma semaphore(%arg9 : memref<!tpu.dma_semaphore, #tpu.memory_space<semaphore_mem>>) src(%dma_wait3A_178 : memref<10000x64xf32, #tpu.memory_space<hbm>>) dst(%arg7 : memref<128x64xf32, #tpu.memory_space<vmem>>)
      %dma_start3A_179 = arith.constant 2 : i32
      %dma_start3A_180 = arith.constant 1 : i32
      %dma_start3A_181 = arith.constant 0 : i32
      %dma_start3A_182 = tpu.memref_slice %arg6[%dma_start3A_179, %dma_start3A_180, %dma_start3A_181] : memref<4x2x128xi32, #tpu.memory_space<vmem>> -> memref<1x1x128xi32, #tpu.memory_space<vmem>>
      %dma_start3A_183 = tpu.memref_squeeze %dma_start3A_182 : memref<1x1x128xi32, #tpu.memory_space<vmem>> -> memref<128xi32, #tpu.memory_space<vmem>>
      %dma_start3A_184 = arith.constant 0 : i32
      %dma_start3A_185 = arith.constant 0 : i32
      %dma_start3A_186 = tpu.memref_slice %arg5[%dma_start3A_184, %dma_start3A_185] : memref<10240x64xf32, #tpu.memory_space<vmem_shared>> -> memref<10240x64xf32, #tpu.memory_space<vmem_shared>>
      tpu.enqueue_indirect_dma source(%arg7 : memref<128x64xf32, #tpu.memory_space<vmem>>) target(%dma_start3A_186 : memref<10240x64xf32, #tpu.memory_space<vmem_shared>>) offsets(%dma_start3A_183 : memref<128xi32, #tpu.memory_space<vmem>>) semaphore(%arg11 : memref<!tpu.dma_semaphore, #tpu.memory_space<semaphore_mem>>) {add = true}
      %add3A_187 = arith.constant 2 : i32
      %add3A_188 = arith.addi %add3A_170, %add3A_187 : i32
      %lt3A_189 = arith.cmpi slt, %add3A_188, %select_n3A : i32
      %convert_element_type3A_190 = arith.extui %lt3A_189 : i1 to i32
      %cond3A_191 = arith.constant 0 : i32
      %cond3A_192 = arith.cmpi ne, %convert_element_type3A_190, %cond3A_191 : i32
      scf.if %cond3A_192 {
        %dma_wait3A_217 = arith.constant 2 : i32
        %dma_wait3A_218 = arith.constant 1 : i32
        %dma_wait3A_219 = arith.constant 0 : i32
        %dma_wait3A_220 = tpu.memref_slice %arg6[%dma_wait3A_217, %dma_wait3A_218, %dma_wait3A_219] : memref<4x2x128xi32, #tpu.memory_space<vmem>> -> memref<1x1x128xi32, #tpu.memory_space<vmem>>
        %dma_wait3A_221 = tpu.memref_squeeze %dma_wait3A_220 : memref<1x1x128xi32, #tpu.memory_space<vmem>> -> memref<128xi32, #tpu.memory_space<vmem>>
        %dma_wait3A_222 = arith.constant 0 : i32
        %dma_wait3A_223 = arith.constant 0 : i32
        %dma_wait3A_224 = tpu.memref_slice %arg5[%dma_wait3A_222, %dma_wait3A_223] : memref<10240x64xf32, #tpu.memory_space<vmem_shared>> -> memref<10240x64xf32, #tpu.memory_space<vmem_shared>>
        tpu.wait_indirect_dma semaphore(%arg11 : memref<!tpu.dma_semaphore, #tpu.memory_space<semaphore_mem>>) src(%arg7 : memref<128x64xf32, #tpu.memory_space<vmem>>) dst(%dma_wait3A_224 : memref<10240x64xf32, #tpu.memory_space<vmem_shared>>)
        %add3A_225 = arith.constant 4 : i32
        %add3A_226 = arith.addi %add3A_170, %add3A_225 : i32
        %lt3A_227 = arith.cmpi slt, %add3A_226, %select_n3A : i32
        %convert_element_type3A_228 = arith.extui %lt3A_227 : i1 to i32
        %cond3A_229 = arith.constant 0 : i32
        %cond3A_230 = arith.cmpi ne, %convert_element_type3A_228, %cond3A_229 : i32
        scf.if %cond3A_230 {
          %add3A_259 = arith.addi %select_n3A_8, %add3A_170 : i32
          %add3A_260 = arith.constant 4 : i32
          %add3A_261 = arith.addi %add3A_259, %add3A_260 : i32
          %dma_start3A_262 = arith.constant 2 : i32
          %dma_start3A_263 = arith.constant 0 : i32
          %dma_start3A_264 = arith.constant 0 : i32
          %dma_start3A_265 = tpu.memref_slice %arg6[%dma_start3A_262, %dma_start3A_263, %dma_start3A_264] : memref<4x2x128xi32, #tpu.memory_space<vmem>> -> memref<1x2x128xi32, #tpu.memory_space<vmem>>
          %dma_start3A_266 = tpu.memref_squeeze %dma_start3A_265 : memref<1x2x128xi32, #tpu.memory_space<vmem>> -> memref<2x128xi32, #tpu.memory_space<vmem>>
          %dma_start3A_267 = arith.constant 0 : i32
          %dma_start3A_268 = arith.constant 0 : i32
          %dma_start3A_269 = tpu.memref_slice %arg3[%add3A_261, %dma_start3A_267, %dma_start3A_268] : memref<2560x2x128xi32, #tpu.memory_space<hbm>> -> memref<1x2x128xi32, #tpu.memory_space<hbm>>
          %dma_start3A_270 = tpu.memref_squeeze %dma_start3A_269 : memref<1x2x128xi32, #tpu.memory_space<hbm>> -> memref<2x128xi32, #tpu.memory_space<hbm>>
          %dma_start3A_271 = arith.constant 0 : i32
          %dma_start3A_272 = arith.constant 0 : i32
          %dma_start3A_273 = tpu.memref_slice %arg6[%dma_start3A_262, %dma_start3A_271, %dma_start3A_272] : memref<4x2x128xi32, #tpu.memory_space<vmem>> -> memref<1x2x128xi32, #tpu.memory_space<vmem>>
          %dma_start3A_274 = tpu.memref_squeeze %dma_start3A_273 : memref<1x2x128xi32, #tpu.memory_space<vmem>> -> memref<2x128xi32, #tpu.memory_space<vmem>>
          %dma_start3A_275 = arith.constant 0 : i32
          %dma_start3A_276 = arith.constant 0 : i32
          %dma_start3A_277 = tpu.memref_slice %arg3[%add3A_261, %dma_start3A_275, %dma_start3A_276] : memref<2560x2x128xi32, #tpu.memory_space<hbm>> -> memref<1x2x128xi32, #tpu.memory_space<hbm>>
          %dma_start3A_278 = tpu.memref_squeeze %dma_start3A_277 : memref<1x2x128xi32, #tpu.memory_space<hbm>> -> memref<2x128xi32, #tpu.memory_space<hbm>>
          tpu.enqueue_dma source(%dma_start3A_278 : memref<2x128xi32, #tpu.memory_space<hbm>>) target(%dma_start3A_274 : memref<2x128xi32, #tpu.memory_space<vmem>>) target_semaphore(%arg15 : memref<!tpu.dma_semaphore, #tpu.memory_space<semaphore_mem>>)
        } else {
        }
        %add3A_231 = arith.addi %select_n3A_8, %add3A_170 : i32
        %add3A_232 = arith.constant 2 : i32
        %add3A_233 = arith.addi %add3A_231, %add3A_232 : i32
        %dma_wait3A_234 = arith.constant 0 : i32
        %dma_wait3A_235 = arith.constant 0 : i32
        %dma_wait3A_236 = arith.constant 0 : i32
        %dma_wait3A_237 = tpu.memref_slice %arg6[%dma_wait3A_234, %dma_wait3A_235, %dma_wait3A_236] : memref<4x2x128xi32, #tpu.memory_space<vmem>> -> memref<1x2x128xi32, #tpu.memory_space<vmem>>
        %dma_wait3A_238 = tpu.memref_squeeze %dma_wait3A_237 : memref<1x2x128xi32, #tpu.memory_space<vmem>> -> memref<2x128xi32, #tpu.memory_space<vmem>>
        %dma_wait3A_239 = arith.constant 0 : i32
        %dma_wait3A_240 = arith.constant 0 : i32
        %dma_wait3A_241 = tpu.memref_slice %arg3[%add3A_233, %dma_wait3A_239, %dma_wait3A_240] : memref<2560x2x128xi32, #tpu.memory_space<hbm>> -> memref<1x2x128xi32, #tpu.memory_space<hbm>>
        %dma_wait3A_242 = tpu.memref_squeeze %dma_wait3A_241 : memref<1x2x128xi32, #tpu.memory_space<hbm>> -> memref<2x128xi32, #tpu.memory_space<hbm>>
        %dma_wait3A_243 = arith.constant 0 : i32
        %dma_wait3A_244 = arith.constant 0 : i32
        %dma_wait3A_245 = tpu.memref_slice %arg6[%dma_wait3A_234, %dma_wait3A_243, %dma_wait3A_244] : memref<4x2x128xi32, #tpu.memory_space<vmem>> -> memref<1x2x128xi32, #tpu.memory_space<vmem>>
        %dma_wait3A_246 = tpu.memref_squeeze %dma_wait3A_245 : memref<1x2x128xi32, #tpu.memory_space<vmem>> -> memref<2x128xi32, #tpu.memory_space<vmem>>
        %dma_wait3A_247 = arith.constant 0 : i32
        %dma_wait3A_248 = arith.constant 0 : i32
        %dma_wait3A_249 = tpu.memref_slice %arg3[%add3A_233, %dma_wait3A_247, %dma_wait3A_248] : memref<2560x2x128xi32, #tpu.memory_space<hbm>> -> memref<1x2x128xi32, #tpu.memory_space<hbm>>
        %dma_wait3A_250 = tpu.memref_squeeze %dma_wait3A_249 : memref<1x2x128xi32, #tpu.memory_space<hbm>> -> memref<2x128xi32, #tpu.memory_space<hbm>>
        tpu.wait_dma2 semaphore(%arg13 : memref<!tpu.dma_semaphore, #tpu.memory_space<semaphore_mem>>) src(%dma_wait3A_250 : memref<2x128xi32, #tpu.memory_space<hbm>>) dst(%dma_wait3A_246 : memref<2x128xi32, #tpu.memory_space<vmem>>)
        %dma_start3A_251 = arith.constant 0 : i32
        %dma_start3A_252 = arith.constant 0 : i32
        %dma_start3A_253 = arith.constant 0 : i32
        %dma_start3A_254 = tpu.memref_slice %arg6[%dma_start3A_251, %dma_start3A_252, %dma_start3A_253] : memref<4x2x128xi32, #tpu.memory_space<vmem>> -> memref<1x1x128xi32, #tpu.memory_space<vmem>>
        %dma_start3A_255 = tpu.memref_squeeze %dma_start3A_254 : memref<1x1x128xi32, #tpu.memory_space<vmem>> -> memref<128xi32, #tpu.memory_space<vmem>>
        %dma_start3A_256 = arith.constant 0 : i32
        %dma_start3A_257 = arith.constant 0 : i32
        %dma_start3A_258 = tpu.memref_slice %arg2[%dma_start3A_256, %dma_start3A_257] : memref<10000x64xf32, #tpu.memory_space<hbm>> -> memref<10000x64xf32, #tpu.memory_space<hbm>>
        tpu.enqueue_indirect_dma source(%dma_start3A_258 : memref<10000x64xf32, #tpu.memory_space<hbm>>) target(%arg7 : memref<128x64xf32, #tpu.memory_space<vmem>>) offsets(%dma_start3A_255 : memref<128xi32, #tpu.memory_space<vmem>>) semaphore(%arg9 : memref<!tpu.dma_semaphore, #tpu.memory_space<semaphore_mem>>)
      } else {
      }
      %add3A_193 = arith.constant 3 : i32
      %add3A_194 = arith.addi %add3A_121, %add3A_193 : i32
      %dma_wait3A_195 = arith.constant 3 : i32
      %dma_wait3A_196 = arith.constant 0 : i32
      %dma_wait3A_197 = arith.constant 0 : i32
      %dma_wait3A_198 = tpu.memref_slice %arg6[%dma_wait3A_195, %dma_wait3A_196, %dma_wait3A_197] : memref<4x2x128xi32, #tpu.memory_space<vmem>> -> memref<1x1x128xi32, #tpu.memory_space<vmem>>
      %dma_wait3A_199 = tpu.memref_squeeze %dma_wait3A_198 : memref<1x1x128xi32, #tpu.memory_space<vmem>> -> memref<128xi32, #tpu.memory_space<vmem>>
      %dma_wait3A_200 = arith.constant 0 : i32
      %dma_wait3A_201 = arith.constant 0 : i32
      %dma_wait3A_202 = tpu.memref_slice %arg2[%dma_wait3A_200, %dma_wait3A_201] : memref<10000x64xf32, #tpu.memory_space<hbm>> -> memref<10000x64xf32, #tpu.memory_space<hbm>>
      tpu.wait_indirect_dma semaphore(%arg10 : memref<!tpu.dma_semaphore, #tpu.memory_space<semaphore_mem>>) src(%dma_wait3A_202 : memref<10000x64xf32, #tpu.memory_space<hbm>>) dst(%arg8 : memref<128x64xf32, #tpu.memory_space<vmem>>)
      %dma_start3A_203 = arith.constant 3 : i32
      %dma_start3A_204 = arith.constant 1 : i32
      %dma_start3A_205 = arith.constant 0 : i32
      %dma_start3A_206 = tpu.memref_slice %arg6[%dma_start3A_203, %dma_start3A_204, %dma_start3A_205] : memref<4x2x128xi32, #tpu.memory_space<vmem>> -> memref<1x1x128xi32, #tpu.memory_space<vmem>>
      %dma_start3A_207 = tpu.memref_squeeze %dma_start3A_206 : memref<1x1x128xi32, #tpu.memory_space<vmem>> -> memref<128xi32, #tpu.memory_space<vmem>>
      %dma_start3A_208 = arith.constant 0 : i32
      %dma_start3A_209 = arith.constant 0 : i32
      %dma_start3A_210 = tpu.memref_slice %arg5[%dma_start3A_208, %dma_start3A_209] : memref<10240x64xf32, #tpu.memory_space<vmem_shared>> -> memref<10240x64xf32, #tpu.memory_space<vmem_shared>>
      tpu.enqueue_indirect_dma source(%arg8 : memref<128x64xf32, #tpu.memory_space<vmem>>) target(%dma_start3A_210 : memref<10240x64xf32, #tpu.memory_space<vmem_shared>>) offsets(%dma_start3A_207 : memref<128xi32, #tpu.memory_space<vmem>>) semaphore(%arg12 : memref<!tpu.dma_semaphore, #tpu.memory_space<semaphore_mem>>) {add = true}
      %add3A_211 = arith.constant 2 : i32
      %add3A_212 = arith.addi %add3A_194, %add3A_211 : i32
      %lt3A_213 = arith.cmpi slt, %add3A_212, %select_n3A : i32
      %convert_element_type3A_214 = arith.extui %lt3A_213 : i1 to i32
      %cond3A_215 = arith.constant 0 : i32
      %cond3A_216 = arith.cmpi ne, %convert_element_type3A_214, %cond3A_215 : i32
      scf.if %cond3A_216 {
        %dma_wait3A_217 = arith.constant 3 : i32
        %dma_wait3A_218 = arith.constant 1 : i32
        %dma_wait3A_219 = arith.constant 0 : i32
        %dma_wait3A_220 = tpu.memref_slice %arg6[%dma_wait3A_217, %dma_wait3A_218, %dma_wait3A_219] : memref<4x2x128xi32, #tpu.memory_space<vmem>> -> memref<1x1x128xi32, #tpu.memory_space<vmem>>
        %dma_wait3A_221 = tpu.memref_squeeze %dma_wait3A_220 : memref<1x1x128xi32, #tpu.memory_space<vmem>> -> memref<128xi32, #tpu.memory_space<vmem>>
        %dma_wait3A_222 = arith.constant 0 : i32
        %dma_wait3A_223 = arith.constant 0 : i32
        %dma_wait3A_224 = tpu.memref_slice %arg5[%dma_wait3A_222, %dma_wait3A_223] : memref<10240x64xf32, #tpu.memory_space<vmem_shared>> -> memref<10240x64xf32, #tpu.memory_space<vmem_shared>>
        tpu.wait_indirect_dma semaphore(%arg12 : memref<!tpu.dma_semaphore, #tpu.memory_space<semaphore_mem>>) src(%arg8 : memref<128x64xf32, #tpu.memory_space<vmem>>) dst(%dma_wait3A_224 : memref<10240x64xf32, #tpu.memory_space<vmem_shared>>)
        %add3A_225 = arith.constant 4 : i32
        %add3A_226 = arith.addi %add3A_194, %add3A_225 : i32
        %lt3A_227 = arith.cmpi slt, %add3A_226, %select_n3A : i32
        %convert_element_type3A_228 = arith.extui %lt3A_227 : i1 to i32
        %cond3A_229 = arith.constant 0 : i32
        %cond3A_230 = arith.cmpi ne, %convert_element_type3A_228, %cond3A_229 : i32
        scf.if %cond3A_230 {
          %add3A_259 = arith.addi %select_n3A_8, %add3A_194 : i32
          %add3A_260 = arith.constant 4 : i32
          %add3A_261 = arith.addi %add3A_259, %add3A_260 : i32
          %dma_start3A_262 = arith.constant 3 : i32
          %dma_start3A_263 = arith.constant 0 : i32
          %dma_start3A_264 = arith.constant 0 : i32
          %dma_start3A_265 = tpu.memref_slice %arg6[%dma_start3A_262, %dma_start3A_263, %dma_start3A_264] : memref<4x2x128xi32, #tpu.memory_space<vmem>> -> memref<1x2x128xi32, #tpu.memory_space<vmem>>
          %dma_start3A_266 = tpu.memref_squeeze %dma_start3A_265 : memref<1x2x128xi32, #tpu.memory_space<vmem>> -> memref<2x128xi32, #tpu.memory_space<vmem>>
          %dma_start3A_267 = arith.constant 0 : i32
          %dma_start3A_268 = arith.constant 0 : i32
          %dma_start3A_269 = tpu.memref_slice %arg3[%add3A_261, %dma_start3A_267, %dma_start3A_268] : memref<2560x2x128xi32, #tpu.memory_space<hbm>> -> memref<1x2x128xi32, #tpu.memory_space<hbm>>
          %dma_start3A_270 = tpu.memref_squeeze %dma_start3A_269 : memref<1x2x128xi32, #tpu.memory_space<hbm>> -> memref<2x128xi32, #tpu.memory_space<hbm>>
          %dma_start3A_271 = arith.constant 0 : i32
          %dma_start3A_272 = arith.constant 0 : i32
          %dma_start3A_273 = tpu.memref_slice %arg6[%dma_start3A_262, %dma_start3A_271, %dma_start3A_272] : memref<4x2x128xi32, #tpu.memory_space<vmem>> -> memref<1x2x128xi32, #tpu.memory_space<vmem>>
          %dma_start3A_274 = tpu.memref_squeeze %dma_start3A_273 : memref<1x2x128xi32, #tpu.memory_space<vmem>> -> memref<2x128xi32, #tpu.memory_space<vmem>>
          %dma_start3A_275 = arith.constant 0 : i32
          %dma_start3A_276 = arith.constant 0 : i32
          %dma_start3A_277 = tpu.memref_slice %arg3[%add3A_261, %dma_start3A_275, %dma_start3A_276] : memref<2560x2x128xi32, #tpu.memory_space<hbm>> -> memref<1x2x128xi32, #tpu.memory_space<hbm>>
          %dma_start3A_278 = tpu.memref_squeeze %dma_start3A_277 : memref<1x2x128xi32, #tpu.memory_space<hbm>> -> memref<2x128xi32, #tpu.memory_space<hbm>>
          tpu.enqueue_dma source(%dma_start3A_278 : memref<2x128xi32, #tpu.memory_space<hbm>>) target(%dma_start3A_274 : memref<2x128xi32, #tpu.memory_space<vmem>>) target_semaphore(%arg16 : memref<!tpu.dma_semaphore, #tpu.memory_space<semaphore_mem>>)
        } else {
        }
        %add3A_231 = arith.addi %select_n3A_8, %add3A_194 : i32
        %add3A_232 = arith.constant 2 : i32
        %add3A_233 = arith.addi %add3A_231, %add3A_232 : i32
        %dma_wait3A_234 = arith.constant 1 : i32
        %dma_wait3A_235 = arith.constant 0 : i32
        %dma_wait3A_236 = arith.constant 0 : i32
        %dma_wait3A_237 = tpu.memref_slice %arg6[%dma_wait3A_234, %dma_wait3A_235, %dma_wait3A_236] : memref<4x2x128xi32, #tpu.memory_space<vmem>> -> memref<1x2x128xi32, #tpu.memory_space<vmem>>
        %dma_wait3A_238 = tpu.memref_squeeze %dma_wait3A_237 : memref<1x2x128xi32, #tpu.memory_space<vmem>> -> memref<2x128xi32, #tpu.memory_space<vmem>>
        %dma_wait3A_239 = arith.constant 0 : i32
        %dma_wait3A_240 = arith.constant 0 : i32
        %dma_wait3A_241 = tpu.memref_slice %arg3[%add3A_233, %dma_wait3A_239, %dma_wait3A_240] : memref<2560x2x128xi32, #tpu.memory_space<hbm>> -> memref<1x2x128xi32, #tpu.memory_space<hbm>>
        %dma_wait3A_242 = tpu.memref_squeeze %dma_wait3A_241 : memref<1x2x128xi32, #tpu.memory_space<hbm>> -> memref<2x128xi32, #tpu.memory_space<hbm>>
        %dma_wait3A_243 = arith.constant 0 : i32
        %dma_wait3A_244 = arith.constant 0 : i32
        %dma_wait3A_245 = tpu.memref_slice %arg6[%dma_wait3A_234, %dma_wait3A_243, %dma_wait3A_244] : memref<4x2x128xi32, #tpu.memory_space<vmem>> -> memref<1x2x128xi32, #tpu.memory_space<vmem>>
        %dma_wait3A_246 = tpu.memref_squeeze %dma_wait3A_245 : memref<1x2x128xi32, #tpu.memory_space<vmem>> -> memref<2x128xi32, #tpu.memory_space<vmem>>
        %dma_wait3A_247 = arith.constant 0 : i32
        %dma_wait3A_248 = arith.constant 0 : i32
        %dma_wait3A_249 = tpu.memref_slice %arg3[%add3A_233, %dma_wait3A_247, %dma_wait3A_248] : memref<2560x2x128xi32, #tpu.memory_space<hbm>> -> memref<1x2x128xi32, #tpu.memory_space<hbm>>
        %dma_wait3A_250 = tpu.memref_squeeze %dma_wait3A_249 : memref<1x2x128xi32, #tpu.memory_space<hbm>> -> memref<2x128xi32, #tpu.memory_space<hbm>>
        tpu.wait_dma2 semaphore(%arg14 : memref<!tpu.dma_semaphore, #tpu.memory_space<semaphore_mem>>) src(%dma_wait3A_250 : memref<2x128xi32, #tpu.memory_space<hbm>>) dst(%dma_wait3A_246 : memref<2x128xi32, #tpu.memory_space<vmem>>)
        %dma_start3A_251 = arith.constant 1 : i32
        %dma_start3A_252 = arith.constant 0 : i32
        %dma_start3A_253 = arith.constant 0 : i32
        %dma_start3A_254 = tpu.memref_slice %arg6[%dma_start3A_251, %dma_start3A_252, %dma_start3A_253] : memref<4x2x128xi32, #tpu.memory_space<vmem>> -> memref<1x1x128xi32, #tpu.memory_space<vmem>>
        %dma_start3A_255 = tpu.memref_squeeze %dma_start3A_254 : memref<1x1x128xi32, #tpu.memory_space<vmem>> -> memref<128xi32, #tpu.memory_space<vmem>>
        %dma_start3A_256 = arith.constant 0 : i32
        %dma_start3A_257 = arith.constant 0 : i32
        %dma_start3A_258 = tpu.memref_slice %arg2[%dma_start3A_256, %dma_start3A_257] : memref<10000x64xf32, #tpu.memory_space<hbm>> -> memref<10000x64xf32, #tpu.memory_space<hbm>>
        tpu.enqueue_indirect_dma source(%dma_start3A_258 : memref<10000x64xf32, #tpu.memory_space<hbm>>) target(%arg8 : memref<128x64xf32, #tpu.memory_space<vmem>>) offsets(%dma_start3A_255 : memref<128xi32, #tpu.memory_space<vmem>>) semaphore(%arg10 : memref<!tpu.dma_semaphore, #tpu.memory_space<semaphore_mem>>)
      } else {
      }
    }
    %dma_wait3A = arith.constant 2 : i32
    %dma_wait3A_98 = arith.constant 1 : i32
    %dma_wait3A_99 = arith.constant 0 : i32
    %dma_wait3A_100 = tpu.memref_slice %arg6[%dma_wait3A, %dma_wait3A_98, %dma_wait3A_99] : memref<4x2x128xi32, #tpu.memory_space<vmem>> -> memref<1x1x128xi32, #tpu.memory_space<vmem>>
    %dma_wait3A_101 = tpu.memref_squeeze %dma_wait3A_100 : memref<1x1x128xi32, #tpu.memory_space<vmem>> -> memref<128xi32, #tpu.memory_space<vmem>>
    %dma_wait3A_102 = arith.constant 0 : i32
    %dma_wait3A_103 = arith.constant 0 : i32
    %dma_wait3A_104 = tpu.memref_slice %arg5[%dma_wait3A_102, %dma_wait3A_103] : memref<10240x64xf32, #tpu.memory_space<vmem_shared>> -> memref<10240x64xf32, #tpu.memory_space<vmem_shared>>
    tpu.wait_indirect_dma semaphore(%arg11 : memref<!tpu.dma_semaphore, #tpu.memory_space<semaphore_mem>>) src(%arg7 : memref<128x64xf32, #tpu.memory_space<vmem>>) dst(%dma_wait3A_104 : memref<10240x64xf32, #tpu.memory_space<vmem_shared>>)
    %dma_wait3A_105 = arith.constant 3 : i32
    %dma_wait3A_106 = arith.constant 1 : i32
    %dma_wait3A_107 = arith.constant 0 : i32
    %dma_wait3A_108 = tpu.memref_slice %arg6[%dma_wait3A_105, %dma_wait3A_106, %dma_wait3A_107] : memref<4x2x128xi32, #tpu.memory_space<vmem>> -> memref<1x1x128xi32, #tpu.memory_space<vmem>>
    %dma_wait3A_109 = tpu.memref_squeeze %dma_wait3A_108 : memref<1x1x128xi32, #tpu.memory_space<vmem>> -> memref<128xi32, #tpu.memory_space<vmem>>
    %dma_wait3A_110 = arith.constant 0 : i32
    %dma_wait3A_111 = arith.constant 0 : i32
    %dma_wait3A_112 = tpu.memref_slice %arg5[%dma_wait3A_110, %dma_wait3A_111] : memref<10240x64xf32, #tpu.memory_space<vmem_shared>> -> memref<10240x64xf32, #tpu.memory_space<vmem_shared>>
    tpu.wait_indirect_dma semaphore(%arg12 : memref<!tpu.dma_semaphore, #tpu.memory_space<semaphore_mem>>) src(%arg8 : memref<128x64xf32, #tpu.memory_space<vmem>>) dst(%dma_wait3A_112 : memref<10240x64xf32, #tpu.memory_space<vmem_shared>>)
    %barrier3A_113 = arith.constant 0 : index
    tpu.barrier barrier_id(%barrier3A_113)
    %mul3A_114 = arith.constant 624 : i32
    %mul3A_115 = arith.muli %arg1, %mul3A_114 : i32
    "tpu.region"() ({
      %run_scoped3A_119 = tpu.sem_alloc : memref<!tpu.dma_semaphore, #tpu.memory_space<semaphore_mem>>
      %dma_start3A_120 = arith.constant 0 : i32
      %dma_start3A_121 = tpu.memref_slice %arg4[%arg0, %mul3A_115, %dma_start3A_120] : memref<2x10000x64xf32, #tpu.memory_space<hbm>> -> memref<1x624x64xf32, #tpu.memory_space<hbm>>
      %dma_start3A_122 = tpu.memref_squeeze %dma_start3A_121 : memref<1x624x64xf32, #tpu.memory_space<hbm>> -> memref<624x64xf32, #tpu.memory_space<hbm>>
      %dma_start3A_123 = arith.constant 0 : i32
      %dma_start3A_124 = tpu.memref_slice %arg5[%mul3A_115, %dma_start3A_123] : memref<10240x64xf32, #tpu.memory_space<vmem_shared>> -> memref<624x64xf32, #tpu.memory_space<vmem_shared>>
      tpu.enqueue_dma source(%dma_start3A_124 : memref<624x64xf32, #tpu.memory_space<vmem_shared>>) target(%dma_start3A_122 : memref<624x64xf32, #tpu.memory_space<hbm>>) target_semaphore(%run_scoped3A_119 : memref<!tpu.dma_semaphore, #tpu.memory_space<semaphore_mem>>)
      %dma_wait3A_125 = arith.constant 0 : i32
      %dma_wait3A_126 = tpu.memref_slice %arg4[%arg0, %mul3A_115, %dma_wait3A_125] : memref<2x10000x64xf32, #tpu.memory_space<hbm>> -> memref<1x624x64xf32, #tpu.memory_space<hbm>>
      %dma_wait3A_127 = tpu.memref_squeeze %dma_wait3A_126 : memref<1x624x64xf32, #tpu.memory_space<hbm>> -> memref<624x64xf32, #tpu.memory_space<hbm>>
      %dma_wait3A_128 = arith.constant 0 : i32
      %dma_wait3A_129 = tpu.memref_slice %arg5[%mul3A_115, %dma_wait3A_128] : memref<10240x64xf32, #tpu.memory_space<vmem_shared>> -> memref<624x64xf32, #tpu.memory_space<vmem_shared>>
      tpu.wait_dma2 semaphore(%run_scoped3A_119 : memref<!tpu.dma_semaphore, #tpu.memory_space<semaphore_mem>>) src(%dma_wait3A_129 : memref<624x64xf32, #tpu.memory_space<vmem_shared>>) dst(%dma_wait3A_127 : memref<624x64xf32, #tpu.memory_space<hbm>>)
      tpu.yield
    }) : () -> ()
    %eq3A_116 = arith.constant 15 : i32
    %eq3A_117 = arith.cmpi eq, %arg1, %eq3A_116 : i32
    %convert_element_type3A = arith.extui %eq3A_117 : i1 to i32
    %cond3A = arith.constant 0 : i32
    %cond3A_118 = arith.cmpi ne, %convert_element_type3A, %cond3A : i32
    scf.if %cond3A_118 {
      "tpu.region"() ({
        %run_scoped3A_119 = tpu.sem_alloc : memref<!tpu.dma_semaphore, #tpu.memory_space<semaphore_mem>>
        %dma_start3A_120 = arith.constant 9984 : i32
        %dma_start3A_121 = arith.constant 0 : i32
        %dma_start3A_122 = tpu.memref_slice %arg4[%arg0, %dma_start3A_120, %dma_start3A_121] : memref<2x10000x64xf32, #tpu.memory_space<hbm>> -> memref<1x16x64xf32, #tpu.memory_space<hbm>>
        %dma_start3A_123 = tpu.memref_squeeze %dma_start3A_122 : memref<1x16x64xf32, #tpu.memory_space<hbm>> -> memref<16x64xf32, #tpu.memory_space<hbm>>
        %dma_start3A_124 = arith.constant 9984 : i32
        %dma_start3A_125 = arith.constant 0 : i32
        %dma_start3A_126 = tpu.memref_slice %arg5[%dma_start3A_124, %dma_start3A_125] : memref<10240x64xf32, #tpu.memory_space<vmem_shared>> -> memref<16x64xf32, #tpu.memory_space<vmem_shared>>
        tpu.enqueue_dma source(%dma_start3A_126 : memref<16x64xf32, #tpu.memory_space<vmem_shared>>) target(%dma_start3A_123 : memref<16x64xf32, #tpu.memory_space<hbm>>) target_semaphore(%run_scoped3A_119 : memref<!tpu.dma_semaphore, #tpu.memory_space<semaphore_mem>>)
        %dma_wait3A_127 = arith.constant 9984 : i32
        %dma_wait3A_128 = arith.constant 0 : i32
        %dma_wait3A_129 = tpu.memref_slice %arg4[%arg0, %dma_wait3A_127, %dma_wait3A_128] : memref<2x10000x64xf32, #tpu.memory_space<hbm>> -> memref<1x16x64xf32, #tpu.memory_space<hbm>>
        %dma_wait3A_130 = tpu.memref_squeeze %dma_wait3A_129 : memref<1x16x64xf32, #tpu.memory_space<hbm>> -> memref<16x64xf32, #tpu.memory_space<hbm>>
        %dma_wait3A_131 = arith.constant 9984 : i32
        %dma_wait3A_132 = arith.constant 0 : i32
        %dma_wait3A_133 = tpu.memref_slice %arg5[%dma_wait3A_131, %dma_wait3A_132] : memref<10240x64xf32, #tpu.memory_space<vmem_shared>> -> memref<16x64xf32, #tpu.memory_space<vmem_shared>>
        tpu.wait_dma2 semaphore(%run_scoped3A_119 : memref<!tpu.dma_semaphore, #tpu.memory_space<semaphore_mem>>) src(%dma_wait3A_133 : memref<16x64xf32, #tpu.memory_space<vmem_shared>>) dst(%dma_wait3A_130 : memref<16x64xf32, #tpu.memory_space<hbm>>)
        tpu.yield
      }) : () -> ()
    } else {
    }
    return
  }
}

module attributes {stable_mosaic.version = 14 : i64} {
  func.func @_tc_recover_body(%arg0: i32, %arg1: memref<1000x128xf32, #tpu.memory_space<vmem>>, %arg2: memref<128x128xf32, #tpu.memory_space<vmem>>, %arg3: memref<128xf32, #tpu.memory_space<vmem>>, %arg4: memref<128x128xf32, #tpu.memory_space<vmem>>, %arg5: memref<128xf32, #tpu.memory_space<vmem>>, %arg6: memref<1000x128xf32, #tpu.memory_space<vmem>>, %arg7: memref<1000x136xf32, #tpu.memory_space<vmem>>) attributes {dimension_semantics = [#tpu.dimension_semantics<arbitrary>], iteration_bounds = array<i64: 10>, scalar_prefetch = 0 : i64, scratch_operands = 0 : i64, tpu.core_type = #tpu.core_type<tc>, window_params = [{transform_indices = @transform_0, window_bounds = array<i64: 1000, 128>}, {pipeline_mode = #tpu.pipeline_mode<synchronous>, transform_indices = @transform_1, window_bounds = array<i64: 128, 128>}, {pipeline_mode = #tpu.pipeline_mode<synchronous>, transform_indices = @transform_2, window_bounds = array<i64: 128>}, {pipeline_mode = #tpu.pipeline_mode<synchronous>, transform_indices = @transform_3, window_bounds = array<i64: 128, 128>}, {pipeline_mode = #tpu.pipeline_mode<synchronous>, transform_indices = @transform_4, window_bounds = array<i64: 128>}, {transform_indices = @transform_5, window_bounds = array<i64: 1000, 128>}, {transform_indices = @transform_6, window_bounds = array<i64: 1000, 136>}]} {
    %get3A = arith.constant 0 : index
    %get3A_0 = arith.constant 0 : index
    %get3A_1 = vector.load %arg1[%get3A, %get3A_0] : memref<1000x128xf32, #tpu.memory_space<vmem>>, vector<1000x128xf32>
    %get3A_2 = arith.constant 0 : index
    %get3A_3 = arith.constant 0 : index
    %get3A_4 = vector.load %arg2[%get3A_2, %get3A_3] : memref<128x128xf32, #tpu.memory_space<vmem>>, vector<128x128xf32>
    %dot_general3A = arith.constant dense<0.000000e+00> : vector<1000x128xf32>
    %dot_general3A_5 = tpu.matmul %get3A_1, %get3A_4, %dot_general3A {dimension_numbers = #tpu.dot_dimension_numbers<[1], [0], [0], [1], [0, 0, 1, 1], [], []>, transpose_lhs_hint = false} : vector<1000x128xf32>, vector<128x128xf32>, vector<1000x128xf32> -> vector<1000x128xf32>
    %get3A_6 = arith.constant 0 : index
    %get3A_7 = vector.load %arg3[%get3A_6] : memref<128xf32, #tpu.memory_space<vmem>>, vector<128xf32>
    %broadcast_in_dim3A = vector.shape_cast %get3A_7 : vector<128xf32> to vector<1x128xf32>
    %add3A = vector.broadcast %broadcast_in_dim3A : vector<1x128xf32> to vector<1000x128xf32>
    %add3A_8 = arith.addf %dot_general3A_5, %add3A : vector<1000x128xf32>
    %get3A_9 = arith.constant 0 : index
    %get3A_10 = arith.constant 0 : index
    %get3A_11 = vector.load %arg4[%get3A_9, %get3A_10] : memref<128x128xf32, #tpu.memory_space<vmem>>, vector<128x128xf32>
    %dot_general3A_12 = arith.constant dense<0.000000e+00> : vector<1000x128xf32>
    %dot_general3A_13 = tpu.matmul %add3A_8, %get3A_11, %dot_general3A_12 {dimension_numbers = #tpu.dot_dimension_numbers<[1], [0], [0], [1], [0, 0, 1, 1], [], []>, transpose_lhs_hint = false} : vector<1000x128xf32>, vector<128x128xf32>, vector<1000x128xf32> -> vector<1000x128xf32>
    %get3A_14 = arith.constant 0 : index
    %get3A_15 = vector.load %arg5[%get3A_14] : memref<128xf32, #tpu.memory_space<vmem>>, vector<128xf32>
    %broadcast_in_dim3A_16 = vector.shape_cast %get3A_15 : vector<128xf32> to vector<1x128xf32>
    %add3A_17 = vector.broadcast %broadcast_in_dim3A_16 : vector<1x128xf32> to vector<1000x128xf32>
    %add3A_18 = arith.addf %dot_general3A_13, %add3A_17 : vector<1000x128xf32>
    %swap3A = arith.constant 0 : index
    %swap3A_19 = arith.constant 0 : index
    %swap3A_20 = vector.load %arg6[%swap3A, %swap3A_19] : memref<1000x128xf32, #tpu.memory_space<vmem>>, vector<1000x128xf32>
    tpu.vector_store %arg6[%swap3A, %swap3A_19], %add3A_18 {strides = array<i32>} : memref<1000x128xf32, #tpu.memory_space<vmem>>, vector<1000x128xf32>,
    %swap3A_21 = arith.constant 0 : index
    %swap3A_22 = arith.constant 0 : index
    %swap3A_23 = vector.load %arg7[%swap3A_21, %swap3A_22] : memref<1000x136xf32, #tpu.memory_space<vmem>>, vector<1000x128xf32>
    tpu.vector_store %arg7[%swap3A_21, %swap3A_22], %get3A_1 {strides = array<i32>} : memref<1000x136xf32, #tpu.memory_space<vmem>>, vector<1000x128xf32>,
    %broadcast_in_dim3A_24 = arith.constant 1.000000e+00 : f32
    %broadcast_in_dim3A_25 = vector.broadcast %broadcast_in_dim3A_24 : f32 to vector<1000x8xf32>
    %swap3A_26 = arith.constant 0 : index
    %swap3A_27 = arith.constant 128 : index
    %swap3A_28 = vector.load %arg7[%swap3A_26, %swap3A_27] : memref<1000x136xf32, #tpu.memory_space<vmem>>, vector<1000x8xf32>
    tpu.vector_store %arg7[%swap3A_26, %swap3A_27], %broadcast_in_dim3A_25 {strides = array<i32>} : memref<1000x136xf32, #tpu.memory_space<vmem>>, vector<1000x8xf32>,
    return
  }
  func.func @transform_0(%arg0: i32) -> (i32, i32) {
    %c0_i32 = arith.constant 0 : i32
    %c0_i32_0 = arith.constant 0 : i32
    return %arg0, %c0_i32 : i32, i32
  }
  func.func @transform_1(%arg0: i32) -> (i32, i32) {
    %c0_i32 = arith.constant 0 : i32
    %c0_i32_0 = arith.constant 0 : i32
    %c0_i32_1 = arith.constant 0 : i32
    return %c0_i32, %c0_i32_0 : i32, i32
  }
  func.func @transform_2(%arg0: i32) -> i32 {
    %c0_i32 = arith.constant 0 : i32
    %c0_i32_0 = arith.constant 0 : i32
    return %c0_i32 : i32
  }
  func.func @transform_3(%arg0: i32) -> (i32, i32) {
    %c0_i32 = arith.constant 0 : i32
    %c0_i32_0 = arith.constant 0 : i32
    %c0_i32_1 = arith.constant 0 : i32
    return %c0_i32, %c0_i32_0 : i32, i32
  }
  func.func @transform_4(%arg0: i32) -> i32 {
    %c0_i32 = arith.constant 0 : i32
    %c0_i32_0 = arith.constant 0 : i32
    return %c0_i32 : i32
  }
  func.func @transform_5(%arg0: i32) -> (i32, i32) {
    %c0_i32 = arith.constant 0 : i32
    %c0_i32_0 = arith.constant 0 : i32
    return %arg0, %c0_i32 : i32, i32
  }
  func.func @transform_6(%arg0: i32) -> (i32, i32) {
    %c0_i32 = arith.constant 0 : i32
    %c0_i32_0 = arith.constant 0 : i32
    return %arg0, %c0_i32 : i32, i32
  }
}

module attributes {stable_mosaic.version = 14 : i64} {
  func.func @_tc_mid_body(%arg0: i32, %arg1: memref<2x1000x136xf32, #tpu.memory_space<vmem>>, %arg2: memref<128x128xf32, #tpu.memory_space<vmem>>, %arg3: memref<128x128xf32, #tpu.memory_space<vmem>>, %arg4: memref<128x128xf32, #tpu.memory_space<vmem>>, %arg5: memref<128xf32, #tpu.memory_space<vmem>>, %arg6: memref<128xf32, #tpu.memory_space<vmem>>, %arg7: memref<128xf32, #tpu.memory_space<vmem>>, %arg8: memref<128x64xf32, #tpu.memory_space<vmem>>, %arg9: memref<128x64xf32, #tpu.memory_space<vmem>>, %arg10: memref<1000x64xf32, #tpu.memory_space<vmem>>) attributes {dimension_semantics = [#tpu.dimension_semantics<arbitrary>], iteration_bounds = array<i64: 10>, scalar_prefetch = 0 : i64, scratch_operands = 0 : i64, tpu.core_type = #tpu.core_type<tc>, window_params = [{transform_indices = @transform_0, window_bounds = array<i64: 2, 1000, 136>}, {pipeline_mode = #tpu.pipeline_mode<synchronous>, transform_indices = @transform_1, window_bounds = array<i64: 128, 128>}, {pipeline_mode = #tpu.pipeline_mode<synchronous>, transform_indices = @transform_2, window_bounds = array<i64: 128, 128>}, {pipeline_mode = #tpu.pipeline_mode<synchronous>, transform_indices = @transform_3, window_bounds = array<i64: 128, 128>}, {pipeline_mode = #tpu.pipeline_mode<synchronous>, transform_indices = @transform_4, window_bounds = array<i64: 128>}, {pipeline_mode = #tpu.pipeline_mode<synchronous>, transform_indices = @transform_5, window_bounds = array<i64: 128>}, {pipeline_mode = #tpu.pipeline_mode<synchronous>, transform_indices = @transform_6, window_bounds = array<i64: 128>}, {pipeline_mode = #tpu.pipeline_mode<synchronous>, transform_indices = @transform_7, window_bounds = array<i64: 128, 64>}, {pipeline_mode = #tpu.pipeline_mode<synchronous>, transform_indices = @transform_8, window_bounds = array<i64: 128, 64>}, {transform_indices = @transform_9, window_bounds = array<i64: 1000, 64>}]} {
    %get3A = arith.constant 0 : index
    %get3A_0 = arith.constant 0 : index
    %get3A_1 = arith.constant 0 : index
    %get3A_2 = vector.load %arg1[%get3A, %get3A_0, %get3A_1] : memref<2x1000x136xf32, #tpu.memory_space<vmem>>, vector<1x1000x136xf32>
    %get3A_3 = vector.shape_cast %get3A_2 : vector<1x1000x136xf32> to vector<1000x136xf32>
    %get3A_4 = arith.constant 1 : index
    %get3A_5 = arith.constant 0 : index
    %get3A_6 = arith.constant 0 : index
    %get3A_7 = vector.load %arg1[%get3A_4, %get3A_5, %get3A_6] : memref<2x1000x136xf32, #tpu.memory_space<vmem>>, vector<1x1000x136xf32>
    %get3A_8 = vector.shape_cast %get3A_7 : vector<1x1000x136xf32> to vector<1000x136xf32>
    %add3A = arith.addf %get3A_3, %get3A_8 : vector<1000x136xf32>
    %slice3A = vector.extract_strided_slice %add3A {offsets = [0, 0], sizes = [1000, 128], strides = [1, 1]} : vector<1000x136xf32> to vector<1000x128xf32>
    %slice3A_9 = vector.extract_strided_slice %add3A {offsets = [0, 128], sizes = [1000, 1], strides = [1, 1]} : vector<1000x136xf32> to vector<1000x1xf32>
    %get3A_10 = arith.constant 0 : index
    %get3A_11 = arith.constant 0 : index
    %get3A_12 = vector.load %arg2[%get3A_10, %get3A_11] : memref<128x128xf32, #tpu.memory_space<vmem>>, vector<128x128xf32>
    %get3A_13 = arith.constant 0 : index
    %get3A_14 = arith.constant 0 : index
    %get3A_15 = vector.load %arg3[%get3A_13, %get3A_14] : memref<128x128xf32, #tpu.memory_space<vmem>>, vector<128x128xf32>
    %dot_general3A = arith.constant dense<0.000000e+00> : vector<128x128xf32>
    %dot_general3A_16 = tpu.matmul %get3A_12, %get3A_15, %dot_general3A {dimension_numbers = #tpu.dot_dimension_numbers<[1], [0], [0], [1], [0, 0, 1, 1], [], []>, transpose_lhs_hint = false} : vector<128x128xf32>, vector<128x128xf32>, vector<128x128xf32> -> vector<128x128xf32>
    %get3A_17 = arith.constant 0 : index
    %get3A_18 = vector.load %arg7[%get3A_17] : memref<128xf32, #tpu.memory_space<vmem>>, vector<128xf32>
    %broadcast_in_dim3A = vector.shape_cast %get3A_18 : vector<128xf32> to vector<1x128xf32>
    %get3A_19 = arith.constant 0 : index
    %get3A_20 = arith.constant 0 : index
    %get3A_21 = vector.load %arg3[%get3A_19, %get3A_20] : memref<128x128xf32, #tpu.memory_space<vmem>>, vector<128x128xf32>
    %dot_general3A_22 = arith.constant dense<0.000000e+00> : vector<1x128xf32>
    %dot_general3A_23 = tpu.matmul %broadcast_in_dim3A, %get3A_21, %dot_general3A_22 {dimension_numbers = #tpu.dot_dimension_numbers<[1], [0], [0], [1], [0, 0, 1, 1], [], []>, transpose_lhs_hint = false} : vector<1x128xf32>, vector<128x128xf32>, vector<1x128xf32> -> vector<1x128xf32>
    %get3A_24 = arith.constant 0 : index
    %get3A_25 = arith.constant 0 : index
    %get3A_26 = vector.load %arg4[%get3A_24, %get3A_25] : memref<128x128xf32, #tpu.memory_space<vmem>>, vector<128x128xf32>
    %dot_general3A_27 = arith.constant dense<0.000000e+00> : vector<1000x128xf32>
    %dot_general3A_28 = tpu.matmul %slice3A, %get3A_26, %dot_general3A_27 {dimension_numbers = #tpu.dot_dimension_numbers<[1], [0], [0], [1], [0, 0, 1, 1], [], []>, transpose_lhs_hint = false} : vector<1000x128xf32>, vector<128x128xf32>, vector<1000x128xf32> -> vector<1000x128xf32>
    %get3A_29 = arith.constant 0 : index
    %get3A_30 = vector.load %arg6[%get3A_29] : memref<128xf32, #tpu.memory_space<vmem>>, vector<128xf32>
    %broadcast_in_dim3A_31 = vector.shape_cast %get3A_30 : vector<128xf32> to vector<1x128xf32>
    %add3A_32 = vector.broadcast %broadcast_in_dim3A_31 : vector<1x128xf32> to vector<1000x128xf32>
    %add3A_33 = arith.addf %dot_general3A_28, %add3A_32 : vector<1000x128xf32>
    %dot_general3A_34 = arith.constant dense<0.000000e+00> : vector<1000x128xf32>
    %dot_general3A_35 = tpu.matmul %slice3A, %dot_general3A_16, %dot_general3A_34 {dimension_numbers = #tpu.dot_dimension_numbers<[1], [0], [0], [1], [0, 0, 1, 1], [], []>, transpose_lhs_hint = false} : vector<1000x128xf32>, vector<128x128xf32>, vector<1000x128xf32> -> vector<1000x128xf32>
    %mul3A = vector.broadcast %slice3A_9 : vector<1000x1xf32> to vector<1000x128xf32>
    %mul3A_36 = vector.broadcast %dot_general3A_23 : vector<1x128xf32> to vector<1000x128xf32>
    %mul3A_37 = arith.mulf %mul3A, %mul3A_36 : vector<1000x128xf32>
    %add3A_38 = arith.addf %dot_general3A_35, %mul3A_37 : vector<1000x128xf32>
    %get3A_39 = arith.constant 0 : index
    %get3A_40 = vector.load %arg5[%get3A_39] : memref<128xf32, #tpu.memory_space<vmem>>, vector<128xf32>
    %broadcast_in_dim3A_41 = vector.shape_cast %get3A_40 : vector<128xf32> to vector<1x128xf32>
    %add3A_42 = vector.broadcast %broadcast_in_dim3A_41 : vector<1x128xf32> to vector<1000x128xf32>
    %add3A_43 = arith.addf %add3A_38, %add3A_42 : vector<1000x128xf32>
    %gt3A = arith.constant 0.000000e+00 : f32
    %gt3A_44 = vector.broadcast %gt3A : f32 to vector<1000x128xf32>
    %gt3A_45 = arith.cmpf ogt, %add3A_33, %gt3A_44 : vector<1000x128xf32>
    %exp3A = math.exp %add3A_33 : vector<1000x128xf32>
    %sub3A = arith.constant 1.000000e+00 : f32
    %sub3A_46 = vector.broadcast %sub3A : f32 to vector<1000x128xf32>
    %sub3A_47 = arith.subf %exp3A, %sub3A_46 : vector<1000x128xf32>
    %mul3A_48 = arith.constant 1.000000e-01 : f32
    %mul3A_49 = vector.broadcast %mul3A_48 : f32 to vector<1000x128xf32>
    %mul3A_50 = arith.mulf %mul3A_49, %sub3A_47 : vector<1000x128xf32>
    %select_n3A = arith.select %gt3A_45, %add3A_33, %mul3A_50 : vector<1000x128xi1>, vector<1000x128xf32>
    %get3A_51 = arith.constant 0 : index
    %get3A_52 = arith.constant 0 : index
    %get3A_53 = vector.load %arg8[%get3A_51, %get3A_52] : memref<128x64xf32, #tpu.memory_space<vmem>>, vector<128x64xf32>
    %dot_general3A_54 = arith.constant dense<0.000000e+00> : vector<1000x64xf32>
    %dot_general3A_55 = tpu.matmul %select_n3A, %get3A_53, %dot_general3A_54 {dimension_numbers = #tpu.dot_dimension_numbers<[1], [0], [0], [1], [0, 0, 1, 1], [], []>, transpose_lhs_hint = false} : vector<1000x128xf32>, vector<128x64xf32>, vector<1000x64xf32> -> vector<1000x64xf32>
    %gt3A_56 = arith.constant 0.000000e+00 : f32
    %gt3A_57 = vector.broadcast %gt3A_56 : f32 to vector<1000x128xf32>
    %gt3A_58 = arith.cmpf ogt, %add3A_43, %gt3A_57 : vector<1000x128xf32>
    %exp3A_59 = math.exp %add3A_43 : vector<1000x128xf32>
    %sub3A_60 = arith.constant 1.000000e+00 : f32
    %sub3A_61 = vector.broadcast %sub3A_60 : f32 to vector<1000x128xf32>
    %sub3A_62 = arith.subf %exp3A_59, %sub3A_61 : vector<1000x128xf32>
    %mul3A_63 = arith.constant 1.000000e-01 : f32
    %mul3A_64 = vector.broadcast %mul3A_63 : f32 to vector<1000x128xf32>
    %mul3A_65 = arith.mulf %mul3A_64, %sub3A_62 : vector<1000x128xf32>
    %select_n3A_66 = arith.select %gt3A_58, %add3A_43, %mul3A_65 : vector<1000x128xi1>, vector<1000x128xf32>
    %get3A_67 = arith.constant 0 : index
    %get3A_68 = arith.constant 0 : index
    %get3A_69 = vector.load %arg9[%get3A_67, %get3A_68] : memref<128x64xf32, #tpu.memory_space<vmem>>, vector<128x64xf32>
    %dot_general3A_70 = arith.constant dense<0.000000e+00> : vector<1000x64xf32>
    %dot_general3A_71 = tpu.matmul %select_n3A_66, %get3A_69, %dot_general3A_70 {dimension_numbers = #tpu.dot_dimension_numbers<[1], [0], [0], [1], [0, 0, 1, 1], [], []>, transpose_lhs_hint = false} : vector<1000x128xf32>, vector<128x64xf32>, vector<1000x64xf32> -> vector<1000x64xf32>
    %add3A_72 = arith.addf %dot_general3A_55, %dot_general3A_71 : vector<1000x64xf32>
    %swap3A = arith.constant 0 : index
    %swap3A_73 = arith.constant 0 : index
    %swap3A_74 = vector.load %arg10[%swap3A, %swap3A_73] : memref<1000x64xf32, #tpu.memory_space<vmem>>, vector<1000x64xf32>
    tpu.vector_store %arg10[%swap3A, %swap3A_73], %add3A_72 {strides = array<i32>} : memref<1000x64xf32, #tpu.memory_space<vmem>>, vector<1000x64xf32>,
    return
  }
  func.func @transform_0(%arg0: i32) -> (i32, i32, i32) {
    %c0_i32 = arith.constant 0 : i32
    %c0_i32_0 = arith.constant 0 : i32
    %c0_i32_1 = arith.constant 0 : i32
    return %c0_i32, %arg0, %c0_i32_0 : i32, i32, i32
  }
  func.func @transform_1(%arg0: i32) -> (i32, i32) {
    %c0_i32 = arith.constant 0 : i32
    %c0_i32_0 = arith.constant 0 : i32
    %c0_i32_1 = arith.constant 0 : i32
    return %c0_i32, %c0_i32_0 : i32, i32
  }
  func.func @transform_2(%arg0: i32) -> (i32, i32) {
    %c0_i32 = arith.constant 0 : i32
    %c0_i32_0 = arith.constant 0 : i32
    %c0_i32_1 = arith.constant 0 : i32
    return %c0_i32, %c0_i32_0 : i32, i32
  }
  func.func @transform_3(%arg0: i32) -> (i32, i32) {
    %c0_i32 = arith.constant 0 : i32
    %c0_i32_0 = arith.constant 0 : i32
    %c0_i32_1 = arith.constant 0 : i32
    return %c0_i32, %c0_i32_0 : i32, i32
  }
  func.func @transform_4(%arg0: i32) -> i32 {
    %c0_i32 = arith.constant 0 : i32
    %c0_i32_0 = arith.constant 0 : i32
    return %c0_i32 : i32
  }
  func.func @transform_5(%arg0: i32) -> i32 {
    %c0_i32 = arith.constant 0 : i32
    %c0_i32_0 = arith.constant 0 : i32
    return %c0_i32 : i32
  }
  func.func @transform_6(%arg0: i32) -> i32 {
    %c0_i32 = arith.constant 0 : i32
    %c0_i32_0 = arith.constant 0 : i32
    return %c0_i32 : i32
  }
  func.func @transform_7(%arg0: i32) -> (i32, i32) {
    %c0_i32 = arith.constant 0 : i32
    %c0_i32_0 = arith.constant 0 : i32
    %c0_i32_1 = arith.constant 0 : i32
    return %c0_i32, %c0_i32_0 : i32, i32
  }
  func.func @transform_8(%arg0: i32) -> (i32, i32) {
    %c0_i32 = arith.constant 0 : i32
    %c0_i32_0 = arith.constant 0 : i32
    %c0_i32_1 = arith.constant 0 : i32
    return %c0_i32, %c0_i32_0 : i32, i32
  }
  func.func @transform_9(%arg0: i32) -> (i32, i32) {
    %c0_i32 = arith.constant 0 : i32
    %c0_i32_0 = arith.constant 0 : i32
    return %arg0, %c0_i32 : i32, i32
  }
}

module attributes {stable_mosaic.version = 14 : i64} {
  func.func @_tc_softmax_body(%arg0: i32, %arg1: memref<2x1000x64xf32, #tpu.memory_space<vmem>>, %arg2: memref<64xf32, #tpu.memory_space<vmem>>, %arg3: memref<1000x64xf32, #tpu.memory_space<vmem>>) attributes {dimension_semantics = [#tpu.dimension_semantics<arbitrary>], iteration_bounds = array<i64: 10>, scalar_prefetch = 0 : i64, scratch_operands = 0 : i64, tpu.core_type = #tpu.core_type<tc>, window_params = [{transform_indices = @transform_0, window_bounds = array<i64: 2, 1000, 64>}, {pipeline_mode = #tpu.pipeline_mode<synchronous>, transform_indices = @transform_1, window_bounds = array<i64: 64>}, {transform_indices = @transform_2, window_bounds = array<i64: 1000, 64>}]} {
    %get3A = arith.constant 0 : index
    %get3A_0 = arith.constant 0 : index
    %get3A_1 = arith.constant 0 : index
    %get3A_2 = vector.load %arg1[%get3A, %get3A_0, %get3A_1] : memref<2x1000x64xf32, #tpu.memory_space<vmem>>, vector<1x1000x64xf32>
    %get3A_3 = vector.shape_cast %get3A_2 : vector<1x1000x64xf32> to vector<1000x64xf32>
    %get3A_4 = arith.constant 1 : index
    %get3A_5 = arith.constant 0 : index
    %get3A_6 = arith.constant 0 : index
    %get3A_7 = vector.load %arg1[%get3A_4, %get3A_5, %get3A_6] : memref<2x1000x64xf32, #tpu.memory_space<vmem>>, vector<1x1000x64xf32>
    %get3A_8 = vector.shape_cast %get3A_7 : vector<1x1000x64xf32> to vector<1000x64xf32>
    %add3A = arith.addf %get3A_3, %get3A_8 : vector<1000x64xf32>
    %get3A_9 = arith.constant 0 : index
    %get3A_10 = vector.load %arg2[%get3A_9] : memref<64xf32, #tpu.memory_space<vmem>>, vector<64xf32>
    %broadcast_in_dim3A = vector.shape_cast %get3A_10 : vector<64xf32> to vector<1x64xf32>
    %add3A_11 = vector.broadcast %broadcast_in_dim3A : vector<1x64xf32> to vector<1000x64xf32>
    %add3A_12 = arith.addf %add3A, %add3A_11 : vector<1000x64xf32>
    %reduce_max3A = arith.constant dense<0xFF800000> : vector<1000xf32>
    %reduce_max3A_13 = vector.multi_reduction <maximumf>, %add3A_12, %reduce_max3A [1] : vector<1000x64xf32> to vector<1000xf32>
    %broadcast_in_dim3A_14 = vector.shape_cast %reduce_max3A_13 : vector<1000xf32> to vector<1000x1xf32>
    %sub3A = vector.broadcast %broadcast_in_dim3A_14 : vector<1000x1xf32> to vector<1000x64xf32>
    %sub3A_15 = arith.subf %add3A_12, %sub3A : vector<1000x64xf32>
    %exp3A = math.exp %sub3A_15 : vector<1000x64xf32>
    %reduce_sum3A = arith.constant dense<0.000000e+00> : vector<1000xf32>
    %reduce_sum3A_16 = vector.multi_reduction <add>, %exp3A, %reduce_sum3A [1] : vector<1000x64xf32> to vector<1000xf32>
    %broadcast_in_dim3A_17 = vector.shape_cast %reduce_sum3A_16 : vector<1000xf32> to vector<1000x1xf32>
    %log3A = math.log %broadcast_in_dim3A_17 : vector<1000x1xf32>
    %sub3A_18 = vector.broadcast %log3A : vector<1000x1xf32> to vector<1000x64xf32>
    %sub3A_19 = arith.subf %sub3A_15, %sub3A_18 : vector<1000x64xf32>
    %swap3A = arith.constant 0 : index
    %swap3A_20 = arith.constant 0 : index
    %swap3A_21 = vector.load %arg3[%swap3A, %swap3A_20] : memref<1000x64xf32, #tpu.memory_space<vmem>>, vector<1000x64xf32>
    tpu.vector_store %arg3[%swap3A, %swap3A_20], %sub3A_19 {strides = array<i32>} : memref<1000x64xf32, #tpu.memory_space<vmem>>, vector<1000x64xf32>,
    return
  }
  func.func @transform_0(%arg0: i32) -> (i32, i32, i32) {
    %c0_i32 = arith.constant 0 : i32
    %c0_i32_0 = arith.constant 0 : i32
    %c0_i32_1 = arith.constant 0 : i32
    return %c0_i32, %arg0, %c0_i32_0 : i32, i32, i32
  }
  func.func @transform_1(%arg0: i32) -> i32 {
    %c0_i32 = arith.constant 0 : i32
    %c0_i32_0 = arith.constant 0 : i32
    return %c0_i32 : i32
  }
  func.func @transform_2(%arg0: i32) -> (i32, i32) {
    %c0_i32 = arith.constant 0 : i32
    %c0_i32_0 = arith.constant 0 : i32
    return %arg0, %c0_i32 : i32, i32
  }
}

</mosaic_0001>

<sc_bundles>
// kernel: kernel.10.cloned.1.call-start
scs
__scs_entry_jumppad:
0x0: {  	(pc) =	sbr.rel $0x88, $3  }
0x1: {  	(tag) =	ssettag $0x0;
	lr =	simm.s32 $0x1  }
0x2: {  	[smem:$0x3F95] =	sst lr;
	_ =	strace $0xD0000000  }
0x3: {  	_ = 	snop  }
0x4: {  	_ = 	snop  }
0x5: {  	_ = 	snop  }
0x6: {  	_ = 	snop  }
0x7: {  	_ = 	snop  }
__scs_overlays_trampoline_lowered:
0x8: {  	[smem:$0x3FA4] =	sst s0  }
0x9: {  	[smem:$0x3FA5] =	sst s1  }
0xa: {  	[smem:$0x3FA6] =	sst s2  }
0xb: {  	[smem:$0x3FA7] =	sst s3  }
0xc: {  	[smem:$0x3FA8] =	sst s4  }
0xd: {  	[smem:$0x3FA9] =	sst s5  }
0xe: {  	[smem:$0x3FAA] =	sst s6  }
0xf: {  	[smem:$0x3FAB] =	sst s7  }
0x10: {  	[smem:$0x3FAC] =	sst s8  }
0x11: {  	[smem:$0x3FAD] =	sst s9;
	s0 =	simm.s32 @!p0 $0x0  }
0x12: {  	s1 =	sld [smem:$0x3F93];
	s0 =	simm.s32 @p0 $0x1  }
0x13: {  	[smem:$0x3FAE] =	sst s0;
	s0 =	simm.s32 @!p1 $0x0  }
0x14: {  	s2 =	sld [smem:$0x3F92];
	s0 =	simm.s32 @p1 $0x1  }
0x15: {  	[smem:$0x3FAF] =	sst s0;
	s0 =	simm.s32 @!p2 $0x0  }
0x16: {  	s3 =	sld [smem:$0x3FDB];
	s0 =	simm.s32 @p2 $0x1  }
0x17: {  	s4 =	simm.s32 $0x1BF5;
	[smem:$0x3FB1] =	sst s0  }
0x18: {  	s0 =	sld [smem:$0x3F94];
	_ =	swait.ge [sflag:s4], $0x0  }
0x19: {  	s7 =	sld [smem:$0x3F95]  }
0x1a: {  	s8 =	sadd.s32 $0xFFFFE003, lr  }
0x1b: {  	s9 =	sadd.s32 $0xFFFFFEF7, lr;
	s5 =	simm.s32 $0xFFFFFFFF;
	p2 =	slt.u32 s8, $0xFFFFF086  }
0x1c: {  	p1 =	slt.u32 s9, $0xF7A;
	s5 =	simm.s32 @!p2 $0x0  }
0x1d: {  	s5 =	simm.s32 @p1 $0x1;
	p0 =	seq.s32 s7, s2  }
0x1e: {  	s7 =	smul.u32 @!p0 $0xF7A, s2;
	p2 =	seq.s32 @!p0 s5, $0x0  }
0x1f: {  	s9 =	smul.u32 $0xF7A, s1;
	s8 =	simm.s32 @!p0 $0x1BF5;
	p2 =	por !p2, p0  }
0x20: {  	[sflag:s8] =	ssyncset.s32 @!p0 $0xFFFFF086;
	s6 =	sadd.s32 @!p0 s3, s7;
	s7 =	simm.s32 @!p0 $0x108  }
0x21: {  	s3 =	sadd.s32 s3, s9;
	s6 =	sadd.s32 @!p0 $0x88, s6;
	s7 =	simm.s32 @p2 $0x1082  }
0x22: {  	[simem:s7], [sflag:s8] =	dma.local @!p0 [hbm:s6], $0xF7A  }
0x23: {  	s9 =	sor.u32 $0xD0000000, s2;
	s6 =	simm.s32 $0x108;
	_ =	swait.ge @!p0 [sflag:s8], $0x0  }
0x24: {  	s3 =	sadd.s32 $0x88, s3;
	s6 =	simm.s32 @!p1 $0x1082;
	[sflag:s4] =	ssyncset.s32 $0xFFFFF086  }
0x25: {  	[simem:s6], [sflag:s4] =	dma.local [hbm:s3], $0xF7A  }
0x26: {  	[smem:$0x3F95] =	sst s1;
	(tag) =	ssettag s2;
	_ =	strace s9  }
0x27: {  	s1 =	sld [smem:$0x3FA5]  }
0x28: {  	s2 =	sld [smem:$0x3FA6]  }
0x29: {  	s4 =	sld [smem:$0x3FA8]  }
0x2a: {  	p0 =	seq.s32 s5, $0x0;
	s5 =	sld [smem:$0x3FA9]  }
0x2b: {  	s6 =	sld [smem:$0x3FAA]  }
0x2c: {  	s7 =	sld [smem:$0x3FAB]  }
0x2d: {  	s3 =	simm.s32 $0x108;
	s8 =	sld [smem:$0x3FAC]  }
0x2e: {  	s3 =	simm.s32 @!p0 $0x1082;
	s9 =	sld [smem:$0x3FAD]  }
0x2f: {  	lr =	sadd.s32 s0, s3;
	s0 =	sld [smem:$0x3FA4]  }
0x30: {  	s3 =	sld [smem:$0x3FA7]  }
0x31: {  	[smem:$0x3FB0] =	sst s10  }
0x32: {  	s10 =	sld [smem:$0x3FAE];
	_ =	sdelay $0x3  }
0x33: {  	p0 =	seq.s32 s10, $0x1;
	s10 =	sld [smem:$0x3FB0];
	_ =	sdelay $0x3  }
0x34: {  	[smem:$0x3FB0] =	sst s10  }
0x35: {  	s10 =	sld [smem:$0x3FAF];
	_ =	sdelay $0x3  }
0x36: {  	p1 =	seq.s32 s10, $0x1;
	s10 =	sld [smem:$0x3FB0];
	_ =	sdelay $0x3  }
0x37: {  	[smem:$0x3FB0] =	sst s10  }
0x38: {  	s10 =	sld [smem:$0x3FB1]  }
0x39: {  	_ = 	snop;
	(pc) =	sbr.ind lr, $3  }
0x3a: {  	_ = 	snop  }
0x3b: {  	_ = 	snop  }
0x3c: {  	p2 =	seq.s32 s10, $0x1;
	s10 =	sld [smem:$0x3FB0]  }
0x3d: {  	_ =	shalt  }
0x3e: {  	_ =	shalt  }
0x3f: {  	_ =	shalt  }
0x40: {  	_ =	shalt  }
0x41: {  	_ =	shalt  }
0x42: {  	_ =	shalt  }
0x43: {  	_ =	shalt  }
0x44: {  	_ =	shalt  }
0x45: {  	_ =	shalt  }
0x46: {  	_ =	shalt  }
0x47: {  	_ =	shalt  }
0x48: {  	_ =	shalt  }
0x49: {  	_ =	shalt  }
0x4a: {  	_ =	shalt  }
0x4b: {  	_ =	shalt  }
0x4c: {  	_ =	shalt  }
0x4d: {  	_ =	shalt  }
0x4e: {  	_ =	shalt  }
0x4f: {  	_ =	shalt  }
0x50: {  	_ =	shalt  }
0x51: {  	_ =	shalt  }
0x52: {  	_ =	shalt  }
0x53: {  	_ =	shalt  }
0x54: {  	_ =	shalt  }
0x55: {  	_ =	shalt  }
0x56: {  	_ =	shalt  }
0x57: {  	_ =	shalt  }
0x58: {  	_ =	shalt  }
0x59: {  	_ =	shalt  }
0x5a: {  	_ =	shalt  }
0x5b: {  	_ =	shalt  }
0x5c: {  	_ =	shalt  }
0x5d: {  	_ =	shalt  }
0x5e: {  	_ =	shalt  }
0x5f: {  	_ =	shalt  }
0x60: {  	_ =	shalt  }
0x61: {  	_ =	shalt  }
0x62: {  	_ =	shalt  }
0x63: {  	_ =	shalt  }
0x64: {  	_ =	shalt  }
0x65: {  	_ =	shalt  }
0x66: {  	_ =	shalt  }
0x67: {  	_ =	shalt  }
0x68: {  	_ =	shalt  }
0x69: {  	_ =	shalt  }
0x6a: {  	_ =	shalt  }
0x6b: {  	_ =	shalt  }
0x6c: {  	_ =	shalt  }
0x6d: {  	_ =	shalt  }
0x6e: {  	_ =	shalt  }
0x6f: {  	_ =	shalt  }
0x70: {  	_ =	shalt  }
0x71: {  	_ =	shalt  }
0x72: {  	_ =	shalt  }
0x73: {  	_ =	shalt  }
0x74: {  	_ =	shalt  }
0x75: {  	_ =	shalt  }
0x76: {  	_ =	shalt  }
0x77: {  	_ =	shalt  }
0x78: {  	_ =	shalt  }
0x79: {  	_ =	shalt  }
0x7a: {  	_ =	shalt  }
0x7b: {  	_ =	shalt  }
0x7c: {  	_ =	shalt  }
0x7d: {  	_ =	shalt  }
0x7e: {  	_ =	shalt  }
0x7f: {  	_ =	shalt  }
0x80: {  	_ =	shalt  }
0x81: {  	_ =	shalt  }
0x82: {  	_ =	shalt  }
0x83: {  	_ =	shalt  }
0x84: {  	_ =	shalt  }
0x85: {  	_ =	shalt  }
0x86: {  	_ =	shalt  }
0x87: {  	_ =	shalt  }
.Lfunc_end0:
.L_simem_size_0:
called_computation.1_lowered:
.L_overlay_start_0:
0x88: {  	s2 =	sld [smem:$0x3FD9]  }
0x89: {  	s3 =	sld [smem:$0x3FFE];
	_ =	sdelay $0x1  }
0x8a: {  	s1 =	srdreg.scid  }
0x8b: {  	s0 =	sand.u32 $0x1, s1  }
0x8c: {  	s14 =	sshll.u32 s0, $0xA;
	s2 =	sadd.s32 s3, s2  }
0x8d: {  	s2 =	sadd.s32 s2, s14  }
0x8e: {  	[smem:$0x3FBC] =	sst s2  }
0x8f: {  	_ = 	snop  }
0x90: {  	s2 =	sld [smem:$0x3FD0];
	_ =	sdelay $0x2  }
0x91: {  	s15 =	simm.s32 $0xA;
	s4 =	simm.s32 $0x10  }
0x92: {  	[smem:s4], [sflag:s15] =	dma.local [hbm:s2], $0x1  }
0x93: {  	_ =	swait.eq [sflag:s15], $0x1  }
0x94: {  	[sflag:s15] =	ssyncset.done $0x0  }
0x95: {  	[sflag:s15] =	ssyncadd.s32 $0xFFFFFFFF  }
0x96: {  	s16 =	sld [smem:$0x10];
	(tm) =	ssettm $0x1  }
0x97: {  	s17 =	sld [smem:$0x3FFB];
	_ =	sdelay $0x3  }
0x98: {  	_ =	strace s17  }
0x99: {  	s3 =	sld [smem:$0x3FFC];
	_ =	sdelay $0x3  }
0x9a: {  	_ =	strace s3  }
0x9b: {  	s3 =	sld [smem:$0x3FFD];
	_ =	sdelay $0x3  }
0x9c: {  	_ =	strace s3  }
0x9d: {  	_ =	strace $0x8FFFFFFF  }
0x9e: {  	s18 =	sld [smem:$0x3FDB];
	_ =	sdelay $0x1  }
0x9f: {  	s19 =	simm.s32 $_scs_section_size  }
0xa0: {  	s5 =	simm.s32 $_size__tile_overlayer_lowered;
	s6 =	simm.s32 $_tile_overlayer_lowered  }
0xa1: {  	s22 =	simm.s32 $0x1BFF;
	s21 =	sshll.u32 s6, $0x1;
	s3 =	sadd.s32 s19, s18  }
0xa2: {  	s7 =	simm.s32 $0x0;
	s20 =	sshll.u32 s5, $0x1;
	s5 =	sadd.s32 s21, s3  }
0xa3: {  	[timem:s7], [sflag:s22] =	dma.local [hbm:s5], s20  }
0xa4: {  	_ =	swait.ge [sflag:s22], s20  }
0xa5: {  	s4 =	ssub.s32 $0x0, s20;
	[sflag:s22] =	ssyncset.done $0x0  }
0xa6: {  	[sflag:s22] =	ssyncadd.s32 s4;
	_ =	sdelay $0x1  }
0xa7: {  	s23 =	simm.s32 $0x1B8B  }
0xa8: {  	_ =	swait.ge [sflag:s23], $0x1  }
0xa9: {  	[sflag:s23] =	ssyncset.done $0x0  }
0xaa: {  	s25 =	simm.s32 $0x1B8E;
	s24 =	sld [smem:$0x3FFE];
	[sflag:s23] =	ssyncadd.s32 $0xFFFFFFFF  }
0xab: {  	s26 =	simm.s32 $execute0_lowered;
	[smem:$0x3FD2] =	sst s25  }
0xac: {  	s5 =	sshll.u32 s26, $0x1;
	_ =	strace $0x80000049;
	[dreg:$0x1] =	wrdreg $0xFFFFFFFF  }
0xad: {  	s28 =	simm.s32 $_size_execute0_lowered;
	s3 =	sadd.s32 s3, s5;
	[dreg:$0x0] =	wrdreg $0x0  }
0xae: {  	s5 =	sshll.u32 s28, $0x1;
	[dreg:$0x2] =	wrdreg s3  }
0xaf: {  	[dreg:$0x3] =	wrdreg s5  }
0xb0: {  	[dreg:$0x4] =	wrdreg $0xC0  }
0xb1: {  	_ =	task [dreg:s7], $0x5FFFF  }
0xb2: {  	[dreg:$0x1] =	wrdreg $0xFFFFFFFF  }
0xb3: {  	[dreg:$0x0] =	wrdreg $0x60  }
0xb4: {  	[dreg:$0x2] =	wrdreg s16  }
0xb5: {  	[dreg:$0x3] =	wrdreg s24  }
0xb6: {  	[dreg:$0x4] =	wrdreg $0x0  }
0xb7: {  	[dreg:$0x5] =	wrdreg $0x9  }
0xb8: {  	_ =	task.clear_ibuf [dreg:s7], $0x6FFFF;
	_ =	strace $0x90000049  }
0xb9: {  	s29 =	simm.s32 $0x9;
	_ =	strace $0x8000004B  }
0xba: {  	_ =	swait.ge [sflag:s29], $0x1  }
0xbb: {  	[sflag:s29] =	ssyncadd.s32 $0xFFFFFFFF  }
0xbc: {  	_ =	strace $0x9000004B  }
0xbd: {  	_ =	sfence  }
0xbe: {  	s30 =	sld [smem:$0x0];
	_ =	sdelay $0x2  }
0xbf: {  	s31 =	sshll.u32 s1, $0xD;
	s1 =	sshrl.u32 s1, $0x2  }
0xc0: {  	s3 =	sand.u32 $0x4000, s31;
	s1 =	sadd.s32 s1, s30  }
0xc1: {  	s0 =	sor.u32 s3, s0;
	s1 =	sshll.u32 s1, $0x11  }
0xc2: {  	s0 =	sor.u32 s1, s0  }
0xc3: {  	s0 =	sadd.s32 $0x8F2B, s0  }
0xc4: {  	[sflag:s0] =	ssyncadd.remote.s32 $0x1  }
0xc5: {  	_ =	sfence.sel $0xFFFF  }
0xc6: {  	[dreg:$0x0] =	wrdreg $0xFFFFFFFF;
	(pc) =	sbr.abs _section_cstart, $3  }
0xc7: {  	[dreg:$0x1] =	wrdreg $0xFFFFFFFF  }
0xc8: {  	_ =	task.clear_ibuf [dreg:s7], $0x2FFFF;
	_ =	strace $0x9FFFFFFF  }
0xc9: {  	(tm) =	ssettm $0x7FFFFFFF  }
tec
execute0_lowered:
.L_overlay_start_1:
0x0: {  	(tag) =	ssettag $0x1  }
0x1: {  	s1 =	rddreg [dreg:$0x0]  }
0x2: {  	s0 =	rddreg [dreg:$0x1];
	s2 =	srdreg.scid  }
0x3: {  	s11 =	stileid.u32;
	s3 =	rddreg [dreg:$0x2]  }
0x4: {  	s28 =	simm.s32 $0x80;
	s29 =	simm.s32 $0xC400;
	s5 =	smul.u32 $0x98, s11  }
0x5: {  	s30 =	simm.s32 $0xA400;
	s31 =	simm.s32 $0x3;
	s8 =	smul.u32 $0x28000, s11  }
0x6: {  	s2 =	sand.u32 $0x1, s2;
	s4 =	sshll.u32 s11, $0x3;
	s12 =	smul.u32 $0x9C00, s11  }
0x7: {  	p0 =	seq.s32 s2, $0x0;
	s6 =	sor.u32 $0x980, s4;
	s4 =	simm.s32 $0x0  }
0x8: {  	s22 =	ssub.s32 $0x2, s2;
	s2 =	smul.u32 $0x9C400, s2;
	s6 =	smov.u32 @p0 s5  }
0x9: {  	[smem:$0x7FF] =	sst s4;
	s9 =	sshrl.u32 s22, $0x1;
	s25 =	sshrl.u32 s8, $0x2  }
0xa: {  	s5 =	sshll.u32 s6, $0x5;
	_ =	strace $0x8000004A;
	s13 =	ssub.s32 s22, s9  }
0xb: {  	s26 =	sadd.s32 s12, s2;
	s10 =	sadd.s32 s25, s3;
	s2 =	sshrl.u32 s2, $0x3  }
0xc: {  	s12 =	sadd.s32 s12, s3;
	s25 =	simm.s32 $0xA280;
	s7 =	sadd.s32 s5, s0  }
0xd: {  	s0 =	sadd.s32 $0x1C00, s0;
	s5 =	simm.s32 $0x98;
	s9 =	sshrl.u32 s26, $0x3  }
0xe: {  	s19 =	smax.u32 s13, $0x1;
	s14 =	sadd.s32 $0x2000, s10;
	s15 =	sadd.s32 $0x4000, s10  }
0xf: {  	s16 =	sadd.s32 $0x6000, s10;
	s17 =	sadd.s32 $0x8000, s10;
	[dreg:$0x9] =	wrdreg s25  }
0x10: {  	s26 =	simm.s32 $0xA380;
	s5 =	simm.s32 @!p0 $0x8;
	[dreg:$0x10] =	wrdreg s19  }
0x11: {  	s6 =	sadd.s32 $0x2B600, s7;
	s23 =	sadd.s32 $0x2B620, s7;
	[dreg:$0xa] =	wrdreg s26  }
0x12: {  	s24 =	sadd.s32 $0x2B640, s7;
	s7 =	sadd.s32 $0x2B660, s7;
	[dreg:$0xb] =	wrdreg s23  }
0x13: {  	p0 =	sne.s32 s11, $0xF;
	s26 =	simm.s32 $0x0;
	[dreg:$0xc] =	wrdreg s24  }
0x14: {  	[dreg:$0xd] =	wrdreg s7;
	s7 =	sadd.s32 s0, s9;
	s0 =	sadd.s32 s0, s2  }
0x15: {  	s20 =	sadd.s32 $0xFFFFFFFA, s5;
	s21 =	sadd.s32 $0xFFFFFFF9, s5;
	[dreg:$0xe] =	wrdreg s7  }
0x16: {  	s22 =	sshll.u32 s5, $0x5;
	s18 =	sadd.s32 $0xFFFFFFFC, s5;
	[dreg:$0x4] =	wrdreg s20  }
0x17: {  	s23 =	simm.s32 $0xA080;
	s19 =	sadd.s32 $0xFFFFFFFB, s5;
	[dreg:$0x5] =	wrdreg s21  }
0x18: {  	s24 =	simm.s32 $0xA180;
	s2 =	simm.s32 $0x1;
	[dreg:$0x6] =	wrdreg s22  }
0x19: {  	s0 =	sadd.s32 $0x13800, s0;
	[dreg:$0x7] =	wrdreg s23;
	s20 =	simm.s32 $0xA000  }
0x1a: {  	[dreg:$0x8] =	wrdreg s24;
	s21 =	simm.s32 $0x9;
	s22 =	simm.s32 $0xA100  }
0x1b: {  	s24 =	sshrl.u32 s12, $0x3;
	[dreg:$0xf] =	wrdreg s0;
	s0 =	sadd.s32 $0x9C000, s3  }
0x1c: {  	v0 =	vimm.f32 $0.0e+00;
	s23 =	simm.s32 $0x4;
	s25 =	sshrl.u32 @!p0 s0, $0x3;
	s0 =	simm.s32 $0x2  }
.LBB2_1:
0x1d: {  	[tilespmem:s20], [sflag:$0x9] =	stream.linear.gather [hbm4b:s6+s4], $0x100, $0x38;
	[tilespmem:$0xE400] =	vst v63  }
0x1e: {  	_ =	swait.ge [sflag:s21], $0x100  }
0x1f: {  	[sflag:s21] =	ssyncset.done $0x0  }
0x20: {  	s7 =	rddreg [dreg:$0xb];
	[sflag:s21] =	ssyncadd.s32 $0xFFFFFF00  }
0x21: {  	[tilespmem:s22], [sflag:$0x9] =	stream.linear.gather [hbm4b:s7+s4], $0x100, $0x38;
	[tilespmem:$0xE400] =	vst v63  }
0x22: {  	_ =	swait.ge [sflag:s21], $0x100  }
0x23: {  	[sflag:s21] =	ssyncset.done $0x0  }
0x24: {  	s8 =	simm.s32 $0xA200;
	s11 =	rddreg [dreg:$0xc];
	[sflag:s21] =	ssyncadd.s32 $0xFFFFFF00  }
0x25: {  	[tilespmem:s8], [sflag:$0x7] =	stream.linear.gather [hbm4b:s11+s4], $0x100, $0x38;
	[tilespmem:$0xE400] =	vst v63  }
0x26: {  	s13 =	simm.s32 $0xA300;
	s12 =	rddreg [dreg:$0xd]  }
0x27: {  	[tilespmem:s13], [sflag:$0x8] =	stream.linear.gather [hbm4b:s12+s4], $0x100, $0x38;
	[tilespmem:$0xE400] =	vst v63  }
0x28: {  	s7 =	simm.s32 $0x0;
	s8 =	simm.s32 $0x100  }
0x29: {  	[tilespmem:s29], [sflag:$0x2] =	stream.indirect.gather [hbm4b:s1+s28], $0x40, s22, s28, $0xb8;
	[tilespmem:$0xE400] =	vst v63  }
.LBB2_2:
0x2a: {  	p1 =	sne.s32 s8, $0x7F00;
	[tilespmem:s7+$0xA430] =	vst v0;
	s9 =	smov.u32 s8;
	s8 =	sadd.s32 $0x100, s8  }
.Ltmp0:
0x2b: {  	[tilespmem:s7+$0xA420] =	vst v0;
	(pc) =	sbr.rel @p1 .LBB2_2-.Ltmp0, $3  }
0x2c: {  	[tilespmem:s7+$0xA400] =	vst v0  }
0x2d: {  	[tilespmem:s7+$0xA410] =	vst v0;
	_ =	sdelay $0x1  }
0x2e: {  	s7 =	sshra.s32 s9, $0x2  }
0x2f: {  	[tilespmem:s7+$0xA430] =	vst v0  }
0x30: {  	[tilespmem:s7+$0xA420] =	vst v0  }
0x31: {  	[tilespmem:s7+$0xA400] =	vst v0  }
0x32: {  	[tilespmem:s7+$0xA410] =	vst v0  }
0x33: {  	[spmem:s10] =	stream.linear.scatter [tilespmem:s30], [sflag:$0x3], $0x2000, $0x38;
	[tilespmem:$0xE400] =	vst v63  }
0x34: {  	_ = 	snop  }
0x35: {  	[spmem:s14] =	stream.linear.scatter [tilespmem:s30], [sflag:$0x3], $0x2000, $0x38;
	[tilespmem:$0xE400] =	vst v63  }
0x36: {  	_ = 	snop  }
0x37: {  	[spmem:s15] =	stream.linear.scatter [tilespmem:s30], [sflag:$0x3], $0x2000, $0x38;
	[tilespmem:$0xE400] =	vst v63  }
0x38: {  	_ = 	snop  }
0x39: {  	[spmem:s16] =	stream.linear.scatter [tilespmem:s30], [sflag:$0x3], $0x2000, $0x38;
	[tilespmem:$0xE400] =	vst v63  }
0x3a: {  	_ = 	snop  }
0x3b: {  	[spmem:s17] =	stream.linear.scatter [tilespmem:s30], [sflag:$0x3], $0x2000, $0x38;
	[tilespmem:$0xE400] =	vst v63  }
0x3c: {  	_ =	swait.ge [sflag:s31], $0x2000  }
0x3d: {  	[sflag:s31] =	ssyncset.done $0x0  }
0x3e: {  	[sflag:s31] =	ssyncadd.s32 $0xFFFFE000  }
0x3f: {  	_ =	swait.ge [sflag:s31], $0x2000  }
0x40: {  	[sflag:s31] =	ssyncset.done $0x0  }
0x41: {  	[sflag:s31] =	ssyncadd.s32 $0xFFFFE000  }
0x42: {  	_ =	swait.ge [sflag:s31], $0x2000  }
0x43: {  	[sflag:s31] =	ssyncset.done $0x0  }
0x44: {  	[sflag:s31] =	ssyncadd.s32 $0xFFFFE000  }
0x45: {  	_ =	swait.ge [sflag:s31], $0x2000  }
0x46: {  	[sflag:s31] =	ssyncset.done $0x0  }
0x47: {  	[sflag:s31] =	ssyncadd.s32 $0xFFFFE000  }
0x48: {  	_ =	swait.ge [sflag:s31], $0x2000  }
0x49: {  	[sflag:s31] =	ssyncset.done $0x0  }
0x4a: {  	[sflag:s31] =	ssyncadd.s32 $0xFFFFE000  }
0x4b: {  	[tilespmem:s30], [sflag:$0x1] =	stream.indirect.gather [hbm4b:s1+s28], $0x40, s20, s28, $0xb8;
	[tilespmem:$0xE400] =	vst v63  }
0x4c: {  	s7 =	simm.s32 $0x0;
	s8 =	simm.s32 $0x0;
	[bflag:$0x0] =	sbarrier.arrive $0xFFFF  }
.LBB2_4:
0x4d: {  	_ =	swait.ge [sflag:s2], $0x2000  }
0x4e: {  	s12 =	sadd.s32 $0x2, s7;
	[sflag:s2] =	ssyncset.done $0x0  }
0x4f: {  	s9 =	rddreg [dreg:$0x7];
	p1 =	sge.u32 s12, s5;
	[sflag:s2] =	ssyncadd.s32 $0xFFFFE000  }
0x50: {  	[spmem:s3] =	stream.indirect.scatter.add.f32 [tilespmem:s30], [sflag:$0x3], $0x40, s9, s28, $0xb8;
	[tilespmem:$0xE400] =	vst v63  }
0x51: {  	s9 =	simm.s32 @!p1 $0x3  }
0x52: {  	p2 =	sge.u32 @!p1 s7, s18;
	_ =	swait.ge @!p1 [sflag:s9], $0x2000  }
0x53: {  	p2 =	por p2, p1;
	[sflag:s9] =	ssyncset.done @!p1 $0x0  }
0x54: {  	[sflag:s9] =	ssyncadd.s32 @!p1 $0xFFFFE000;
	s9 =	sadd.s32 @!p2 s8, s6  }
0x55: {  	s11 =	simm.s32 @!p2 $0x0;
	s12 =	simm.s32 @!p2 $0xA000;
	s9 =	sadd.s32 @!p2 $0x80, s9  }
0x56: {  	[tilespmem:s12], [sflag:$0x5] =	stream.linear.gather @!p2 [hbm4b:s9+s11], $0x100, $0x38;
	[tilespmem:$0xE400] =	vst v63  }
0x57: {  	s9 =	simm.s32 @!p1 $0x7  }
0x58: {  	_ =	swait.ge @!p1 [sflag:s9], $0x100  }
0x59: {  	s11 =	simm.s32 @!p1 $0xA200;
	[sflag:s9] =	ssyncset.done @!p1 $0x0  }
0x5a: {  	s12 =	simm.s32 @!p1 $0xA400;
	[sflag:s9] =	ssyncadd.s32 @!p1 $0xFFFFFF00;
	s9 =	simm.s32 @!p1 $0x80  }
0x5b: {  	[tilespmem:s12], [sflag:$0x1] =	stream.indirect.gather @!p1 [hbm4b:s1+s9], $0x40, s11, s9, $0xb8;
	[tilespmem:$0xE400] =	vst v63  }
0x5c: {  	s11 =	sadd.s32 $0x3, s7;
	_ =	swait.ge [sflag:s0], $0x2000  }
0x5d: {  	p1 =	sge.u32 s11, s5;
	[sflag:s0] =	ssyncset.done $0x0  }
0x5e: {  	s13 =	rddreg [dreg:$0x8];
	s9 =	simm.s32 @!p1 $0x4;
	[sflag:s0] =	ssyncadd.s32 $0xFFFFE000  }
0x5f: {  	[spmem:s3] =	stream.indirect.scatter.add.f32 [tilespmem:s29], [sflag:$0x4], $0x40, s13, s28, $0xb8;
	[tilespmem:$0xE400] =	vst v63  }
0x60: {  	p2 =	sge.u32 @!p1 s7, s19;
	_ =	swait.ge @!p1 [sflag:s9], $0x2000  }
0x61: {  	p2 =	por p2, p1;
	[sflag:s9] =	ssyncset.done @!p1 $0x0  }
0x62: {  	[sflag:s9] =	ssyncadd.s32 @!p1 $0xFFFFE000;
	s9 =	sadd.s32 @!p2 s8, s6  }
0x63: {  	s11 =	simm.s32 @!p2 $0x0;
	s12 =	simm.s32 @!p2 $0xA100;
	s9 =	sadd.s32 @!p2 $0xA0, s9  }
0x64: {  	[tilespmem:s12], [sflag:$0x6] =	stream.linear.gather @!p2 [hbm4b:s9+s11], $0x100, $0x38;
	[tilespmem:$0xE400] =	vst v63  }
0x65: {  	s9 =	simm.s32 @!p1 $0x8  }
0x66: {  	_ =	swait.ge @!p1 [sflag:s9], $0x100  }
0x67: {  	s11 =	simm.s32 @!p1 $0xA300;
	[sflag:s9] =	ssyncset.done @!p1 $0x0  }
0x68: {  	s12 =	simm.s32 @!p1 $0xC400;
	[sflag:s9] =	ssyncadd.s32 @!p1 $0xFFFFFF00;
	s9 =	simm.s32 @!p1 $0x80  }
0x69: {  	[tilespmem:s12], [sflag:$0x2] =	stream.indirect.gather @!p1 [hbm4b:s1+s9], $0x40, s11, s9, $0xb8;
	[tilespmem:$0xE400] =	vst v63  }
0x6a: {  	_ =	swait.ge [sflag:s2], $0x2000  }
0x6b: {  	p1 =	sge.u32 s7, s18;
	[sflag:s2] =	ssyncset.done $0x0  }
0x6c: {  	s9 =	simm.s32 @!p1 $0x3;
	s12 =	rddreg [dreg:$0x9];
	[sflag:s2] =	ssyncadd.s32 $0xFFFFE000  }
0x6d: {  	[spmem:s3] =	stream.indirect.scatter.add.f32 [tilespmem:s30], [sflag:$0x3], $0x40, s12, s28, $0xb8;
	[tilespmem:$0xE400] =	vst v63  }
0x6e: {  	_ =	swait.ge @!p1 [sflag:s9], $0x2000  }
0x6f: {  	s11 =	rddreg [dreg:$0x4]  }
0x70: {  	p2 =	sge.u32 @!p1 s7, s11  }
0x71: {  	[sflag:s9] =	ssyncset.done @!p1 $0x0;
	p2 =	por p2, p1  }
0x72: {  	[sflag:s9] =	ssyncadd.s32 @!p1 $0xFFFFE000;
	s9 =	sadd.s32 @!p2 s8, s6  }
0x73: {  	s11 =	simm.s32 @!p2 $0x0;
	s12 =	simm.s32 @!p2 $0xA200;
	s9 =	sadd.s32 @!p2 $0xC0, s9  }
0x74: {  	[tilespmem:s12], [sflag:$0x7] =	stream.linear.gather @!p2 [hbm4b:s9+s11], $0x100, $0x38;
	[tilespmem:$0xE400] =	vst v63  }
0x75: {  	s9 =	simm.s32 @!p1 $0x5  }
0x76: {  	_ =	swait.ge @!p1 [sflag:s9], $0x100  }
0x77: {  	s11 =	simm.s32 @!p1 $0xA000;
	[sflag:s9] =	ssyncset.done @!p1 $0x0  }
0x78: {  	s12 =	simm.s32 @!p1 $0xA400;
	[sflag:s9] =	ssyncadd.s32 @!p1 $0xFFFFFF00;
	s9 =	simm.s32 @!p1 $0x80  }
0x79: {  	[tilespmem:s12], [sflag:$0x1] =	stream.indirect.gather @!p1 [hbm4b:s1+s9], $0x40, s11, s9, $0xb8;
	[tilespmem:$0xE400] =	vst v63  }
0x7a: {  	_ =	swait.ge [sflag:s0], $0x2000  }
0x7b: {  	p1 =	sge.u32 s7, s19;
	[sflag:s0] =	ssyncset.done $0x0  }
0x7c: {  	s9 =	simm.s32 @!p1 $0x4;
	s13 =	rddreg [dreg:$0xa];
	[sflag:s0] =	ssyncadd.s32 $0xFFFFE000  }
0x7d: {  	[spmem:s3] =	stream.indirect.scatter.add.f32 [tilespmem:s29], [sflag:$0x4], $0x40, s13, s28, $0xb8;
	[tilespmem:$0xE400] =	vst v63  }
0x7e: {  	_ =	swait.ge @!p1 [sflag:s9], $0x2000  }
0x7f: {  	s11 =	rddreg [dreg:$0x5]  }
0x80: {  	p2 =	sge.u32 @!p1 s7, s11  }
0x81: {  	[sflag:s9] =	ssyncset.done @!p1 $0x0;
	p2 =	por p2, p1  }
0x82: {  	[sflag:s9] =	ssyncadd.s32 @!p1 $0xFFFFE000;
	s9 =	sadd.s32 @!p2 s8, s6  }
0x83: {  	s11 =	simm.s32 @!p2 $0x0;
	s12 =	simm.s32 @!p2 $0xA300;
	s9 =	sadd.s32 @!p2 $0xE0, s9  }
0x84: {  	[tilespmem:s12], [sflag:$0x8] =	stream.linear.gather @!p2 [hbm4b:s9+s11], $0x100, $0x38;
	[tilespmem:$0xE400] =	vst v63  }
0x85: {  	s9 =	simm.s32 @!p1 $0x6  }
0x86: {  	s8 =	sadd.s32 $0x80, s8;
	_ =	swait.ge @!p1 [sflag:s9], $0x100  }
0x87: {  	s11 =	simm.s32 @!p1 $0xA100;
	s12 =	simm.s32 @!p1 $0xC400;
	[sflag:s9] =	ssyncset.done @!p1 $0x0  }
0x88: {  	s13 =	rddreg [dreg:$0x6];
	[sflag:s9] =	ssyncadd.s32 @!p1 $0xFFFFFF00;
	s9 =	simm.s32 @!p1 $0x80  }
0x89: {  	[tilespmem:s12], [sflag:$0x2] =	stream.indirect.gather @!p1 [hbm4b:s1+s9], $0x40, s11, s9, $0xb8;
	[tilespmem:$0xE400] =	vst v63  }
0x8a: {  	p1 =	sne.s32 s13, s8  }
.Ltmp1:
0x8b: {  	_ = 	snop;
	(pc) =	sbr.rel @p1 .LBB2_4-.Ltmp1, $2  }
0x8c: {  	_ =	sdelay $0x2  }
0x8d: {  	s7 =	sadd.s32 $0x4, s7  }
0x8e: {  	_ =	swait.ge [sflag:s31], $0x2000  }
0x8f: {  	[sflag:s31] =	ssyncset.done $0x0  }
0x90: {  	[sflag:s31] =	ssyncadd.s32 $0xFFFFE000  }
0x91: {  	_ =	swait.ge [sflag:s23], $0x2000  }
0x92: {  	[sflag:s23] =	ssyncset.done $0x0  }
0x93: {  	s7 =	stileid.u32;
	[sflag:s23] =	ssyncadd.s32 $0xFFFFE000  }
0x94: {  	s7 =	sshll.u32 s7, $0x6;
	[bflag:$0x0] =	sbarrier.arrive $0xFFFF  }
0x95: {  	s7 =	sor.u32 $0x1C09, s7;
	s8 =	rddreg [dreg:$0xe]  }
0x96: {  	[hbm:s8], [sflag:s7] =	dma.local [spmem:s24], $0x1380  }
0x97: {  	_ =	swait.ge [sflag:s21], $0x1380  }
0x98: {  	[sflag:s21] =	ssyncset.done $0x0  }
0x99: {  	s8 =	rddreg [dreg:$0xf];
	[sflag:s21] =	ssyncadd.s32 $0xFFFFEC80  }
0x9a: {  	[hbm:s8], [sflag:s7] =	dma.local @!p0 [spmem:s25], $0x80  }
0x9b: {  	s7 =	simm.s32 @!p0 $0x9  }
0x9c: {  	_ =	swait.ge @!p0 [sflag:s7], $0x80  }
0x9d: {  	s26 =	sadd.s32 $0x1, s26;
	s13 =	rddreg [dreg:$0x10]  }
0x9e: {  	p1 =	sne.s32 s26, s13  }
.Ltmp2:
0x9f: {  	_ = 	snop;
	(pc) =	sbr.rel @p1 .LBB2_1-.Ltmp2, $3  }
0xa0: {  	_ =	sdelay $0x1  }
0xa1: {  	[sflag:s7] =	ssyncset.done @!p0 $0x0  }
0xa2: {  	[sflag:s7] =	ssyncadd.s32 @!p0 $0xFFFFFF80  }
0xa3: {  	_ =	sfence.sel $0x180000  }
0xa4: {  	[bflag:$0x0] =	sbarrier.arrive $0xFFFF  }
0xa5: {  	_ =	strace $0x9000004A  }
0xa6: {  	s0 =	stileid.u32;
	[bflag:$0x2] =	sbarrier.arrive $0xFFFF  }
0xa7: {  	p0 =	sne.s32 s0, $0x0;
	s0 =	rddreg [dreg:$0x3]  }
0xa8: {  	s0 =	sadd.s32 @!p0 $0x100000, s0  }
0xa9: {  	[sflag:s0] =	ssyncadd.tile.s32 @!p0 $0x1;
	_ =	shalt  }
.Lfunc_end2:
_tile_overlayer_lowered:
.L_overlay_start_2:
0xaa: {  	(tag) =	ssettag $0x2  }
0xab: {  	s0 =	rddreg [dreg:$0x0];
	s2 =	stileid.u32  }
0xac: {  	s1 =	rddreg [dreg:$0x1];
	p0 =	sne.s32 s2, $0x0  }
0xad: {  	s3 =	rddreg [dreg:$0x2];
	[bflag:$0x3] =	sbarrier.arrive $0xFFFF;
	s2 =	simm.s32 @!p0 $0x1C09  }
0xae: {  	[timem:s3], [sflag:s2] =	dma.local @!p0 [hbm:s0], s1  }
0xaf: {  	s0 =	simm.s32 @!p0 $0x9  }
0xb0: {  	_ =	swait.ge @!p0 [sflag:s0], s1  }
0xb1: {  	s1 =	ssub.s32 @!p0 $0x0, s1;
	[sflag:s0] =	ssyncset.done @!p0 $0x0  }
0xb2: {  	[sflag:s0] =	ssyncadd.s32 @!p0 s1  }
0xb3: {  	[bflag:$0x3] =	sbarrier.arrive $0xFFFF  }
0xb4: {  	_ =	shalt  }

// kernel: kernel.7.cloned.1.call-start
scs
__scs_entry_jumppad:
0x0: {  	(pc) =	sbr.rel $0x88, $3  }
0x1: {  	(tag) =	ssettag $0x0;
	lr =	simm.s32 $0x1  }
0x2: {  	[smem:$0x3F95] =	sst lr;
	_ =	strace $0xD0000000  }
0x3: {  	_ = 	snop  }
0x4: {  	_ = 	snop  }
0x5: {  	_ = 	snop  }
0x6: {  	_ = 	snop  }
0x7: {  	_ = 	snop  }
__scs_overlays_trampoline_lowered:
0x8: {  	[smem:$0x3FA4] =	sst s0  }
0x9: {  	[smem:$0x3FA5] =	sst s1  }
0xa: {  	[smem:$0x3FA6] =	sst s2  }
0xb: {  	[smem:$0x3FA7] =	sst s3  }
0xc: {  	[smem:$0x3FA8] =	sst s4  }
0xd: {  	[smem:$0x3FA9] =	sst s5  }
0xe: {  	[smem:$0x3FAA] =	sst s6  }
0xf: {  	[smem:$0x3FAB] =	sst s7  }
0x10: {  	[smem:$0x3FAC] =	sst s8  }
0x11: {  	[smem:$0x3FAD] =	sst s9;
	s0 =	simm.s32 @!p0 $0x0  }
0x12: {  	s1 =	sld [smem:$0x3F93];
	s0 =	simm.s32 @p0 $0x1  }
0x13: {  	[smem:$0x3FAE] =	sst s0;
	s0 =	simm.s32 @!p1 $0x0  }
0x14: {  	s2 =	sld [smem:$0x3F92];
	s0 =	simm.s32 @p1 $0x1  }
0x15: {  	[smem:$0x3FAF] =	sst s0;
	s0 =	simm.s32 @!p2 $0x0  }
0x16: {  	s3 =	sld [smem:$0x3FDB];
	s0 =	simm.s32 @p2 $0x1  }
0x17: {  	s4 =	simm.s32 $0x1BF5;
	[smem:$0x3FB1] =	sst s0  }
0x18: {  	s0 =	sld [smem:$0x3F94];
	_ =	swait.ge [sflag:s4], $0x0  }
0x19: {  	s7 =	sld [smem:$0x3F95]  }
0x1a: {  	s8 =	sadd.s32 $0xFFFFE003, lr  }
0x1b: {  	s9 =	sadd.s32 $0xFFFFFEF7, lr;
	s5 =	simm.s32 $0xFFFFFFFF;
	p2 =	slt.u32 s8, $0xFFFFF086  }
0x1c: {  	p1 =	slt.u32 s9, $0xF7A;
	s5 =	simm.s32 @!p2 $0x0  }
0x1d: {  	s5 =	simm.s32 @p1 $0x1;
	p0 =	seq.s32 s7, s2  }
0x1e: {  	s7 =	smul.u32 @!p0 $0xF7A, s2;
	p2 =	seq.s32 @!p0 s5, $0x0  }
0x1f: {  	s9 =	smul.u32 $0xF7A, s1;
	s8 =	simm.s32 @!p0 $0x1BF5;
	p2 =	por !p2, p0  }
0x20: {  	[sflag:s8] =	ssyncset.s32 @!p0 $0xFFFFF086;
	s6 =	sadd.s32 @!p0 s3, s7;
	s7 =	simm.s32 @!p0 $0x108  }
0x21: {  	s3 =	sadd.s32 s3, s9;
	s6 =	sadd.s32 @!p0 $0x88, s6;
	s7 =	simm.s32 @p2 $0x1082  }
0x22: {  	[simem:s7], [sflag:s8] =	dma.local @!p0 [hbm:s6], $0xF7A  }
0x23: {  	s9 =	sor.u32 $0xD0000000, s2;
	s6 =	simm.s32 $0x108;
	_ =	swait.ge @!p0 [sflag:s8], $0x0  }
0x24: {  	s3 =	sadd.s32 $0x88, s3;
	s6 =	simm.s32 @!p1 $0x1082;
	[sflag:s4] =	ssyncset.s32 $0xFFFFF086  }
0x25: {  	[simem:s6], [sflag:s4] =	dma.local [hbm:s3], $0xF7A  }
0x26: {  	[smem:$0x3F95] =	sst s1;
	(tag) =	ssettag s2;
	_ =	strace s9  }
0x27: {  	s1 =	sld [smem:$0x3FA5]  }
0x28: {  	s2 =	sld [smem:$0x3FA6]  }
0x29: {  	s4 =	sld [smem:$0x3FA8]  }
0x2a: {  	p0 =	seq.s32 s5, $0x0;
	s5 =	sld [smem:$0x3FA9]  }
0x2b: {  	s6 =	sld [smem:$0x3FAA]  }
0x2c: {  	s7 =	sld [smem:$0x3FAB]  }
0x2d: {  	s3 =	simm.s32 $0x108;
	s8 =	sld [smem:$0x3FAC]  }
0x2e: {  	s3 =	simm.s32 @!p0 $0x1082;
	s9 =	sld [smem:$0x3FAD]  }
0x2f: {  	lr =	sadd.s32 s0, s3;
	s0 =	sld [smem:$0x3FA4]  }
0x30: {  	s3 =	sld [smem:$0x3FA7]  }
0x31: {  	[smem:$0x3FB0] =	sst s10  }
0x32: {  	s10 =	sld [smem:$0x3FAE];
	_ =	sdelay $0x3  }
0x33: {  	p0 =	seq.s32 s10, $0x1;
	s10 =	sld [smem:$0x3FB0];
	_ =	sdelay $0x3  }
0x34: {  	[smem:$0x3FB0] =	sst s10  }
0x35: {  	s10 =	sld [smem:$0x3FAF];
	_ =	sdelay $0x3  }
0x36: {  	p1 =	seq.s32 s10, $0x1;
	s10 =	sld [smem:$0x3FB0];
	_ =	sdelay $0x3  }
0x37: {  	[smem:$0x3FB0] =	sst s10  }
0x38: {  	s10 =	sld [smem:$0x3FB1]  }
0x39: {  	_ = 	snop;
	(pc) =	sbr.ind lr, $3  }
0x3a: {  	_ = 	snop  }
0x3b: {  	_ = 	snop  }
0x3c: {  	p2 =	seq.s32 s10, $0x1;
	s10 =	sld [smem:$0x3FB0]  }
0x3d: {  	_ =	shalt  }
0x3e: {  	_ =	shalt  }
0x3f: {  	_ =	shalt  }
0x40: {  	_ =	shalt  }
0x41: {  	_ =	shalt  }
0x42: {  	_ =	shalt  }
0x43: {  	_ =	shalt  }
0x44: {  	_ =	shalt  }
0x45: {  	_ =	shalt  }
0x46: {  	_ =	shalt  }
0x47: {  	_ =	shalt  }
0x48: {  	_ =	shalt  }
0x49: {  	_ =	shalt  }
0x4a: {  	_ =	shalt  }
0x4b: {  	_ =	shalt  }
0x4c: {  	_ =	shalt  }
0x4d: {  	_ =	shalt  }
0x4e: {  	_ =	shalt  }
0x4f: {  	_ =	shalt  }
0x50: {  	_ =	shalt  }
0x51: {  	_ =	shalt  }
0x52: {  	_ =	shalt  }
0x53: {  	_ =	shalt  }
0x54: {  	_ =	shalt  }
0x55: {  	_ =	shalt  }
0x56: {  	_ =	shalt  }
0x57: {  	_ =	shalt  }
0x58: {  	_ =	shalt  }
0x59: {  	_ =	shalt  }
0x5a: {  	_ =	shalt  }
0x5b: {  	_ =	shalt  }
0x5c: {  	_ =	shalt  }
0x5d: {  	_ =	shalt  }
0x5e: {  	_ =	shalt  }
0x5f: {  	_ =	shalt  }
0x60: {  	_ =	shalt  }
0x61: {  	_ =	shalt  }
0x62: {  	_ =	shalt  }
0x63: {  	_ =	shalt  }
0x64: {  	_ =	shalt  }
0x65: {  	_ =	shalt  }
0x66: {  	_ =	shalt  }
0x67: {  	_ =	shalt  }
0x68: {  	_ =	shalt  }
0x69: {  	_ =	shalt  }
0x6a: {  	_ =	shalt  }
0x6b: {  	_ =	shalt  }
0x6c: {  	_ =	shalt  }
0x6d: {  	_ =	shalt  }
0x6e: {  	_ =	shalt  }
0x6f: {  	_ =	shalt  }
0x70: {  	_ =	shalt  }
0x71: {  	_ =	shalt  }
0x72: {  	_ =	shalt  }
0x73: {  	_ =	shalt  }
0x74: {  	_ =	shalt  }
0x75: {  	_ =	shalt  }
0x76: {  	_ =	shalt  }
0x77: {  	_ =	shalt  }
0x78: {  	_ =	shalt  }
0x79: {  	_ =	shalt  }
0x7a: {  	_ =	shalt  }
0x7b: {  	_ =	shalt  }
0x7c: {  	_ =	shalt  }
0x7d: {  	_ =	shalt  }
0x7e: {  	_ =	shalt  }
0x7f: {  	_ =	shalt  }
0x80: {  	_ =	shalt  }
0x81: {  	_ =	shalt  }
0x82: {  	_ =	shalt  }
0x83: {  	_ =	shalt  }
0x84: {  	_ =	shalt  }
0x85: {  	_ =	shalt  }
0x86: {  	_ =	shalt  }
0x87: {  	_ =	shalt  }
.Lfunc_end0:
.L_simem_size_0:
called_computation_lowered:
.L_overlay_start_0:
0x88: {  	s2 =	sld [smem:$0x3FD9]  }
0x89: {  	s3 =	sld [smem:$0x3FFE];
	_ =	sdelay $0x1  }
0x8a: {  	s1 =	srdreg.scid  }
0x8b: {  	s0 =	sand.u32 $0x1, s1  }
0x8c: {  	s16 =	sshll.u32 s0, $0xA;
	s2 =	sadd.s32 s3, s2  }
0x8d: {  	s2 =	sadd.s32 s2, s16  }
0x8e: {  	[smem:$0x3FBC] =	sst s2  }
0x8f: {  	_ = 	snop  }
0x90: {  	(tm) =	ssettm $0x1  }
0x91: {  	s17 =	sld [smem:$0x3FFB];
	_ =	sdelay $0x3  }
0x92: {  	_ =	strace s17  }
0x93: {  	s2 =	sld [smem:$0x3FFC];
	_ =	sdelay $0x3  }
0x94: {  	_ =	strace s2  }
0x95: {  	s2 =	sld [smem:$0x3FFD];
	_ =	sdelay $0x3  }
0x96: {  	_ =	strace s2  }
0x97: {  	_ =	strace $0x8FFFFFFF  }
0x98: {  	s18 =	sld [smem:$0x3FDB];
	_ =	sdelay $0x1  }
0x99: {  	s19 =	simm.s32 $_scs_section_size  }
0x9a: {  	s4 =	simm.s32 $_size__tile_overlayer_lowered;
	s5 =	simm.s32 $_tile_overlayer_lowered  }
0x9b: {  	s22 =	simm.s32 $0x1BFF;
	s21 =	sshll.u32 s5, $0x1;
	s2 =	sadd.s32 s19, s18  }
0x9c: {  	s6 =	simm.s32 $0x0;
	s20 =	sshll.u32 s4, $0x1;
	s4 =	sadd.s32 s21, s2  }
0x9d: {  	[timem:s6], [sflag:s22] =	dma.local [hbm:s4], s20  }
0x9e: {  	_ =	swait.ge [sflag:s22], s20  }
0x9f: {  	s3 =	ssub.s32 $0x0, s20;
	[sflag:s22] =	ssyncset.done $0x0  }
0xa0: {  	[sflag:s22] =	ssyncadd.s32 s3;
	_ =	sdelay $0x1  }
0xa1: {  	s23 =	simm.s32 $0x1B8B  }
0xa2: {  	_ =	swait.ge [sflag:s23], $0x1  }
0xa3: {  	[sflag:s23] =	ssyncset.done $0x0  }
0xa4: {  	s25 =	simm.s32 $0x1B8E;
	s24 =	sld [smem:$0x3FFE];
	[sflag:s23] =	ssyncadd.s32 $0xFFFFFFFF  }
0xa5: {  	s26 =	simm.s32 $execute0_lowered;
	[smem:$0x3FD2] =	sst s25  }
0xa6: {  	s4 =	sshll.u32 s26, $0x1;
	_ =	strace $0x80000046;
	[dreg:$0x1] =	wrdreg $0xFFFFFFFF  }
0xa7: {  	s28 =	simm.s32 $_size_execute0_lowered;
	s2 =	sadd.s32 s2, s4;
	[dreg:$0x0] =	wrdreg $0x0  }
0xa8: {  	s4 =	sshll.u32 s28, $0x1;
	[dreg:$0x2] =	wrdreg s2  }
0xa9: {  	[dreg:$0x3] =	wrdreg s4  }
0xaa: {  	[dreg:$0x4] =	wrdreg $0xC0  }
0xab: {  	_ =	task [dreg:s6], $0x5FFFF  }
0xac: {  	[dreg:$0x1] =	wrdreg $0xFFFFFFFF  }
0xad: {  	[dreg:$0x0] =	wrdreg $0x60  }
0xae: {  	[dreg:$0x2] =	wrdreg s24  }
0xaf: {  	[dreg:$0x3] =	wrdreg $0x0  }
0xb0: {  	[dreg:$0x4] =	wrdreg $0x9  }
0xb1: {  	_ =	task.clear_ibuf [dreg:s6], $0x5FFFF;
	_ =	strace $0x90000046  }
0xb2: {  	s29 =	simm.s32 $0x9;
	_ =	strace $0x80000048  }
0xb3: {  	_ =	swait.ge [sflag:s29], $0x1  }
0xb4: {  	[sflag:s29] =	ssyncadd.s32 $0xFFFFFFFF  }
0xb5: {  	_ =	strace $0x90000048  }
0xb6: {  	_ =	sfence  }
0xb7: {  	s30 =	sld [smem:$0x0];
	_ =	sdelay $0x2  }
0xb8: {  	s31 =	sshll.u32 s1, $0xD;
	s1 =	sshrl.u32 s1, $0x2  }
0xb9: {  	s3 =	sand.u32 $0x4000, s31;
	s1 =	sadd.s32 s1, s30  }
0xba: {  	s0 =	sor.u32 s3, s0;
	s1 =	sshll.u32 s1, $0x11  }
0xbb: {  	s0 =	sor.u32 s1, s0  }
0xbc: {  	s0 =	sadd.s32 $0x8F2B, s0  }
0xbd: {  	[sflag:s0] =	ssyncadd.remote.s32 $0x1  }
0xbe: {  	_ =	sfence.sel $0xFFFF  }
0xbf: {  	[dreg:$0x0] =	wrdreg $0xFFFFFFFF;
	(pc) =	sbr.abs _section_cstart, $3  }
0xc0: {  	[dreg:$0x1] =	wrdreg $0xFFFFFFFF  }
0xc1: {  	_ =	task.clear_ibuf [dreg:s6], $0x2FFFF;
	_ =	strace $0x9FFFFFFF  }
0xc2: {  	(tm) =	ssettm $0x7FFFFFFF  }
0xc3: {  	_ =	shalt  }
tec
execute0_lowered:
.L_overlay_start_1:
0x0: {  	(tag) =	ssettag $0x1  }
0x1: {  	s0 =	rddreg [dreg:$0x0];
	s1 =	srdreg.scid  }
0x2: {  	s23 =	stileid.u32;
	s2 =	rddreg [dreg:$0x1];
	s22 =	simm.s32 $0x15480  }
0x3: {  	s24 =	simm.s32 $0x15580;
	s28 =	simm.s32 $0x80;
	s29 =	simm.s32 $0x19C00  }
0x4: {  	s30 =	simm.s32 $0x15800;
	s31 =	simm.s32 $0x3;
	s4 =	smul.u32 $0x98, s23  }
0x5: {  	s1 =	sand.u32 $0x1, s1;
	s3 =	sshll.u32 s23, $0x3;
	s11 =	smul.u32 $0x14B80, s23  }
0x6: {  	s12 =	smul.u32 $0x55000, s23;
	p0 =	seq.s32 s1, $0x0;
	s5 =	sor.u32 $0x980, s3  }
0x7: {  	s3 =	simm.s32 $0x0;
	s6 =	ssub.s32 $0x2, s1;
	s1 =	smul.u32 $0x14C080, s1  }
0x8: {  	s5 =	smov.u32 @p0 s4;
	[smem:$0x7FF] =	sst s3;
	s4 =	sadd.s32 $0x1C00, s0  }
0x9: {  	s8 =	sshrl.u32 s6, $0x1;
	s18 =	sshrl.u32 s12, $0x2;
	s5 =	sshll.u32 s5, $0x5  }
0xa: {  	_ =	strace $0x80000047;
	s8 =	ssub.s32 s6, s8;
	s26 =	sadd.s32 s11, s1  }
0xb: {  	s1 =	sshrl.u32 s1, $0x3;
	s11 =	sadd.s32 s11, s2;
	[dreg:$0x6] =	wrdreg s22  }
0xc: {  	s13 =	sadd.s32 s18, s2;
	[dreg:$0x7] =	wrdreg s24;
	s22 =	simm.s32 $0x15500  }
0xd: {  	s7 =	sadd.s32 s5, s0;
	s0 =	sadd.s32 $0x3F600, s0;
	s5 =	simm.s32 $0x98  }
0xe: {  	s10 =	sshrl.u32 s26, $0x3;
	s8 =	smax.u32 s8, $0x1;
	s14 =	sadd.s32 $0x4400, s13  }
0xf: {  	s15 =	sadd.s32 $0x8800, s13;
	s16 =	sadd.s32 $0xCC00, s13;
	s17 =	sadd.s32 $0x11000, s13  }
0x10: {  	s26 =	simm.s32 $0x15780;
	s24 =	sshrl.u32 s11, $0x3;
	[dreg:$0xf] =	wrdreg s8  }
0x11: {  	s5 =	simm.s32 @!p0 $0x8;
	s9 =	sadd.s32 $0x2B620, s7;
	[dreg:$0x9] =	wrdreg s26  }
0x12: {  	s6 =	sadd.s32 $0x2B600, s7;
	s25 =	sadd.s32 $0x2B640, s7;
	[dreg:$0xa] =	wrdreg s9  }
0x13: {  	s7 =	sadd.s32 $0x2B660, s7;
	s10 =	sadd.s32 s0, s10;
	[dreg:$0xb] =	wrdreg s25  }
0x14: {  	s0 =	sadd.s32 s0, s1;
	p0 =	sne.s32 s23, $0xF;
	[dreg:$0xc] =	wrdreg s7  }
0x15: {  	s1 =	simm.s32 $0x1;
	[dreg:$0xd] =	wrdreg s10;
	s0 =	sadd.s32 $0x29700, s0  }
0x16: {  	s23 =	simm.s32 $0x4;
	s19 =	sadd.s32 $0xFFFFFFFA, s5;
	[dreg:$0xe] =	wrdreg s0  }
0x17: {  	s26 =	simm.s32 $0x0;
	s20 =	sadd.s32 $0xFFFFFFF9, s5;
	[dreg:$0x3] =	wrdreg s19  }
0x18: {  	s7 =	sadd.s32 $0x14B800, s2;
	s21 =	sshll.u32 s5, $0x5;
	[dreg:$0x4] =	wrdreg s20  }
0x19: {  	s18 =	sadd.s32 $0xFFFFFFFC, s5;
	s25 =	simm.s32 $0x15680;
	[dreg:$0x5] =	wrdreg s21  }
0x1a: {  	s19 =	sadd.s32 $0xFFFFFFFB, s5;
	s20 =	simm.s32 $0x15400;
	s21 =	simm.s32 $0x9  }
0x1b: {  	v0 =	vimm.f32 $0.0e+00;
	[dreg:$0x8] =	wrdreg s25;
	s25 =	sshrl.u32 @!p0 s7, $0x3;
	s0 =	simm.s32 $0x2  }
.LBB2_1:
0x1c: {  	[tilespmem:s20], [sflag:$0x9] =	stream.linear.gather [hbm4b:s6+s3], $0x100, $0x38;
	[tilespmem:$0x1E000] =	vst v63  }
0x1d: {  	_ =	swait.ge [sflag:s21], $0x100  }
0x1e: {  	[sflag:s21] =	ssyncset.done $0x0  }
0x1f: {  	s7 =	rddreg [dreg:$0xa];
	[sflag:s21] =	ssyncadd.s32 $0xFFFFFF00  }
0x20: {  	[tilespmem:s22], [sflag:$0x9] =	stream.linear.gather [hbm4b:s7+s3], $0x100, $0x38;
	[tilespmem:$0x1E000] =	vst v63  }
0x21: {  	_ =	swait.ge [sflag:s21], $0x100  }
0x22: {  	[sflag:s21] =	ssyncset.done $0x0  }
0x23: {  	s8 =	simm.s32 $0x15600;
	s10 =	rddreg [dreg:$0xb];
	[sflag:s21] =	ssyncadd.s32 $0xFFFFFF00  }
0x24: {  	[tilespmem:s8], [sflag:$0x7] =	stream.linear.gather [hbm4b:s10+s3], $0x100, $0x38;
	[tilespmem:$0x1E000] =	vst v63  }
0x25: {  	s12 =	simm.s32 $0x15700;
	s11 =	rddreg [dreg:$0xc]  }
0x26: {  	[tilespmem:s12], [sflag:$0x8] =	stream.linear.gather [hbm4b:s11+s3], $0x100, $0x38;
	[tilespmem:$0x1E000] =	vst v63  }
0x27: {  	s7 =	simm.s32 $0x0  }
0x28: {  	[tilespmem:s29], [sflag:$0x2] =	stream.indirect.gather [hbm4b:s4+s28], $0x88, s22, s28, $0xb8;
	[tilespmem:$0x1E000] =	vst v63  }
0x29: {  	s8 =	simm.s32 $0x220;
	[tilespmem:s7+$0x15870] =	vst v0  }
.LBB2_2:
0x2a: {  	p1 =	sne.s32 s8, $0x10DE0;
	[tilespmem:s7+$0x15878] =	vst v0  }
0x2b: {  	[tilespmem:s7+$0x15800] =	vst v0  }
0x2c: {  	[tilespmem:s7+$0x15810] =	vst v0  }
0x2d: {  	[tilespmem:s7+$0x15820] =	vst v0  }
.Ltmp0:
0x2e: {  	[tilespmem:s7+$0x15830] =	vst v0;
	(pc) =	sbr.rel @p1 .LBB2_2-.Ltmp0, $4  }
0x2f: {  	[tilespmem:s7+$0x15840] =	vst v0  }
0x30: {  	[tilespmem:s7+$0x15850] =	vst v0  }
0x31: {  	[tilespmem:s7+$0x15860] =	vst v0;
	s7 =	sshra.s32 s8, $0x2  }
0x32: {  	s8 =	sadd.s32 $0x220, s8;
	[tilespmem:s7+$0x15870] =	vst v0  }
0x33: {  	[tilespmem:s7+$0x15878] =	vst v0  }
0x34: {  	[tilespmem:s7+$0x15800] =	vst v0  }
0x35: {  	[tilespmem:s7+$0x15810] =	vst v0  }
0x36: {  	[tilespmem:s7+$0x15820] =	vst v0  }
0x37: {  	[tilespmem:s7+$0x15830] =	vst v0  }
0x38: {  	[tilespmem:s7+$0x15840] =	vst v0  }
0x39: {  	[tilespmem:s7+$0x15850] =	vst v0  }
0x3a: {  	[tilespmem:s7+$0x15860] =	vst v0  }
0x3b: {  	[spmem:s13] =	stream.linear.scatter [tilespmem:s30], [sflag:$0x3], $0x4400, $0x38;
	[tilespmem:$0x1E000] =	vst v63  }
0x3c: {  	_ = 	snop  }
0x3d: {  	[spmem:s14] =	stream.linear.scatter [tilespmem:s30], [sflag:$0x3], $0x4400, $0x38;
	[tilespmem:$0x1E000] =	vst v63  }
0x3e: {  	_ = 	snop  }
0x3f: {  	[spmem:s15] =	stream.linear.scatter [tilespmem:s30], [sflag:$0x3], $0x4400, $0x38;
	[tilespmem:$0x1E000] =	vst v63  }
0x40: {  	_ = 	snop  }
0x41: {  	[spmem:s16] =	stream.linear.scatter [tilespmem:s30], [sflag:$0x3], $0x4400, $0x38;
	[tilespmem:$0x1E000] =	vst v63  }
0x42: {  	_ = 	snop  }
0x43: {  	[spmem:s17] =	stream.linear.scatter [tilespmem:s30], [sflag:$0x3], $0x4400, $0x38;
	[tilespmem:$0x1E000] =	vst v63  }
0x44: {  	_ =	swait.ge [sflag:s31], $0x4400  }
0x45: {  	[sflag:s31] =	ssyncset.done $0x0  }
0x46: {  	[sflag:s31] =	ssyncadd.s32 $0xFFFFBC00  }
0x47: {  	_ =	swait.ge [sflag:s31], $0x4400  }
0x48: {  	[sflag:s31] =	ssyncset.done $0x0  }
0x49: {  	[sflag:s31] =	ssyncadd.s32 $0xFFFFBC00  }
0x4a: {  	_ =	swait.ge [sflag:s31], $0x4400  }
0x4b: {  	[sflag:s31] =	ssyncset.done $0x0  }
0x4c: {  	[sflag:s31] =	ssyncadd.s32 $0xFFFFBC00  }
0x4d: {  	_ =	swait.ge [sflag:s31], $0x4400  }
0x4e: {  	[sflag:s31] =	ssyncset.done $0x0  }
0x4f: {  	[sflag:s31] =	ssyncadd.s32 $0xFFFFBC00  }
0x50: {  	_ =	swait.ge [sflag:s31], $0x4400  }
0x51: {  	[sflag:s31] =	ssyncset.done $0x0  }
0x52: {  	[sflag:s31] =	ssyncadd.s32 $0xFFFFBC00  }
0x53: {  	[tilespmem:s30], [sflag:$0x1] =	stream.indirect.gather [hbm4b:s4+s28], $0x88, s20, s28, $0xb8;
	[tilespmem:$0x1E000] =	vst v63  }
0x54: {  	s7 =	simm.s32 $0x0;
	s8 =	simm.s32 $0x0;
	[bflag:$0x0] =	sbarrier.arrive $0xFFFF  }
.LBB2_4:
0x55: {  	_ =	swait.ge [sflag:s1], $0x4400  }
0x56: {  	s11 =	sadd.s32 $0x2, s7;
	[sflag:s1] =	ssyncset.done $0x0  }
0x57: {  	s9 =	rddreg [dreg:$0x6];
	p1 =	sge.u32 s11, s5;
	[sflag:s1] =	ssyncadd.s32 $0xFFFFBC00  }
0x58: {  	[spmem:s2] =	stream.indirect.scatter.add.f32 [tilespmem:s30], [sflag:$0x3], $0x88, s9, s28, $0xb8;
	[tilespmem:$0x1E000] =	vst v63  }
0x59: {  	s9 =	simm.s32 @!p1 $0x3  }
0x5a: {  	p2 =	sge.u32 @!p1 s7, s18;
	_ =	swait.ge @!p1 [sflag:s9], $0x4400  }
0x5b: {  	p2 =	por p2, p1;
	[sflag:s9] =	ssyncset.done @!p1 $0x0  }
0x5c: {  	[sflag:s9] =	ssyncadd.s32 @!p1 $0xFFFFBC00;
	s9 =	sadd.s32 @!p2 s8, s6  }
0x5d: {  	s10 =	simm.s32 @!p2 $0x0;
	s11 =	simm.s32 @!p2 $0x15400;
	s9 =	sadd.s32 @!p2 $0x80, s9  }
0x5e: {  	[tilespmem:s11], [sflag:$0x5] =	stream.linear.gather @!p2 [hbm4b:s9+s10], $0x100, $0x38;
	[tilespmem:$0x1E000] =	vst v63  }
0x5f: {  	s9 =	simm.s32 @!p1 $0x7  }
0x60: {  	_ =	swait.ge @!p1 [sflag:s9], $0x100  }
0x61: {  	s10 =	simm.s32 @!p1 $0x15600;
	[sflag:s9] =	ssyncset.done @!p1 $0x0  }
0x62: {  	s11 =	simm.s32 @!p1 $0x15800;
	[sflag:s9] =	ssyncadd.s32 @!p1 $0xFFFFFF00;
	s9 =	simm.s32 @!p1 $0x80  }
0x63: {  	[tilespmem:s11], [sflag:$0x1] =	stream.indirect.gather @!p1 [hbm4b:s4+s9], $0x88, s10, s9, $0xb8;
	[tilespmem:$0x1E000] =	vst v63  }
0x64: {  	s10 =	sadd.s32 $0x3, s7;
	_ =	swait.ge [sflag:s0], $0x4400  }
0x65: {  	p1 =	sge.u32 s10, s5;
	[sflag:s0] =	ssyncset.done $0x0  }
0x66: {  	s12 =	rddreg [dreg:$0x7];
	s9 =	simm.s32 @!p1 $0x4;
	[sflag:s0] =	ssyncadd.s32 $0xFFFFBC00  }
0x67: {  	[spmem:s2] =	stream.indirect.scatter.add.f32 [tilespmem:s29], [sflag:$0x4], $0x88, s12, s28, $0xb8;
	[tilespmem:$0x1E000] =	vst v63  }
0x68: {  	p2 =	sge.u32 @!p1 s7, s19;
	_ =	swait.ge @!p1 [sflag:s9], $0x4400  }
0x69: {  	p2 =	por p2, p1;
	[sflag:s9] =	ssyncset.done @!p1 $0x0  }
0x6a: {  	[sflag:s9] =	ssyncadd.s32 @!p1 $0xFFFFBC00;
	s9 =	sadd.s32 @!p2 s8, s6  }
0x6b: {  	s10 =	simm.s32 @!p2 $0x0;
	s11 =	simm.s32 @!p2 $0x15500;
	s9 =	sadd.s32 @!p2 $0xA0, s9  }
0x6c: {  	[tilespmem:s11], [sflag:$0x6] =	stream.linear.gather @!p2 [hbm4b:s9+s10], $0x100, $0x38;
	[tilespmem:$0x1E000] =	vst v63  }
0x6d: {  	s9 =	simm.s32 @!p1 $0x8  }
0x6e: {  	_ =	swait.ge @!p1 [sflag:s9], $0x100  }
0x6f: {  	s10 =	simm.s32 @!p1 $0x15700;
	[sflag:s9] =	ssyncset.done @!p1 $0x0  }
0x70: {  	s11 =	simm.s32 @!p1 $0x19C00;
	[sflag:s9] =	ssyncadd.s32 @!p1 $0xFFFFFF00;
	s9 =	simm.s32 @!p1 $0x80  }
0x71: {  	[tilespmem:s11], [sflag:$0x2] =	stream.indirect.gather @!p1 [hbm4b:s4+s9], $0x88, s10, s9, $0xb8;
	[tilespmem:$0x1E000] =	vst v63  }
0x72: {  	_ =	swait.ge [sflag:s1], $0x4400  }
0x73: {  	p1 =	sge.u32 s7, s18;
	[sflag:s1] =	ssyncset.done $0x0  }
0x74: {  	s9 =	simm.s32 @!p1 $0x3;
	s11 =	rddreg [dreg:$0x8];
	[sflag:s1] =	ssyncadd.s32 $0xFFFFBC00  }
0x75: {  	[spmem:s2] =	stream.indirect.scatter.add.f32 [tilespmem:s30], [sflag:$0x3], $0x88, s11, s28, $0xb8;
	[tilespmem:$0x1E000] =	vst v63  }
0x76: {  	_ =	swait.ge @!p1 [sflag:s9], $0x4400  }
0x77: {  	s10 =	rddreg [dreg:$0x3]  }
0x78: {  	p2 =	sge.u32 @!p1 s7, s10  }
0x79: {  	[sflag:s9] =	ssyncset.done @!p1 $0x0;
	p2 =	por p2, p1  }
0x7a: {  	[sflag:s9] =	ssyncadd.s32 @!p1 $0xFFFFBC00;
	s9 =	sadd.s32 @!p2 s8, s6  }
0x7b: {  	s10 =	simm.s32 @!p2 $0x0;
	s11 =	simm.s32 @!p2 $0x15600;
	s9 =	sadd.s32 @!p2 $0xC0, s9  }
0x7c: {  	[tilespmem:s11], [sflag:$0x7] =	stream.linear.gather @!p2 [hbm4b:s9+s10], $0x100, $0x38;
	[tilespmem:$0x1E000] =	vst v63  }
0x7d: {  	s9 =	simm.s32 @!p1 $0x5  }
0x7e: {  	_ =	swait.ge @!p1 [sflag:s9], $0x100  }
0x7f: {  	s10 =	simm.s32 @!p1 $0x15400;
	[sflag:s9] =	ssyncset.done @!p1 $0x0  }
0x80: {  	s11 =	simm.s32 @!p1 $0x15800;
	[sflag:s9] =	ssyncadd.s32 @!p1 $0xFFFFFF00;
	s9 =	simm.s32 @!p1 $0x80  }
0x81: {  	[tilespmem:s11], [sflag:$0x1] =	stream.indirect.gather @!p1 [hbm4b:s4+s9], $0x88, s10, s9, $0xb8;
	[tilespmem:$0x1E000] =	vst v63  }
0x82: {  	_ =	swait.ge [sflag:s0], $0x4400  }
0x83: {  	p1 =	sge.u32 s7, s19;
	[sflag:s0] =	ssyncset.done $0x0  }
0x84: {  	s9 =	simm.s32 @!p1 $0x4;
	s12 =	rddreg [dreg:$0x9];
	[sflag:s0] =	ssyncadd.s32 $0xFFFFBC00  }
0x85: {  	[spmem:s2] =	stream.indirect.scatter.add.f32 [tilespmem:s29], [sflag:$0x4], $0x88, s12, s28, $0xb8;
	[tilespmem:$0x1E000] =	vst v63  }
0x86: {  	_ =	swait.ge @!p1 [sflag:s9], $0x4400  }
0x87: {  	s10 =	rddreg [dreg:$0x4]  }
0x88: {  	p2 =	sge.u32 @!p1 s7, s10  }
0x89: {  	[sflag:s9] =	ssyncset.done @!p1 $0x0;
	p2 =	por p2, p1  }
0x8a: {  	[sflag:s9] =	ssyncadd.s32 @!p1 $0xFFFFBC00;
	s9 =	sadd.s32 @!p2 s8, s6  }
0x8b: {  	s10 =	simm.s32 @!p2 $0x0;
	s11 =	simm.s32 @!p2 $0x15700;
	s9 =	sadd.s32 @!p2 $0xE0, s9  }
0x8c: {  	[tilespmem:s11], [sflag:$0x8] =	stream.linear.gather @!p2 [hbm4b:s9+s10], $0x100, $0x38;
	[tilespmem:$0x1E000] =	vst v63  }
0x8d: {  	s9 =	simm.s32 @!p1 $0x6  }
0x8e: {  	s8 =	sadd.s32 $0x80, s8;
	_ =	swait.ge @!p1 [sflag:s9], $0x100  }
0x8f: {  	s10 =	simm.s32 @!p1 $0x15500;
	s11 =	simm.s32 @!p1 $0x19C00;
	[sflag:s9] =	ssyncset.done @!p1 $0x0  }
0x90: {  	s12 =	rddreg [dreg:$0x5];
	[sflag:s9] =	ssyncadd.s32 @!p1 $0xFFFFFF00;
	s9 =	simm.s32 @!p1 $0x80  }
0x91: {  	[tilespmem:s11], [sflag:$0x2] =	stream.indirect.gather @!p1 [hbm4b:s4+s9], $0x88, s10, s9, $0xb8;
	[tilespmem:$0x1E000] =	vst v63  }
0x92: {  	p1 =	sne.s32 s12, s8  }
.Ltmp1:
0x93: {  	_ = 	snop;
	(pc) =	sbr.rel @p1 .LBB2_4-.Ltmp1, $2  }
0x94: {  	_ =	sdelay $0x2  }
0x95: {  	s7 =	sadd.s32 $0x4, s7  }
0x96: {  	_ =	swait.ge [sflag:s31], $0x4400  }
0x97: {  	[sflag:s31] =	ssyncset.done $0x0  }
0x98: {  	[sflag:s31] =	ssyncadd.s32 $0xFFFFBC00  }
0x99: {  	_ =	swait.ge [sflag:s23], $0x4400  }
0x9a: {  	[sflag:s23] =	ssyncset.done $0x0  }
0x9b: {  	s7 =	stileid.u32;
	[sflag:s23] =	ssyncadd.s32 $0xFFFFBC00  }
0x9c: {  	s7 =	sshll.u32 s7, $0x6;
	[bflag:$0x0] =	sbarrier.arrive $0xFFFF  }
0x9d: {  	s7 =	sor.u32 $0x1C09, s7;
	s8 =	rddreg [dreg:$0xd]  }
0x9e: {  	[hbm:s8], [sflag:s7] =	dma.local [spmem:s24], $0x2970  }
0x9f: {  	_ =	swait.ge [sflag:s21], $0x2970  }
0xa0: {  	[sflag:s21] =	ssyncset.done $0x0  }
0xa1: {  	s8 =	rddreg [dreg:$0xe];
	[sflag:s21] =	ssyncadd.s32 $0xFFFFD690  }
0xa2: {  	[hbm:s8], [sflag:s7] =	dma.local @!p0 [spmem:s25], $0x110  }
0xa3: {  	s7 =	simm.s32 @!p0 $0x9  }
0xa4: {  	_ =	swait.ge @!p0 [sflag:s7], $0x110  }
0xa5: {  	s26 =	sadd.s32 $0x1, s26;
	s12 =	rddreg [dreg:$0xf]  }
0xa6: {  	p1 =	sne.s32 s26, s12  }
.Ltmp2:
0xa7: {  	_ = 	snop;
	(pc) =	sbr.rel @p1 .LBB2_1-.Ltmp2, $3  }
0xa8: {  	_ =	sdelay $0x1  }
0xa9: {  	[sflag:s7] =	ssyncset.done @!p0 $0x0  }
0xaa: {  	[sflag:s7] =	ssyncadd.s32 @!p0 $0xFFFFFEF0  }
0xab: {  	_ =	sfence.sel $0x180000  }
0xac: {  	[bflag:$0x0] =	sbarrier.arrive $0xFFFF  }
0xad: {  	_ =	strace $0x90000047  }
0xae: {  	s0 =	stileid.u32;
	[bflag:$0x2] =	sbarrier.arrive $0xFFFF  }
0xaf: {  	p0 =	sne.s32 s0, $0x0;
	s0 =	rddreg [dreg:$0x2]  }
0xb0: {  	s0 =	sadd.s32 @!p0 $0x100000, s0  }
0xb1: {  	[sflag:s0] =	ssyncadd.tile.s32 @!p0 $0x1;
	_ =	shalt  }
.Lfunc_end2:
_tile_overlayer_lowered:
.L_overlay_start_2:
0xb2: {  	(tag) =	ssettag $0x2  }
0xb3: {  	s0 =	rddreg [dreg:$0x0];
	s2 =	stileid.u32  }
0xb4: {  	s1 =	rddreg [dreg:$0x1];
	p0 =	sne.s32 s2, $0x0  }
0xb5: {  	s3 =	rddreg [dreg:$0x2];
	[bflag:$0x3] =	sbarrier.arrive $0xFFFF;
	s2 =	simm.s32 @!p0 $0x1C09  }
0xb6: {  	[timem:s3], [sflag:s2] =	dma.local @!p0 [hbm:s0], s1  }
0xb7: {  	s0 =	simm.s32 @!p0 $0x9  }
0xb8: {  	_ =	swait.ge @!p0 [sflag:s0], s1  }
0xb9: {  	s1 =	ssub.s32 @!p0 $0x0, s1;
	[sflag:s0] =	ssyncset.done @!p0 $0x0  }
0xba: {  	[sflag:s0] =	ssyncadd.s32 @!p0 s1  }
0xbb: {  	[bflag:$0x3] =	sbarrier.arrive $0xFFFF  }
0xbc: {  	_ =	shalt  }

</sc_bundles>
